<compile_context>
chip_gen: v7x
topology: tpu7x:2x2x1
jax: 0.10.2.dev20260603
libtpu: 0.0.44.dev20260713+nightly
codegen_flags: <defaults>
</compile_context>

<pallas_src>
import functools

import jax
import jax.numpy as jnp
from jax import lax
from jax.experimental import pallas as pl
from jax.experimental.pallas import tpu as pltpu
from jax.experimental.pallas import tpu_sc as plsc

_NUM_BINS = 20
_THRESHOLD = 0.1
_LANES = 16
_NCORES = 2
_NSUB = 16
_NW = _NCORES * _NSUB
_NROWS = 4096
_NCOLS = 4096
_TC_ROWS = 1024
_SC_ROWS = _NROWS - _TC_ROWS
_ROWS_W = _SC_ROWS // _NW
_CHUNK_ROWS = 8
_NCHUNK = _ROWS_W // _CHUNK_ROWS
_VPC = _CHUNK_ROWS * _NCOLS // _LANES
_VPR = _NCOLS // _LANES
_PAD_BINS = 32


def _sc_hist_body(img, out, buf0, buf1, hist, partials, sem0, sem1):
    wid = lax.axis_index("s") * _NCORES + lax.axis_index("c")
    row0 = wid * _ROWS_W

    zeros = jnp.zeros((_LANES,), jnp.float32)
    for b in range(_NUM_BINS + 1):
        hist[pl.ds(b * _LANES, _LANES)] = zeros
    lane = lax.iota(jnp.int32, _LANES)
    ones = jnp.ones((_LANES,), jnp.float32)

    _NBUF = 2
    sems = (sem0, sem1)
    bufs = (buf0, buf1)
    cps = [None] * _NBUF
    for g in range(_NBUF - 1):
        cps[g] = pltpu.async_copy(
            img.at[pl.ds(row0 + g * _CHUNK_ROWS, _CHUNK_ROWS)],
            bufs[g],
            sems[g],
        )
    for g in range(_NCHUNK):
        cur = g % _NBUF
        if g + _NBUF - 1 < _NCHUNK:
            nxt = (g + _NBUF - 1) % _NBUF
            cps[nxt] = pltpu.async_copy(
                img.at[
                    pl.ds(row0 + (g + _NBUF - 1) * _CHUNK_ROWS, _CHUNK_ROWS)
                ],
                bufs[nxt],
                sems[nxt],
            )
        cps[cur].wait()
        bufg = bufs[cur]

        @plsc.parallel_loop(0, _VPC, unroll=8)
        def _bin_vreg(i):
            r = i // _VPR
            c = (i % _VPR) * _LANES
            v = bufg[r, pl.ds(c, _LANES)]
            fine = (v * jnp.float32(_NUM_BINS * _LANES)).astype(jnp.int32)
            addr = (fine & jnp.int32(~(_LANES - 1))) | lane
            plsc.addupdate_scatter(hist, [addr], ones)

    v0 = zeros
    for b in range(_LANES):
        v0 = jnp.where(lane == b, jnp.sum(hist[pl.ds(b * _LANES, _LANES)]), v0)
    v1 = zeros
    for b in range(_LANES, _NUM_BINS):
        v1 = jnp.where(
            lane == (b - _LANES), jnp.sum(hist[pl.ds(b * _LANES, _LANES)]), v1
        )
    partials[pl.ds(0, _LANES)] = v0
    partials[pl.ds(_LANES, _LANES)] = v1
    pltpu.sync_copy(partials, out.at[wid])


_sc_hist = functools.partial(
    pl.kernel,
    out_type=jax.ShapeDtypeStruct((_NW, _PAD_BINS), jnp.float32),
    mesh=plsc.VectorSubcoreMesh(core_axis_name="c", subcore_axis_name="s"),
    compiler_params=pltpu.CompilerParams(needs_layout_passes=False),
    scratch_types=[
        pltpu.VMEM((_CHUNK_ROWS, _NCOLS), jnp.float32),
        pltpu.VMEM((_CHUNK_ROWS, _NCOLS), jnp.float32),
        pltpu.VMEM(((_NUM_BINS + 1) * _LANES,), jnp.float32),
        pltpu.VMEM((_PAD_BINS,), jnp.float32),
        pltpu.SemaphoreType.DMA,
        pltpu.SemaphoreType.DMA,
    ],
)(_sc_hist_body)


_TC_BLK = 256


def _tc_hist_body(x_ref, o_ref):
    i = pl.program_id(0)
    p = x_ref[...] * jnp.float32(_NUM_BINS)
    lanes = lax.broadcasted_iota(jnp.int32, (1, _PAD_BINS), 1)
    n_blk = jnp.float32(_TC_BLK * _NCOLS)
    acc = jnp.where(lanes == 0, n_blk, jnp.float32(0.0))
    for b in range(1, _NUM_BINS):
        s = jnp.sum(jnp.where(p >= jnp.float32(b), 1.0, 0.0))
        acc = acc + jnp.where(lanes == b, s, 0.0)
        acc = acc - jnp.where(lanes == b - 1, s, 0.0)

    @pl.when(i == 0)
    def _init():
        o_ref[...] = acc

    @pl.when(i > 0)
    def _accum():
        o_ref[...] += acc


_tc_hist = pl.pallas_call(
    _tc_hist_body,
    grid=(_TC_ROWS // _TC_BLK,),
    in_specs=[
        pl.BlockSpec(
            (_TC_BLK, _NCOLS), lambda i: (_SC_ROWS // _TC_BLK + i, 0)
        )
    ],
    out_specs=pl.BlockSpec((1, _PAD_BINS), lambda i: (0, 0)),
    out_shape=jax.ShapeDtypeStruct((1, _PAD_BINS), jnp.float32),
)


def _finalize_body(parts_ref, tc_ref, mean_ref, std_ref, score_ref, flag_ref):
    parts = parts_ref[...]
    h = jnp.sum(parts, axis=0, keepdims=True) + tc_ref[...]
    total = jnp.sum(h) + jnp.float32(1e-6)
    h20 = h[:, :_NUM_BINS]
    z = (h20 / total - mean_ref[...]) / std_ref[...]
    score = jnp.max(jnp.abs(z))
    score_ref[0, 0] = score
    flag_ref[0, 0] = (score > jnp.float32(_THRESHOLD)).astype(jnp.int32)


_finalize = pl.pallas_call(
    _finalize_body,
    out_shape=(
        jax.ShapeDtypeStruct((1, 1), jnp.float32),
        jax.ShapeDtypeStruct((1, 1), jnp.int32),
    ),
    out_specs=(
        pl.BlockSpec(memory_space=pltpu.SMEM),
        pl.BlockSpec(memory_space=pltpu.SMEM),
    ),
)


def kernel(depth_image, mean_histogram, std_histogram):
    parts = _sc_hist(depth_image)
    tc_part = _tc_hist(depth_image)
    mean2 = mean_histogram.reshape(1, _NUM_BINS)
    std2 = std_histogram.reshape(1, _NUM_BINS)
    score, flag = _finalize(parts, tc_part, mean2, std2)
    return (flag.reshape(()).astype(jnp.bool_), score.reshape(()))

# --- scband reference (transcript-rebuilt; emitter-appended) ---
"""Pipeline reference for scband-anomaly-detector-62826781606495 (READ-ONLY COPY).

The authoritative reference and input builder live on the scoring server;
editing this copy changes nothing except your own understanding.
"""

import jax, jax.numpy as jnp
import numpy as np

NUM_BINS = 20
THRESHOLD = 0.1


def setup_inputs(seed: int = 0) -> dict:
    key = jax.random.key(seed)
    k1, k2, k3 = jax.random.split(key, 3)
    depth_image = jax.random.uniform(k1, (4096, 4096), dtype=jnp.float32)
    # calibrated buffers (stand-ins for registered buffers after calibrate())
    mean_histogram = jax.nn.softmax(jax.random.normal(k2, (NUM_BINS,), dtype=jnp.float32))
    std_histogram = jnp.abs(jax.random.normal(k3, (NUM_BINS,), dtype=jnp.float32)) * 0.01 + 1e-06
    return {"depth_image": depth_image, "mean_histogram": mean_histogram, "std_histogram": std_histogram}


def _histc_01(x, num_bins):
    # torch.histc(x, bins=num_bins, min=0, max=1); values in [0,1], value==1 goes to last bin
    flat = x.reshape(-1)
    idx = jnp.clip(jnp.floor(flat * num_bins).astype(jnp.int32), 0, num_bins - 1)
    # ignore out-of-range values like torch.histc does
    in_range = (flat >= 0.0) & (flat <= 1.0)
    ones = jnp.where(in_range, 1.0, 0.0).astype(jnp.float32)
    hist = jnp.zeros((num_bins,), dtype=jnp.float32).at[idx].add(ones)
    return hist


def reference(depth_image, mean_histogram, std_histogram):
    hist = _histc_01(depth_image, NUM_BINS)
    hist = hist / (hist.sum() + 1e-06)
    z_scores = (hist - mean_histogram) / std_histogram
    anomaly_score = jnp.max(jnp.abs(z_scores))
    is_anomaly = anomaly_score > THRESHOLD
    return (is_anomaly, anomaly_score)

if __name__ == "__main__":
    import jax
    _d = setup_inputs()
    print(jax.jit(kernel)(*tuple(_d.values())))

</pallas_src>

<mosaic_0001>
#map = affine_map<(d0, d1) -> (0, 0)>
module attributes {stable_mosaic.version = 14 : i64} {
  func.func @_sc_hist_body(%arg0: i32, %arg1: i32, %arg2: memref<4096x4096xf32, #tpu.memory_space<hbm>>, %arg3: memref<32x32xf32, #tpu.memory_space<hbm>>, %arg4: memref<8x4096xf32, #tpu.memory_space<vmem>>, %arg5: memref<8x4096xf32, #tpu.memory_space<vmem>>, %arg6: memref<336xf32, #tpu.memory_space<vmem>>, %arg7: memref<32xf32, #tpu.memory_space<vmem>>, %arg8: memref<!tpu.dma_semaphore, #tpu.memory_space<semaphore_mem>>, %arg9: memref<!tpu.dma_semaphore, #tpu.memory_space<semaphore_mem>>) attributes {dimension_semantics = [#tpu.dimension_semantics<core_parallel>, #tpu.dimension_semantics<subcore_parallel>], iteration_bounds = array<i64: 2, 16>, scalar_prefetch = 0 : i64, scratch_operands = 6 : i64, tpu.core_type = #tpu.core_type<sc_vector_subcore>, window_params = [{transform_indices = #map}, {transform_indices = #map}]} {
    %mul3A = arith.constant 2 : i32
    %mul3A_0 = arith.muli %arg1, %mul3A : i32
    %add3A = arith.addi %mul3A_0, %arg0 : i32
    %mul3A_1 = arith.constant 96 : i32
    %mul3A_2 = arith.muli %add3A, %mul3A_1 : i32
    %broadcast_in_dim3A = arith.constant 0.000000e+00 : f32
    %broadcast_in_dim3A_3 = vector.broadcast %broadcast_in_dim3A : f32 to vector<16xf32>
    %swap3A = arith.constant 0 : index
    %swap3A_4 = tpu.vector_load %arg6[%swap3A] {strides = array<i32>} : memref<336xf32, #tpu.memory_space<vmem>>, vector<16xf32>,
    tpu.vector_store %arg6[%swap3A], %broadcast_in_dim3A_3 {strides = array<i32>} : memref<336xf32, #tpu.memory_space<vmem>>, vector<16xf32>,
    %swap3A_5 = arith.constant 16 : index
    %swap3A_6 = tpu.vector_load %arg6[%swap3A_5] {strides = array<i32>} : memref<336xf32, #tpu.memory_space<vmem>>, vector<16xf32>,
    tpu.vector_store %arg6[%swap3A_5], %broadcast_in_dim3A_3 {strides = array<i32>} : memref<336xf32, #tpu.memory_space<vmem>>, vector<16xf32>,
    %swap3A_7 = arith.constant 32 : index
    %swap3A_8 = tpu.vector_load %arg6[%swap3A_7] {strides = array<i32>} : memref<336xf32, #tpu.memory_space<vmem>>, vector<16xf32>,
    tpu.vector_store %arg6[%swap3A_7], %broadcast_in_dim3A_3 {strides = array<i32>} : memref<336xf32, #tpu.memory_space<vmem>>, vector<16xf32>,
    %swap3A_9 = arith.constant 48 : index
    %swap3A_10 = tpu.vector_load %arg6[%swap3A_9] {strides = array<i32>} : memref<336xf32, #tpu.memory_space<vmem>>, vector<16xf32>,
    tpu.vector_store %arg6[%swap3A_9], %broadcast_in_dim3A_3 {strides = array<i32>} : memref<336xf32, #tpu.memory_space<vmem>>, vector<16xf32>,
    %swap3A_11 = arith.constant 64 : index
    %swap3A_12 = tpu.vector_load %arg6[%swap3A_11] {strides = array<i32>} : memref<336xf32, #tpu.memory_space<vmem>>, vector<16xf32>,
    tpu.vector_store %arg6[%swap3A_11], %broadcast_in_dim3A_3 {strides = array<i32>} : memref<336xf32, #tpu.memory_space<vmem>>, vector<16xf32>,
    %swap3A_13 = arith.constant 80 : index
    %swap3A_14 = tpu.vector_load %arg6[%swap3A_13] {strides = array<i32>} : memref<336xf32, #tpu.memory_space<vmem>>, vector<16xf32>,
    tpu.vector_store %arg6[%swap3A_13], %broadcast_in_dim3A_3 {strides = array<i32>} : memref<336xf32, #tpu.memory_space<vmem>>, vector<16xf32>,
    %swap3A_15 = arith.constant 96 : index
    %swap3A_16 = tpu.vector_load %arg6[%swap3A_15] {strides = array<i32>} : memref<336xf32, #tpu.memory_space<vmem>>, vector<16xf32>,
    tpu.vector_store %arg6[%swap3A_15], %broadcast_in_dim3A_3 {strides = array<i32>} : memref<336xf32, #tpu.memory_space<vmem>>, vector<16xf32>,
    %swap3A_17 = arith.constant 112 : index
    %swap3A_18 = tpu.vector_load %arg6[%swap3A_17] {strides = array<i32>} : memref<336xf32, #tpu.memory_space<vmem>>, vector<16xf32>,
    tpu.vector_store %arg6[%swap3A_17], %broadcast_in_dim3A_3 {strides = array<i32>} : memref<336xf32, #tpu.memory_space<vmem>>, vector<16xf32>,
    %swap3A_19 = arith.constant 128 : index
    %swap3A_20 = tpu.vector_load %arg6[%swap3A_19] {strides = array<i32>} : memref<336xf32, #tpu.memory_space<vmem>>, vector<16xf32>,
    tpu.vector_store %arg6[%swap3A_19], %broadcast_in_dim3A_3 {strides = array<i32>} : memref<336xf32, #tpu.memory_space<vmem>>, vector<16xf32>,
    %swap3A_21 = arith.constant 144 : index
    %swap3A_22 = tpu.vector_load %arg6[%swap3A_21] {strides = array<i32>} : memref<336xf32, #tpu.memory_space<vmem>>, vector<16xf32>,
    tpu.vector_store %arg6[%swap3A_21], %broadcast_in_dim3A_3 {strides = array<i32>} : memref<336xf32, #tpu.memory_space<vmem>>, vector<16xf32>,
    %swap3A_23 = arith.constant 160 : index
    %swap3A_24 = tpu.vector_load %arg6[%swap3A_23] {strides = array<i32>} : memref<336xf32, #tpu.memory_space<vmem>>, vector<16xf32>,
    tpu.vector_store %arg6[%swap3A_23], %broadcast_in_dim3A_3 {strides = array<i32>} : memref<336xf32, #tpu.memory_space<vmem>>, vector<16xf32>,
    %swap3A_25 = arith.constant 176 : index
    %swap3A_26 = tpu.vector_load %arg6[%swap3A_25] {strides = array<i32>} : memref<336xf32, #tpu.memory_space<vmem>>, vector<16xf32>,
    tpu.vector_store %arg6[%swap3A_25], %broadcast_in_dim3A_3 {strides = array<i32>} : memref<336xf32, #tpu.memory_space<vmem>>, vector<16xf32>,
    %swap3A_27 = arith.constant 192 : index
    %swap3A_28 = tpu.vector_load %arg6[%swap3A_27] {strides = array<i32>} : memref<336xf32, #tpu.memory_space<vmem>>, vector<16xf32>,
    tpu.vector_store %arg6[%swap3A_27], %broadcast_in_dim3A_3 {strides = array<i32>} : memref<336xf32, #tpu.memory_space<vmem>>, vector<16xf32>,
    %swap3A_29 = arith.constant 208 : index
    %swap3A_30 = tpu.vector_load %arg6[%swap3A_29] {strides = array<i32>} : memref<336xf32, #tpu.memory_space<vmem>>, vector<16xf32>,
    tpu.vector_store %arg6[%swap3A_29], %broadcast_in_dim3A_3 {strides = array<i32>} : memref<336xf32, #tpu.memory_space<vmem>>, vector<16xf32>,
    %swap3A_31 = arith.constant 224 : index
    %swap3A_32 = tpu.vector_load %arg6[%swap3A_31] {strides = array<i32>} : memref<336xf32, #tpu.memory_space<vmem>>, vector<16xf32>,
    tpu.vector_store %arg6[%swap3A_31], %broadcast_in_dim3A_3 {strides = array<i32>} : memref<336xf32, #tpu.memory_space<vmem>>, vector<16xf32>,
    %swap3A_33 = arith.constant 240 : index
    %swap3A_34 = tpu.vector_load %arg6[%swap3A_33] {strides = array<i32>} : memref<336xf32, #tpu.memory_space<vmem>>, vector<16xf32>,
    tpu.vector_store %arg6[%swap3A_33], %broadcast_in_dim3A_3 {strides = array<i32>} : memref<336xf32, #tpu.memory_space<vmem>>, vector<16xf32>,
    %swap3A_35 = arith.constant 256 : index
    %swap3A_36 = tpu.vector_load %arg6[%swap3A_35] {strides = array<i32>} : memref<336xf32, #tpu.memory_space<vmem>>, vector<16xf32>,
    tpu.vector_store %arg6[%swap3A_35], %broadcast_in_dim3A_3 {strides = array<i32>} : memref<336xf32, #tpu.memory_space<vmem>>, vector<16xf32>,
    %swap3A_37 = arith.constant 272 : index
    %swap3A_38 = tpu.vector_load %arg6[%swap3A_37] {strides = array<i32>} : memref<336xf32, #tpu.memory_space<vmem>>, vector<16xf32>,
    tpu.vector_store %arg6[%swap3A_37], %broadcast_in_dim3A_3 {strides = array<i32>} : memref<336xf32, #tpu.memory_space<vmem>>, vector<16xf32>,
    %swap3A_39 = arith.constant 288 : index
    %swap3A_40 = tpu.vector_load %arg6[%swap3A_39] {strides = array<i32>} : memref<336xf32, #tpu.memory_space<vmem>>, vector<16xf32>,
    tpu.vector_store %arg6[%swap3A_39], %broadcast_in_dim3A_3 {strides = array<i32>} : memref<336xf32, #tpu.memory_space<vmem>>, vector<16xf32>,
    %swap3A_41 = arith.constant 304 : index
    %swap3A_42 = tpu.vector_load %arg6[%swap3A_41] {strides = array<i32>} : memref<336xf32, #tpu.memory_space<vmem>>, vector<16xf32>,
    tpu.vector_store %arg6[%swap3A_41], %broadcast_in_dim3A_3 {strides = array<i32>} : memref<336xf32, #tpu.memory_space<vmem>>, vector<16xf32>,
    %swap3A_43 = arith.constant 320 : index
    %swap3A_44 = tpu.vector_load %arg6[%swap3A_43] {strides = array<i32>} : memref<336xf32, #tpu.memory_space<vmem>>, vector<16xf32>,
    tpu.vector_store %arg6[%swap3A_43], %broadcast_in_dim3A_3 {strides = array<i32>} : memref<336xf32, #tpu.memory_space<vmem>>, vector<16xf32>,
    %iota3A = tpu.iota {dimensions = array<i32: 0>} : vector<16xi32>
    %broadcast_in_dim3A_45 = arith.constant 1.000000e+00 : f32
    %broadcast_in_dim3A_46 = vector.broadcast %broadcast_in_dim3A_45 : f32 to vector<16xf32>
    %add3A_47 = arith.constant 0 : i32
    %add3A_48 = arith.addi %mul3A_2, %add3A_47 : i32
    %dma_start3A = arith.constant 0 : i32
    %dma_start3A_49 = tpu.memref_slice %arg2[%add3A_48, %dma_start3A] : memref<4096x4096xf32, #tpu.memory_space<hbm>> -> memref<8x4096xf32, #tpu.memory_space<hbm>>
    %dma_start3A_50 = arith.constant 0 : i32
    %dma_start3A_51 = tpu.memref_slice %arg2[%add3A_48, %dma_start3A_50] : memref<4096x4096xf32, #tpu.memory_space<hbm>> -> memref<8x4096xf32, #tpu.memory_space<hbm>>
    tpu.enqueue_dma source(%dma_start3A_51 : memref<8x4096xf32, #tpu.memory_space<hbm>>) target(%arg4 : memref<8x4096xf32, #tpu.memory_space<vmem>>) target_semaphore(%arg8 : memref<!tpu.dma_semaphore, #tpu.memory_space<semaphore_mem>>)
    %add3A_52 = arith.constant 8 : i32
    %add3A_53 = arith.addi %mul3A_2, %add3A_52 : i32
    %dma_start3A_54 = arith.constant 0 : i32
    %dma_start3A_55 = tpu.memref_slice %arg2[%add3A_53, %dma_start3A_54] : memref<4096x4096xf32, #tpu.memory_space<hbm>> -> memref<8x4096xf32, #tpu.memory_space<hbm>>
    %dma_start3A_56 = arith.constant 0 : i32
    %dma_start3A_57 = tpu.memref_slice %arg2[%add3A_53, %dma_start3A_56] : memref<4096x4096xf32, #tpu.memory_space<hbm>> -> memref<8x4096xf32, #tpu.memory_space<hbm>>
    tpu.enqueue_dma source(%dma_start3A_57 : memref<8x4096xf32, #tpu.memory_space<hbm>>) target(%arg5 : memref<8x4096xf32, #tpu.memory_space<vmem>>) target_semaphore(%arg9 : memref<!tpu.dma_semaphore, #tpu.memory_space<semaphore_mem>>)
    %dma_wait3A = arith.constant 0 : i32
    %dma_wait3A_58 = tpu.memref_slice %arg2[%add3A_48, %dma_wait3A] : memref<4096x4096xf32, #tpu.memory_space<hbm>> -> memref<8x4096xf32, #tpu.memory_space<hbm>>
    %dma_wait3A_59 = arith.constant 0 : i32
    %dma_wait3A_60 = tpu.memref_slice %arg2[%add3A_48, %dma_wait3A_59] : memref<4096x4096xf32, #tpu.memory_space<hbm>> -> memref<8x4096xf32, #tpu.memory_space<hbm>>
    tpu.wait_dma2 semaphore(%arg8 : memref<!tpu.dma_semaphore, #tpu.memory_space<semaphore_mem>>) src(%dma_wait3A_60 : memref<8x4096xf32, #tpu.memory_space<hbm>>) dst(%arg4 : memref<8x4096xf32, #tpu.memory_space<vmem>>)
    %parallel_loop3A = arith.constant 0 : i32
    %parallel_loop3A_61 = arith.constant 2048 : i32
    %parallel_loop3A_62 = arith.constant 1 : i32
    scf.for %parallel_loop3A_420 = %parallel_loop3A to %parallel_loop3A_61 step %parallel_loop3A_62  : i32 {
      %parallel_loop3A_421 = arith.constant 256 : i32
      %parallel_loop3A_422 = arith.divsi %parallel_loop3A_420, %parallel_loop3A_421 : i32
      %parallel_loop3A_423 = arith.constant 0 : i32
      %parallel_loop3A_424 = arith.cmpi sgt, %parallel_loop3A_420, %parallel_loop3A_423 : i32
      %parallel_loop3A_425 = arith.extui %parallel_loop3A_424 : i1 to i32
      %parallel_loop3A_426 = arith.constant 0 : i32
      %parallel_loop3A_427 = arith.cmpi slt, %parallel_loop3A_420, %parallel_loop3A_426 : i32
      %parallel_loop3A_428 = arith.extui %parallel_loop3A_427 : i1 to i32
      %parallel_loop3A_429 = arith.subi %parallel_loop3A_425, %parallel_loop3A_428 : i32
      %parallel_loop3A_430 = arith.constant 0 : i32
      %parallel_loop3A_431 = arith.cmpi sgt, %parallel_loop3A_421, %parallel_loop3A_430 : i32
      %parallel_loop3A_432 = arith.extui %parallel_loop3A_431 : i1 to i32
      %parallel_loop3A_433 = arith.constant 0 : i32
      %parallel_loop3A_434 = arith.cmpi slt, %parallel_loop3A_421, %parallel_loop3A_433 : i32
      %parallel_loop3A_435 = arith.extui %parallel_loop3A_434 : i1 to i32
      %parallel_loop3A_436 = arith.subi %parallel_loop3A_432, %parallel_loop3A_435 : i32
      %parallel_loop3A_437 = arith.cmpi ne, %parallel_loop3A_429, %parallel_loop3A_436 : i32
      %parallel_loop3A_438 = arith.remsi %parallel_loop3A_420, %parallel_loop3A_421 : i32
      %parallel_loop3A_439 = arith.constant 0 : i32
      %parallel_loop3A_440 = arith.cmpi ne, %parallel_loop3A_438, %parallel_loop3A_439 : i32
      %parallel_loop3A_441 = arith.andi %parallel_loop3A_437, %parallel_loop3A_440 : i1
      %parallel_loop3A_442 = arith.constant 1 : i32
      %parallel_loop3A_443 = arith.subi %parallel_loop3A_422, %parallel_loop3A_442 : i32
      %parallel_loop3A_444 = arith.select %parallel_loop3A_441, %parallel_loop3A_443, %parallel_loop3A_422 : i32
      %parallel_loop3A_445 = arith.constant 256 : i32
      %parallel_loop3A_446 = arith.constant 0 : i32
      %parallel_loop3A_447 = arith.cmpi eq, %parallel_loop3A_445, %parallel_loop3A_446 : i32
      %parallel_loop3A_448 = arith.constant 1 : i32
      %parallel_loop3A_449 = arith.select %parallel_loop3A_447, %parallel_loop3A_448, %parallel_loop3A_445 : i32
      %parallel_loop3A_450 = arith.remsi %parallel_loop3A_420, %parallel_loop3A_449 : i32
      %parallel_loop3A_451 = arith.constant 0 : i32
      %parallel_loop3A_452 = arith.cmpi ne, %parallel_loop3A_450, %parallel_loop3A_451 : i32
      %parallel_loop3A_453 = arith.constant 0 : i32
      %parallel_loop3A_454 = arith.cmpi slt, %parallel_loop3A_450, %parallel_loop3A_453 : i32
      %parallel_loop3A_455 = arith.constant 0 : i32
      %parallel_loop3A_456 = arith.cmpi slt, %parallel_loop3A_449, %parallel_loop3A_455 : i32
      %parallel_loop3A_457 = arith.xori %parallel_loop3A_454, %parallel_loop3A_456 : i1
      %parallel_loop3A_458 = arith.andi %parallel_loop3A_457, %parallel_loop3A_452 : i1
      %parallel_loop3A_459 = arith.addi %parallel_loop3A_450, %parallel_loop3A_449 : i32
      %parallel_loop3A_460 = arith.select %parallel_loop3A_458, %parallel_loop3A_459, %parallel_loop3A_450 : i32
      %parallel_loop3A_461 = arith.constant 16 : i32
      %parallel_loop3A_462 = arith.muli %parallel_loop3A_460, %parallel_loop3A_461 : i32
      %parallel_loop3A_463 = arith.index_cast %parallel_loop3A_444 : i32 to index
      %parallel_loop3A_464 = arith.index_cast %parallel_loop3A_462 : i32 to index
      %parallel_loop3A_465 = tpu.vector_load %arg4[%parallel_loop3A_463, %parallel_loop3A_464] {strides = array<i32>} : memref<8x4096xf32, #tpu.memory_space<vmem>>, vector<16xf32>,
      %parallel_loop3A_466 = arith.constant 3.200000e+02 : f32
      %parallel_loop3A_467 = vector.broadcast %parallel_loop3A_466 : f32 to vector<16xf32>
      %parallel_loop3A_468 = arith.mulf %parallel_loop3A_465, %parallel_loop3A_467 : vector<16xf32>
      %parallel_loop3A_469 = arith.fptosi %parallel_loop3A_468 : vector<16xf32> to vector<16xi32>
      %parallel_loop3A_470 = arith.constant -16 : i32
      %parallel_loop3A_471 = vector.broadcast %parallel_loop3A_470 : i32 to vector<16xi32>
      %parallel_loop3A_472 = arith.andi %parallel_loop3A_469, %parallel_loop3A_471 : vector<16xi32>
      %parallel_loop3A_473 = arith.ori %parallel_loop3A_472, %iota3A : vector<16xi32>
      tpu.vector_store_idx %arg6[%parallel_loop3A_473], %broadcast_in_dim3A_46 {add = true} : memref<336xf32, #tpu.memory_space<vmem>>[vector<16xi32>], vector<16xf32>,
    } {sc.loop_unroll_factor = 8 : i64, sc.parallel_access}
    %add3A_63 = arith.constant 16 : i32
    %add3A_64 = arith.addi %mul3A_2, %add3A_63 : i32
    %dma_start3A_65 = arith.constant 0 : i32
    %dma_start3A_66 = tpu.memref_slice %arg2[%add3A_64, %dma_start3A_65] : memref<4096x4096xf32, #tpu.memory_space<hbm>> -> memref<8x4096xf32, #tpu.memory_space<hbm>>
    %dma_start3A_67 = arith.constant 0 : i32
    %dma_start3A_68 = tpu.memref_slice %arg2[%add3A_64, %dma_start3A_67] : memref<4096x4096xf32, #tpu.memory_space<hbm>> -> memref<8x4096xf32, #tpu.memory_space<hbm>>
    tpu.enqueue_dma source(%dma_start3A_68 : memref<8x4096xf32, #tpu.memory_space<hbm>>) target(%arg4 : memref<8x4096xf32, #tpu.memory_space<vmem>>) target_semaphore(%arg8 : memref<!tpu.dma_semaphore, #tpu.memory_space<semaphore_mem>>)
    %dma_wait3A_69 = arith.constant 0 : i32
    %dma_wait3A_70 = tpu.memref_slice %arg2[%add3A_53, %dma_wait3A_69] : memref<4096x4096xf32, #tpu.memory_space<hbm>> -> memref<8x4096xf32, #tpu.memory_space<hbm>>
    %dma_wait3A_71 = arith.constant 0 : i32
    %dma_wait3A_72 = tpu.memref_slice %arg2[%add3A_53, %dma_wait3A_71] : memref<4096x4096xf32, #tpu.memory_space<hbm>> -> memref<8x4096xf32, #tpu.memory_space<hbm>>
    tpu.wait_dma2 semaphore(%arg9 : memref<!tpu.dma_semaphore, #tpu.memory_space<semaphore_mem>>) src(%dma_wait3A_72 : memref<8x4096xf32, #tpu.memory_space<hbm>>) dst(%arg5 : memref<8x4096xf32, #tpu.memory_space<vmem>>)
    %parallel_loop3A_73 = arith.constant 0 : i32
    %parallel_loop3A_74 = arith.constant 2048 : i32
    %parallel_loop3A_75 = arith.constant 1 : i32
    scf.for %parallel_loop3A_420 = %parallel_loop3A_73 to %parallel_loop3A_74 step %parallel_loop3A_75  : i32 {
      %parallel_loop3A_421 = arith.constant 256 : i32
      %parallel_loop3A_422 = arith.divsi %parallel_loop3A_420, %parallel_loop3A_421 : i32
      %parallel_loop3A_423 = arith.constant 0 : i32
      %parallel_loop3A_424 = arith.cmpi sgt, %parallel_loop3A_420, %parallel_loop3A_423 : i32
      %parallel_loop3A_425 = arith.extui %parallel_loop3A_424 : i1 to i32
      %parallel_loop3A_426 = arith.constant 0 : i32
      %parallel_loop3A_427 = arith.cmpi slt, %parallel_loop3A_420, %parallel_loop3A_426 : i32
      %parallel_loop3A_428 = arith.extui %parallel_loop3A_427 : i1 to i32
      %parallel_loop3A_429 = arith.subi %parallel_loop3A_425, %parallel_loop3A_428 : i32
      %parallel_loop3A_430 = arith.constant 0 : i32
      %parallel_loop3A_431 = arith.cmpi sgt, %parallel_loop3A_421, %parallel_loop3A_430 : i32
      %parallel_loop3A_432 = arith.extui %parallel_loop3A_431 : i1 to i32
      %parallel_loop3A_433 = arith.constant 0 : i32
      %parallel_loop3A_434 = arith.cmpi slt, %parallel_loop3A_421, %parallel_loop3A_433 : i32
      %parallel_loop3A_435 = arith.extui %parallel_loop3A_434 : i1 to i32
      %parallel_loop3A_436 = arith.subi %parallel_loop3A_432, %parallel_loop3A_435 : i32
      %parallel_loop3A_437 = arith.cmpi ne, %parallel_loop3A_429, %parallel_loop3A_436 : i32
      %parallel_loop3A_438 = arith.remsi %parallel_loop3A_420, %parallel_loop3A_421 : i32
      %parallel_loop3A_439 = arith.constant 0 : i32
      %parallel_loop3A_440 = arith.cmpi ne, %parallel_loop3A_438, %parallel_loop3A_439 : i32
      %parallel_loop3A_441 = arith.andi %parallel_loop3A_437, %parallel_loop3A_440 : i1
      %parallel_loop3A_442 = arith.constant 1 : i32
      %parallel_loop3A_443 = arith.subi %parallel_loop3A_422, %parallel_loop3A_442 : i32
      %parallel_loop3A_444 = arith.select %parallel_loop3A_441, %parallel_loop3A_443, %parallel_loop3A_422 : i32
      %parallel_loop3A_445 = arith.constant 256 : i32
      %parallel_loop3A_446 = arith.constant 0 : i32
      %parallel_loop3A_447 = arith.cmpi eq, %parallel_loop3A_445, %parallel_loop3A_446 : i32
      %parallel_loop3A_448 = arith.constant 1 : i32
      %parallel_loop3A_449 = arith.select %parallel_loop3A_447, %parallel_loop3A_448, %parallel_loop3A_445 : i32
      %parallel_loop3A_450 = arith.remsi %parallel_loop3A_420, %parallel_loop3A_449 : i32
      %parallel_loop3A_451 = arith.constant 0 : i32
      %parallel_loop3A_452 = arith.cmpi ne, %parallel_loop3A_450, %parallel_loop3A_451 : i32
      %parallel_loop3A_453 = arith.constant 0 : i32
      %parallel_loop3A_454 = arith.cmpi slt, %parallel_loop3A_450, %parallel_loop3A_453 : i32
      %parallel_loop3A_455 = arith.constant 0 : i32
      %parallel_loop3A_456 = arith.cmpi slt, %parallel_loop3A_449, %parallel_loop3A_455 : i32
      %parallel_loop3A_457 = arith.xori %parallel_loop3A_454, %parallel_loop3A_456 : i1
      %parallel_loop3A_458 = arith.andi %parallel_loop3A_457, %parallel_loop3A_452 : i1
      %parallel_loop3A_459 = arith.addi %parallel_loop3A_450, %parallel_loop3A_449 : i32
      %parallel_loop3A_460 = arith.select %parallel_loop3A_458, %parallel_loop3A_459, %parallel_loop3A_450 : i32
      %parallel_loop3A_461 = arith.constant 16 : i32
      %parallel_loop3A_462 = arith.muli %parallel_loop3A_460, %parallel_loop3A_461 : i32
      %parallel_loop3A_463 = arith.index_cast %parallel_loop3A_444 : i32 to index
      %parallel_loop3A_464 = arith.index_cast %parallel_loop3A_462 : i32 to index
      %parallel_loop3A_465 = tpu.vector_load %arg5[%parallel_loop3A_463, %parallel_loop3A_464] {strides = array<i32>} : memref<8x4096xf32, #tpu.memory_space<vmem>>, vector<16xf32>,
      %parallel_loop3A_466 = arith.constant 3.200000e+02 : f32
      %parallel_loop3A_467 = vector.broadcast %parallel_loop3A_466 : f32 to vector<16xf32>
      %parallel_loop3A_468 = arith.mulf %parallel_loop3A_465, %parallel_loop3A_467 : vector<16xf32>
      %parallel_loop3A_469 = arith.fptosi %parallel_loop3A_468 : vector<16xf32> to vector<16xi32>
      %parallel_loop3A_470 = arith.constant -16 : i32
      %parallel_loop3A_471 = vector.broadcast %parallel_loop3A_470 : i32 to vector<16xi32>
      %parallel_loop3A_472 = arith.andi %parallel_loop3A_469, %parallel_loop3A_471 : vector<16xi32>
      %parallel_loop3A_473 = arith.ori %parallel_loop3A_472, %iota3A : vector<16xi32>
      tpu.vector_store_idx %arg6[%parallel_loop3A_473], %broadcast_in_dim3A_46 {add = true} : memref<336xf32, #tpu.memory_space<vmem>>[vector<16xi32>], vector<16xf32>,
    } {sc.loop_unroll_factor = 8 : i64, sc.parallel_access}
    %add3A_76 = arith.constant 24 : i32
    %add3A_77 = arith.addi %mul3A_2, %add3A_76 : i32
    %dma_start3A_78 = arith.constant 0 : i32
    %dma_start3A_79 = tpu.memref_slice %arg2[%add3A_77, %dma_start3A_78] : memref<4096x4096xf32, #tpu.memory_space<hbm>> -> memref<8x4096xf32, #tpu.memory_space<hbm>>
    %dma_start3A_80 = arith.constant 0 : i32
    %dma_start3A_81 = tpu.memref_slice %arg2[%add3A_77, %dma_start3A_80] : memref<4096x4096xf32, #tpu.memory_space<hbm>> -> memref<8x4096xf32, #tpu.memory_space<hbm>>
    tpu.enqueue_dma source(%dma_start3A_81 : memref<8x4096xf32, #tpu.memory_space<hbm>>) target(%arg5 : memref<8x4096xf32, #tpu.memory_space<vmem>>) target_semaphore(%arg9 : memref<!tpu.dma_semaphore, #tpu.memory_space<semaphore_mem>>)
    %dma_wait3A_82 = arith.constant 0 : i32
    %dma_wait3A_83 = tpu.memref_slice %arg2[%add3A_64, %dma_wait3A_82] : memref<4096x4096xf32, #tpu.memory_space<hbm>> -> memref<8x4096xf32, #tpu.memory_space<hbm>>
    %dma_wait3A_84 = arith.constant 0 : i32
    %dma_wait3A_85 = tpu.memref_slice %arg2[%add3A_64, %dma_wait3A_84] : memref<4096x4096xf32, #tpu.memory_space<hbm>> -> memref<8x4096xf32, #tpu.memory_space<hbm>>
    tpu.wait_dma2 semaphore(%arg8 : memref<!tpu.dma_semaphore, #tpu.memory_space<semaphore_mem>>) src(%dma_wait3A_85 : memref<8x4096xf32, #tpu.memory_space<hbm>>) dst(%arg4 : memref<8x4096xf32, #tpu.memory_space<vmem>>)
    %parallel_loop3A_86 = arith.constant 0 : i32
    %parallel_loop3A_87 = arith.constant 2048 : i32
    %parallel_loop3A_88 = arith.constant 1 : i32
    scf.for %parallel_loop3A_420 = %parallel_loop3A_86 to %parallel_loop3A_87 step %parallel_loop3A_88  : i32 {
      %parallel_loop3A_421 = arith.constant 256 : i32
      %parallel_loop3A_422 = arith.divsi %parallel_loop3A_420, %parallel_loop3A_421 : i32
      %parallel_loop3A_423 = arith.constant 0 : i32
      %parallel_loop3A_424 = arith.cmpi sgt, %parallel_loop3A_420, %parallel_loop3A_423 : i32
      %parallel_loop3A_425 = arith.extui %parallel_loop3A_424 : i1 to i32
      %parallel_loop3A_426 = arith.constant 0 : i32
      %parallel_loop3A_427 = arith.cmpi slt, %parallel_loop3A_420, %parallel_loop3A_426 : i32
      %parallel_loop3A_428 = arith.extui %parallel_loop3A_427 : i1 to i32
      %parallel_loop3A_429 = arith.subi %parallel_loop3A_425, %parallel_loop3A_428 : i32
      %parallel_loop3A_430 = arith.constant 0 : i32
      %parallel_loop3A_431 = arith.cmpi sgt, %parallel_loop3A_421, %parallel_loop3A_430 : i32
      %parallel_loop3A_432 = arith.extui %parallel_loop3A_431 : i1 to i32
      %parallel_loop3A_433 = arith.constant 0 : i32
      %parallel_loop3A_434 = arith.cmpi slt, %parallel_loop3A_421, %parallel_loop3A_433 : i32
      %parallel_loop3A_435 = arith.extui %parallel_loop3A_434 : i1 to i32
      %parallel_loop3A_436 = arith.subi %parallel_loop3A_432, %parallel_loop3A_435 : i32
      %parallel_loop3A_437 = arith.cmpi ne, %parallel_loop3A_429, %parallel_loop3A_436 : i32
      %parallel_loop3A_438 = arith.remsi %parallel_loop3A_420, %parallel_loop3A_421 : i32
      %parallel_loop3A_439 = arith.constant 0 : i32
      %parallel_loop3A_440 = arith.cmpi ne, %parallel_loop3A_438, %parallel_loop3A_439 : i32
      %parallel_loop3A_441 = arith.andi %parallel_loop3A_437, %parallel_loop3A_440 : i1
      %parallel_loop3A_442 = arith.constant 1 : i32
      %parallel_loop3A_443 = arith.subi %parallel_loop3A_422, %parallel_loop3A_442 : i32
      %parallel_loop3A_444 = arith.select %parallel_loop3A_441, %parallel_loop3A_443, %parallel_loop3A_422 : i32
      %parallel_loop3A_445 = arith.constant 256 : i32
      %parallel_loop3A_446 = arith.constant 0 : i32
      %parallel_loop3A_447 = arith.cmpi eq, %parallel_loop3A_445, %parallel_loop3A_446 : i32
      %parallel_loop3A_448 = arith.constant 1 : i32
      %parallel_loop3A_449 = arith.select %parallel_loop3A_447, %parallel_loop3A_448, %parallel_loop3A_445 : i32
      %parallel_loop3A_450 = arith.remsi %parallel_loop3A_420, %parallel_loop3A_449 : i32
      %parallel_loop3A_451 = arith.constant 0 : i32
      %parallel_loop3A_452 = arith.cmpi ne, %parallel_loop3A_450, %parallel_loop3A_451 : i32
      %parallel_loop3A_453 = arith.constant 0 : i32
      %parallel_loop3A_454 = arith.cmpi slt, %parallel_loop3A_450, %parallel_loop3A_453 : i32
      %parallel_loop3A_455 = arith.constant 0 : i32
      %parallel_loop3A_456 = arith.cmpi slt, %parallel_loop3A_449, %parallel_loop3A_455 : i32
      %parallel_loop3A_457 = arith.xori %parallel_loop3A_454, %parallel_loop3A_456 : i1
      %parallel_loop3A_458 = arith.andi %parallel_loop3A_457, %parallel_loop3A_452 : i1
      %parallel_loop3A_459 = arith.addi %parallel_loop3A_450, %parallel_loop3A_449 : i32
      %parallel_loop3A_460 = arith.select %parallel_loop3A_458, %parallel_loop3A_459, %parallel_loop3A_450 : i32
      %parallel_loop3A_461 = arith.constant 16 : i32
      %parallel_loop3A_462 = arith.muli %parallel_loop3A_460, %parallel_loop3A_461 : i32
      %parallel_loop3A_463 = arith.index_cast %parallel_loop3A_444 : i32 to index
      %parallel_loop3A_464 = arith.index_cast %parallel_loop3A_462 : i32 to index
      %parallel_loop3A_465 = tpu.vector_load %arg4[%parallel_loop3A_463, %parallel_loop3A_464] {strides = array<i32>} : memref<8x4096xf32, #tpu.memory_space<vmem>>, vector<16xf32>,
      %parallel_loop3A_466 = arith.constant 3.200000e+02 : f32
      %parallel_loop3A_467 = vector.broadcast %parallel_loop3A_466 : f32 to vector<16xf32>
      %parallel_loop3A_468 = arith.mulf %parallel_loop3A_465, %parallel_loop3A_467 : vector<16xf32>
      %parallel_loop3A_469 = arith.fptosi %parallel_loop3A_468 : vector<16xf32> to vector<16xi32>
      %parallel_loop3A_470 = arith.constant -16 : i32
      %parallel_loop3A_471 = vector.broadcast %parallel_loop3A_470 : i32 to vector<16xi32>
      %parallel_loop3A_472 = arith.andi %parallel_loop3A_469, %parallel_loop3A_471 : vector<16xi32>
      %parallel_loop3A_473 = arith.ori %parallel_loop3A_472, %iota3A : vector<16xi32>
      tpu.vector_store_idx %arg6[%parallel_loop3A_473], %broadcast_in_dim3A_46 {add = true} : memref<336xf32, #tpu.memory_space<vmem>>[vector<16xi32>], vector<16xf32>,
    } {sc.loop_unroll_factor = 8 : i64, sc.parallel_access}
    %add3A_89 = arith.constant 32 : i32
    %add3A_90 = arith.addi %mul3A_2, %add3A_89 : i32
    %dma_start3A_91 = arith.constant 0 : i32
    %dma_start3A_92 = tpu.memref_slice %arg2[%add3A_90, %dma_start3A_91] : memref<4096x4096xf32, #tpu.memory_space<hbm>> -> memref<8x4096xf32, #tpu.memory_space<hbm>>
    %dma_start3A_93 = arith.constant 0 : i32
    %dma_start3A_94 = tpu.memref_slice %arg2[%add3A_90, %dma_start3A_93] : memref<4096x4096xf32, #tpu.memory_space<hbm>> -> memref<8x4096xf32, #tpu.memory_space<hbm>>
    tpu.enqueue_dma source(%dma_start3A_94 : memref<8x4096xf32, #tpu.memory_space<hbm>>) target(%arg4 : memref<8x4096xf32, #tpu.memory_space<vmem>>) target_semaphore(%arg8 : memref<!tpu.dma_semaphore, #tpu.memory_space<semaphore_mem>>)
    %dma_wait3A_95 = arith.constant 0 : i32
    %dma_wait3A_96 = tpu.memref_slice %arg2[%add3A_77, %dma_wait3A_95] : memref<4096x4096xf32, #tpu.memory_space<hbm>> -> memref<8x4096xf32, #tpu.memory_space<hbm>>
    %dma_wait3A_97 = arith.constant 0 : i32
    %dma_wait3A_98 = tpu.memref_slice %arg2[%add3A_77, %dma_wait3A_97] : memref<4096x4096xf32, #tpu.memory_space<hbm>> -> memref<8x4096xf32, #tpu.memory_space<hbm>>
    tpu.wait_dma2 semaphore(%arg9 : memref<!tpu.dma_semaphore, #tpu.memory_space<semaphore_mem>>) src(%dma_wait3A_98 : memref<8x4096xf32, #tpu.memory_space<hbm>>) dst(%arg5 : memref<8x4096xf32, #tpu.memory_space<vmem>>)
    %parallel_loop3A_99 = arith.constant 0 : i32
    %parallel_loop3A_100 = arith.constant 2048 : i32
    %parallel_loop3A_101 = arith.constant 1 : i32
    scf.for %parallel_loop3A_420 = %parallel_loop3A_99 to %parallel_loop3A_100 step %parallel_loop3A_101  : i32 {
      %parallel_loop3A_421 = arith.constant 256 : i32
      %parallel_loop3A_422 = arith.divsi %parallel_loop3A_420, %parallel_loop3A_421 : i32
      %parallel_loop3A_423 = arith.constant 0 : i32
      %parallel_loop3A_424 = arith.cmpi sgt, %parallel_loop3A_420, %parallel_loop3A_423 : i32
      %parallel_loop3A_425 = arith.extui %parallel_loop3A_424 : i1 to i32
      %parallel_loop3A_426 = arith.constant 0 : i32
      %parallel_loop3A_427 = arith.cmpi slt, %parallel_loop3A_420, %parallel_loop3A_426 : i32
      %parallel_loop3A_428 = arith.extui %parallel_loop3A_427 : i1 to i32
      %parallel_loop3A_429 = arith.subi %parallel_loop3A_425, %parallel_loop3A_428 : i32
      %parallel_loop3A_430 = arith.constant 0 : i32
      %parallel_loop3A_431 = arith.cmpi sgt, %parallel_loop3A_421, %parallel_loop3A_430 : i32
      %parallel_loop3A_432 = arith.extui %parallel_loop3A_431 : i1 to i32
      %parallel_loop3A_433 = arith.constant 0 : i32
      %parallel_loop3A_434 = arith.cmpi slt, %parallel_loop3A_421, %parallel_loop3A_433 : i32
      %parallel_loop3A_435 = arith.extui %parallel_loop3A_434 : i1 to i32
      %parallel_loop3A_436 = arith.subi %parallel_loop3A_432, %parallel_loop3A_435 : i32
      %parallel_loop3A_437 = arith.cmpi ne, %parallel_loop3A_429, %parallel_loop3A_436 : i32
      %parallel_loop3A_438 = arith.remsi %parallel_loop3A_420, %parallel_loop3A_421 : i32
      %parallel_loop3A_439 = arith.constant 0 : i32
      %parallel_loop3A_440 = arith.cmpi ne, %parallel_loop3A_438, %parallel_loop3A_439 : i32
      %parallel_loop3A_441 = arith.andi %parallel_loop3A_437, %parallel_loop3A_440 : i1
      %parallel_loop3A_442 = arith.constant 1 : i32
      %parallel_loop3A_443 = arith.subi %parallel_loop3A_422, %parallel_loop3A_442 : i32
      %parallel_loop3A_444 = arith.select %parallel_loop3A_441, %parallel_loop3A_443, %parallel_loop3A_422 : i32
      %parallel_loop3A_445 = arith.constant 256 : i32
      %parallel_loop3A_446 = arith.constant 0 : i32
      %parallel_loop3A_447 = arith.cmpi eq, %parallel_loop3A_445, %parallel_loop3A_446 : i32
      %parallel_loop3A_448 = arith.constant 1 : i32
      %parallel_loop3A_449 = arith.select %parallel_loop3A_447, %parallel_loop3A_448, %parallel_loop3A_445 : i32
      %parallel_loop3A_450 = arith.remsi %parallel_loop3A_420, %parallel_loop3A_449 : i32
      %parallel_loop3A_451 = arith.constant 0 : i32
      %parallel_loop3A_452 = arith.cmpi ne, %parallel_loop3A_450, %parallel_loop3A_451 : i32
      %parallel_loop3A_453 = arith.constant 0 : i32
      %parallel_loop3A_454 = arith.cmpi slt, %parallel_loop3A_450, %parallel_loop3A_453 : i32
      %parallel_loop3A_455 = arith.constant 0 : i32
      %parallel_loop3A_456 = arith.cmpi slt, %parallel_loop3A_449, %parallel_loop3A_455 : i32
      %parallel_loop3A_457 = arith.xori %parallel_loop3A_454, %parallel_loop3A_456 : i1
      %parallel_loop3A_458 = arith.andi %parallel_loop3A_457, %parallel_loop3A_452 : i1
      %parallel_loop3A_459 = arith.addi %parallel_loop3A_450, %parallel_loop3A_449 : i32
      %parallel_loop3A_460 = arith.select %parallel_loop3A_458, %parallel_loop3A_459, %parallel_loop3A_450 : i32
      %parallel_loop3A_461 = arith.constant 16 : i32
      %parallel_loop3A_462 = arith.muli %parallel_loop3A_460, %parallel_loop3A_461 : i32
      %parallel_loop3A_463 = arith.index_cast %parallel_loop3A_444 : i32 to index
      %parallel_loop3A_464 = arith.index_cast %parallel_loop3A_462 : i32 to index
      %parallel_loop3A_465 = tpu.vector_load %arg5[%parallel_loop3A_463, %parallel_loop3A_464] {strides = array<i32>} : memref<8x4096xf32, #tpu.memory_space<vmem>>, vector<16xf32>,
      %parallel_loop3A_466 = arith.constant 3.200000e+02 : f32
      %parallel_loop3A_467 = vector.broadcast %parallel_loop3A_466 : f32 to vector<16xf32>
      %parallel_loop3A_468 = arith.mulf %parallel_loop3A_465, %parallel_loop3A_467 : vector<16xf32>
      %parallel_loop3A_469 = arith.fptosi %parallel_loop3A_468 : vector<16xf32> to vector<16xi32>
      %parallel_loop3A_470 = arith.constant -16 : i32
      %parallel_loop3A_471 = vector.broadcast %parallel_loop3A_470 : i32 to vector<16xi32>
      %parallel_loop3A_472 = arith.andi %parallel_loop3A_469, %parallel_loop3A_471 : vector<16xi32>
      %parallel_loop3A_473 = arith.ori %parallel_loop3A_472, %iota3A : vector<16xi32>
      tpu.vector_store_idx %arg6[%parallel_loop3A_473], %broadcast_in_dim3A_46 {add = true} : memref<336xf32, #tpu.memory_space<vmem>>[vector<16xi32>], vector<16xf32>,
    } {sc.loop_unroll_factor = 8 : i64, sc.parallel_access}
    %add3A_102 = arith.constant 40 : i32
    %add3A_103 = arith.addi %mul3A_2, %add3A_102 : i32
    %dma_start3A_104 = arith.constant 0 : i32
    %dma_start3A_105 = tpu.memref_slice %arg2[%add3A_103, %dma_start3A_104] : memref<4096x4096xf32, #tpu.memory_space<hbm>> -> memref<8x4096xf32, #tpu.memory_space<hbm>>
    %dma_start3A_106 = arith.constant 0 : i32
    %dma_start3A_107 = tpu.memref_slice %arg2[%add3A_103, %dma_start3A_106] : memref<4096x4096xf32, #tpu.memory_space<hbm>> -> memref<8x4096xf32, #tpu.memory_space<hbm>>
    tpu.enqueue_dma source(%dma_start3A_107 : memref<8x4096xf32, #tpu.memory_space<hbm>>) target(%arg5 : memref<8x4096xf32, #tpu.memory_space<vmem>>) target_semaphore(%arg9 : memref<!tpu.dma_semaphore, #tpu.memory_space<semaphore_mem>>)
    %dma_wait3A_108 = arith.constant 0 : i32
    %dma_wait3A_109 = tpu.memref_slice %arg2[%add3A_90, %dma_wait3A_108] : memref<4096x4096xf32, #tpu.memory_space<hbm>> -> memref<8x4096xf32, #tpu.memory_space<hbm>>
    %dma_wait3A_110 = arith.constant 0 : i32
    %dma_wait3A_111 = tpu.memref_slice %arg2[%add3A_90, %dma_wait3A_110] : memref<4096x4096xf32, #tpu.memory_space<hbm>> -> memref<8x4096xf32, #tpu.memory_space<hbm>>
    tpu.wait_dma2 semaphore(%arg8 : memref<!tpu.dma_semaphore, #tpu.memory_space<semaphore_mem>>) src(%dma_wait3A_111 : memref<8x4096xf32, #tpu.memory_space<hbm>>) dst(%arg4 : memref<8x4096xf32, #tpu.memory_space<vmem>>)
    %parallel_loop3A_112 = arith.constant 0 : i32
    %parallel_loop3A_113 = arith.constant 2048 : i32
    %parallel_loop3A_114 = arith.constant 1 : i32
    scf.for %parallel_loop3A_420 = %parallel_loop3A_112 to %parallel_loop3A_113 step %parallel_loop3A_114  : i32 {
      %parallel_loop3A_421 = arith.constant 256 : i32
      %parallel_loop3A_422 = arith.divsi %parallel_loop3A_420, %parallel_loop3A_421 : i32
      %parallel_loop3A_423 = arith.constant 0 : i32
      %parallel_loop3A_424 = arith.cmpi sgt, %parallel_loop3A_420, %parallel_loop3A_423 : i32
      %parallel_loop3A_425 = arith.extui %parallel_loop3A_424 : i1 to i32
      %parallel_loop3A_426 = arith.constant 0 : i32
      %parallel_loop3A_427 = arith.cmpi slt, %parallel_loop3A_420, %parallel_loop3A_426 : i32
      %parallel_loop3A_428 = arith.extui %parallel_loop3A_427 : i1 to i32
      %parallel_loop3A_429 = arith.subi %parallel_loop3A_425, %parallel_loop3A_428 : i32
      %parallel_loop3A_430 = arith.constant 0 : i32
      %parallel_loop3A_431 = arith.cmpi sgt, %parallel_loop3A_421, %parallel_loop3A_430 : i32
      %parallel_loop3A_432 = arith.extui %parallel_loop3A_431 : i1 to i32
      %parallel_loop3A_433 = arith.constant 0 : i32
      %parallel_loop3A_434 = arith.cmpi slt, %parallel_loop3A_421, %parallel_loop3A_433 : i32
      %parallel_loop3A_435 = arith.extui %parallel_loop3A_434 : i1 to i32
      %parallel_loop3A_436 = arith.subi %parallel_loop3A_432, %parallel_loop3A_435 : i32
      %parallel_loop3A_437 = arith.cmpi ne, %parallel_loop3A_429, %parallel_loop3A_436 : i32
      %parallel_loop3A_438 = arith.remsi %parallel_loop3A_420, %parallel_loop3A_421 : i32
      %parallel_loop3A_439 = arith.constant 0 : i32
      %parallel_loop3A_440 = arith.cmpi ne, %parallel_loop3A_438, %parallel_loop3A_439 : i32
      %parallel_loop3A_441 = arith.andi %parallel_loop3A_437, %parallel_loop3A_440 : i1
      %parallel_loop3A_442 = arith.constant 1 : i32
      %parallel_loop3A_443 = arith.subi %parallel_loop3A_422, %parallel_loop3A_442 : i32
      %parallel_loop3A_444 = arith.select %parallel_loop3A_441, %parallel_loop3A_443, %parallel_loop3A_422 : i32
      %parallel_loop3A_445 = arith.constant 256 : i32
      %parallel_loop3A_446 = arith.constant 0 : i32
      %parallel_loop3A_447 = arith.cmpi eq, %parallel_loop3A_445, %parallel_loop3A_446 : i32
      %parallel_loop3A_448 = arith.constant 1 : i32
      %parallel_loop3A_449 = arith.select %parallel_loop3A_447, %parallel_loop3A_448, %parallel_loop3A_445 : i32
      %parallel_loop3A_450 = arith.remsi %parallel_loop3A_420, %parallel_loop3A_449 : i32
      %parallel_loop3A_451 = arith.constant 0 : i32
      %parallel_loop3A_452 = arith.cmpi ne, %parallel_loop3A_450, %parallel_loop3A_451 : i32
      %parallel_loop3A_453 = arith.constant 0 : i32
      %parallel_loop3A_454 = arith.cmpi slt, %parallel_loop3A_450, %parallel_loop3A_453 : i32
      %parallel_loop3A_455 = arith.constant 0 : i32
      %parallel_loop3A_456 = arith.cmpi slt, %parallel_loop3A_449, %parallel_loop3A_455 : i32
      %parallel_loop3A_457 = arith.xori %parallel_loop3A_454, %parallel_loop3A_456 : i1
      %parallel_loop3A_458 = arith.andi %parallel_loop3A_457, %parallel_loop3A_452 : i1
      %parallel_loop3A_459 = arith.addi %parallel_loop3A_450, %parallel_loop3A_449 : i32
      %parallel_loop3A_460 = arith.select %parallel_loop3A_458, %parallel_loop3A_459, %parallel_loop3A_450 : i32
      %parallel_loop3A_461 = arith.constant 16 : i32
      %parallel_loop3A_462 = arith.muli %parallel_loop3A_460, %parallel_loop3A_461 : i32
      %parallel_loop3A_463 = arith.index_cast %parallel_loop3A_444 : i32 to index
      %parallel_loop3A_464 = arith.index_cast %parallel_loop3A_462 : i32 to index
      %parallel_loop3A_465 = tpu.vector_load %arg4[%parallel_loop3A_463, %parallel_loop3A_464] {strides = array<i32>} : memref<8x4096xf32, #tpu.memory_space<vmem>>, vector<16xf32>,
      %parallel_loop3A_466 = arith.constant 3.200000e+02 : f32
      %parallel_loop3A_467 = vector.broadcast %parallel_loop3A_466 : f32 to vector<16xf32>
      %parallel_loop3A_468 = arith.mulf %parallel_loop3A_465, %parallel_loop3A_467 : vector<16xf32>
      %parallel_loop3A_469 = arith.fptosi %parallel_loop3A_468 : vector<16xf32> to vector<16xi32>
      %parallel_loop3A_470 = arith.constant -16 : i32
      %parallel_loop3A_471 = vector.broadcast %parallel_loop3A_470 : i32 to vector<16xi32>
      %parallel_loop3A_472 = arith.andi %parallel_loop3A_469, %parallel_loop3A_471 : vector<16xi32>
      %parallel_loop3A_473 = arith.ori %parallel_loop3A_472, %iota3A : vector<16xi32>
      tpu.vector_store_idx %arg6[%parallel_loop3A_473], %broadcast_in_dim3A_46 {add = true} : memref<336xf32, #tpu.memory_space<vmem>>[vector<16xi32>], vector<16xf32>,
    } {sc.loop_unroll_factor = 8 : i64, sc.parallel_access}
    %add3A_115 = arith.constant 48 : i32
    %add3A_116 = arith.addi %mul3A_2, %add3A_115 : i32
    %dma_start3A_117 = arith.constant 0 : i32
    %dma_start3A_118 = tpu.memref_slice %arg2[%add3A_116, %dma_start3A_117] : memref<4096x4096xf32, #tpu.memory_space<hbm>> -> memref<8x4096xf32, #tpu.memory_space<hbm>>
    %dma_start3A_119 = arith.constant 0 : i32
    %dma_start3A_120 = tpu.memref_slice %arg2[%add3A_116, %dma_start3A_119] : memref<4096x4096xf32, #tpu.memory_space<hbm>> -> memref<8x4096xf32, #tpu.memory_space<hbm>>
    tpu.enqueue_dma source(%dma_start3A_120 : memref<8x4096xf32, #tpu.memory_space<hbm>>) target(%arg4 : memref<8x4096xf32, #tpu.memory_space<vmem>>) target_semaphore(%arg8 : memref<!tpu.dma_semaphore, #tpu.memory_space<semaphore_mem>>)
    %dma_wait3A_121 = arith.constant 0 : i32
    %dma_wait3A_122 = tpu.memref_slice %arg2[%add3A_103, %dma_wait3A_121] : memref<4096x4096xf32, #tpu.memory_space<hbm>> -> memref<8x4096xf32, #tpu.memory_space<hbm>>
    %dma_wait3A_123 = arith.constant 0 : i32
    %dma_wait3A_124 = tpu.memref_slice %arg2[%add3A_103, %dma_wait3A_123] : memref<4096x4096xf32, #tpu.memory_space<hbm>> -> memref<8x4096xf32, #tpu.memory_space<hbm>>
    tpu.wait_dma2 semaphore(%arg9 : memref<!tpu.dma_semaphore, #tpu.memory_space<semaphore_mem>>) src(%dma_wait3A_124 : memref<8x4096xf32, #tpu.memory_space<hbm>>) dst(%arg5 : memref<8x4096xf32, #tpu.memory_space<vmem>>)
    %parallel_loop3A_125 = arith.constant 0 : i32
    %parallel_loop3A_126 = arith.constant 2048 : i32
    %parallel_loop3A_127 = arith.constant 1 : i32
    scf.for %parallel_loop3A_420 = %parallel_loop3A_125 to %parallel_loop3A_126 step %parallel_loop3A_127  : i32 {
      %parallel_loop3A_421 = arith.constant 256 : i32
      %parallel_loop3A_422 = arith.divsi %parallel_loop3A_420, %parallel_loop3A_421 : i32
      %parallel_loop3A_423 = arith.constant 0 : i32
      %parallel_loop3A_424 = arith.cmpi sgt, %parallel_loop3A_420, %parallel_loop3A_423 : i32
      %parallel_loop3A_425 = arith.extui %parallel_loop3A_424 : i1 to i32
      %parallel_loop3A_426 = arith.constant 0 : i32
      %parallel_loop3A_427 = arith.cmpi slt, %parallel_loop3A_420, %parallel_loop3A_426 : i32
      %parallel_loop3A_428 = arith.extui %parallel_loop3A_427 : i1 to i32
      %parallel_loop3A_429 = arith.subi %parallel_loop3A_425, %parallel_loop3A_428 : i32
      %parallel_loop3A_430 = arith.constant 0 : i32
      %parallel_loop3A_431 = arith.cmpi sgt, %parallel_loop3A_421, %parallel_loop3A_430 : i32
      %parallel_loop3A_432 = arith.extui %parallel_loop3A_431 : i1 to i32
      %parallel_loop3A_433 = arith.constant 0 : i32
      %parallel_loop3A_434 = arith.cmpi slt, %parallel_loop3A_421, %parallel_loop3A_433 : i32
      %parallel_loop3A_435 = arith.extui %parallel_loop3A_434 : i1 to i32
      %parallel_loop3A_436 = arith.subi %parallel_loop3A_432, %parallel_loop3A_435 : i32
      %parallel_loop3A_437 = arith.cmpi ne, %parallel_loop3A_429, %parallel_loop3A_436 : i32
      %parallel_loop3A_438 = arith.remsi %parallel_loop3A_420, %parallel_loop3A_421 : i32
      %parallel_loop3A_439 = arith.constant 0 : i32
      %parallel_loop3A_440 = arith.cmpi ne, %parallel_loop3A_438, %parallel_loop3A_439 : i32
      %parallel_loop3A_441 = arith.andi %parallel_loop3A_437, %parallel_loop3A_440 : i1
      %parallel_loop3A_442 = arith.constant 1 : i32
      %parallel_loop3A_443 = arith.subi %parallel_loop3A_422, %parallel_loop3A_442 : i32
      %parallel_loop3A_444 = arith.select %parallel_loop3A_441, %parallel_loop3A_443, %parallel_loop3A_422 : i32
      %parallel_loop3A_445 = arith.constant 256 : i32
      %parallel_loop3A_446 = arith.constant 0 : i32
      %parallel_loop3A_447 = arith.cmpi eq, %parallel_loop3A_445, %parallel_loop3A_446 : i32
      %parallel_loop3A_448 = arith.constant 1 : i32
      %parallel_loop3A_449 = arith.select %parallel_loop3A_447, %parallel_loop3A_448, %parallel_loop3A_445 : i32
      %parallel_loop3A_450 = arith.remsi %parallel_loop3A_420, %parallel_loop3A_449 : i32
      %parallel_loop3A_451 = arith.constant 0 : i32
      %parallel_loop3A_452 = arith.cmpi ne, %parallel_loop3A_450, %parallel_loop3A_451 : i32
      %parallel_loop3A_453 = arith.constant 0 : i32
      %parallel_loop3A_454 = arith.cmpi slt, %parallel_loop3A_450, %parallel_loop3A_453 : i32
      %parallel_loop3A_455 = arith.constant 0 : i32
      %parallel_loop3A_456 = arith.cmpi slt, %parallel_loop3A_449, %parallel_loop3A_455 : i32
      %parallel_loop3A_457 = arith.xori %parallel_loop3A_454, %parallel_loop3A_456 : i1
      %parallel_loop3A_458 = arith.andi %parallel_loop3A_457, %parallel_loop3A_452 : i1
      %parallel_loop3A_459 = arith.addi %parallel_loop3A_450, %parallel_loop3A_449 : i32
      %parallel_loop3A_460 = arith.select %parallel_loop3A_458, %parallel_loop3A_459, %parallel_loop3A_450 : i32
      %parallel_loop3A_461 = arith.constant 16 : i32
      %parallel_loop3A_462 = arith.muli %parallel_loop3A_460, %parallel_loop3A_461 : i32
      %parallel_loop3A_463 = arith.index_cast %parallel_loop3A_444 : i32 to index
      %parallel_loop3A_464 = arith.index_cast %parallel_loop3A_462 : i32 to index
      %parallel_loop3A_465 = tpu.vector_load %arg5[%parallel_loop3A_463, %parallel_loop3A_464] {strides = array<i32>} : memref<8x4096xf32, #tpu.memory_space<vmem>>, vector<16xf32>,
      %parallel_loop3A_466 = arith.constant 3.200000e+02 : f32
      %parallel_loop3A_467 = vector.broadcast %parallel_loop3A_466 : f32 to vector<16xf32>
      %parallel_loop3A_468 = arith.mulf %parallel_loop3A_465, %parallel_loop3A_467 : vector<16xf32>
      %parallel_loop3A_469 = arith.fptosi %parallel_loop3A_468 : vector<16xf32> to vector<16xi32>
      %parallel_loop3A_470 = arith.constant -16 : i32
      %parallel_loop3A_471 = vector.broadcast %parallel_loop3A_470 : i32 to vector<16xi32>
      %parallel_loop3A_472 = arith.andi %parallel_loop3A_469, %parallel_loop3A_471 : vector<16xi32>
      %parallel_loop3A_473 = arith.ori %parallel_loop3A_472, %iota3A : vector<16xi32>
      tpu.vector_store_idx %arg6[%parallel_loop3A_473], %broadcast_in_dim3A_46 {add = true} : memref<336xf32, #tpu.memory_space<vmem>>[vector<16xi32>], vector<16xf32>,
    } {sc.loop_unroll_factor = 8 : i64, sc.parallel_access}
    %add3A_128 = arith.constant 56 : i32
    %add3A_129 = arith.addi %mul3A_2, %add3A_128 : i32
    %dma_start3A_130 = arith.constant 0 : i32
    %dma_start3A_131 = tpu.memref_slice %arg2[%add3A_129, %dma_start3A_130] : memref<4096x4096xf32, #tpu.memory_space<hbm>> -> memref<8x4096xf32, #tpu.memory_space<hbm>>
    %dma_start3A_132 = arith.constant 0 : i32
    %dma_start3A_133 = tpu.memref_slice %arg2[%add3A_129, %dma_start3A_132] : memref<4096x4096xf32, #tpu.memory_space<hbm>> -> memref<8x4096xf32, #tpu.memory_space<hbm>>
    tpu.enqueue_dma source(%dma_start3A_133 : memref<8x4096xf32, #tpu.memory_space<hbm>>) target(%arg5 : memref<8x4096xf32, #tpu.memory_space<vmem>>) target_semaphore(%arg9 : memref<!tpu.dma_semaphore, #tpu.memory_space<semaphore_mem>>)
    %dma_wait3A_134 = arith.constant 0 : i32
    %dma_wait3A_135 = tpu.memref_slice %arg2[%add3A_116, %dma_wait3A_134] : memref<4096x4096xf32, #tpu.memory_space<hbm>> -> memref<8x4096xf32, #tpu.memory_space<hbm>>
    %dma_wait3A_136 = arith.constant 0 : i32
    %dma_wait3A_137 = tpu.memref_slice %arg2[%add3A_116, %dma_wait3A_136] : memref<4096x4096xf32, #tpu.memory_space<hbm>> -> memref<8x4096xf32, #tpu.memory_space<hbm>>
    tpu.wait_dma2 semaphore(%arg8 : memref<!tpu.dma_semaphore, #tpu.memory_space<semaphore_mem>>) src(%dma_wait3A_137 : memref<8x4096xf32, #tpu.memory_space<hbm>>) dst(%arg4 : memref<8x4096xf32, #tpu.memory_space<vmem>>)
    %parallel_loop3A_138 = arith.constant 0 : i32
    %parallel_loop3A_139 = arith.constant 2048 : i32
    %parallel_loop3A_140 = arith.constant 1 : i32
    scf.for %parallel_loop3A_420 = %parallel_loop3A_138 to %parallel_loop3A_139 step %parallel_loop3A_140  : i32 {
      %parallel_loop3A_421 = arith.constant 256 : i32
      %parallel_loop3A_422 = arith.divsi %parallel_loop3A_420, %parallel_loop3A_421 : i32
      %parallel_loop3A_423 = arith.constant 0 : i32
      %parallel_loop3A_424 = arith.cmpi sgt, %parallel_loop3A_420, %parallel_loop3A_423 : i32
      %parallel_loop3A_425 = arith.extui %parallel_loop3A_424 : i1 to i32
      %parallel_loop3A_426 = arith.constant 0 : i32
      %parallel_loop3A_427 = arith.cmpi slt, %parallel_loop3A_420, %parallel_loop3A_426 : i32
      %parallel_loop3A_428 = arith.extui %parallel_loop3A_427 : i1 to i32
      %parallel_loop3A_429 = arith.subi %parallel_loop3A_425, %parallel_loop3A_428 : i32
      %parallel_loop3A_430 = arith.constant 0 : i32
      %parallel_loop3A_431 = arith.cmpi sgt, %parallel_loop3A_421, %parallel_loop3A_430 : i32
      %parallel_loop3A_432 = arith.extui %parallel_loop3A_431 : i1 to i32
      %parallel_loop3A_433 = arith.constant 0 : i32
      %parallel_loop3A_434 = arith.cmpi slt, %parallel_loop3A_421, %parallel_loop3A_433 : i32
      %parallel_loop3A_435 = arith.extui %parallel_loop3A_434 : i1 to i32
      %parallel_loop3A_436 = arith.subi %parallel_loop3A_432, %parallel_loop3A_435 : i32
      %parallel_loop3A_437 = arith.cmpi ne, %parallel_loop3A_429, %parallel_loop3A_436 : i32
      %parallel_loop3A_438 = arith.remsi %parallel_loop3A_420, %parallel_loop3A_421 : i32
      %parallel_loop3A_439 = arith.constant 0 : i32
      %parallel_loop3A_440 = arith.cmpi ne, %parallel_loop3A_438, %parallel_loop3A_439 : i32
      %parallel_loop3A_441 = arith.andi %parallel_loop3A_437, %parallel_loop3A_440 : i1
      %parallel_loop3A_442 = arith.constant 1 : i32
      %parallel_loop3A_443 = arith.subi %parallel_loop3A_422, %parallel_loop3A_442 : i32
      %parallel_loop3A_444 = arith.select %parallel_loop3A_441, %parallel_loop3A_443, %parallel_loop3A_422 : i32
      %parallel_loop3A_445 = arith.constant 256 : i32
      %parallel_loop3A_446 = arith.constant 0 : i32
      %parallel_loop3A_447 = arith.cmpi eq, %parallel_loop3A_445, %parallel_loop3A_446 : i32
      %parallel_loop3A_448 = arith.constant 1 : i32
      %parallel_loop3A_449 = arith.select %parallel_loop3A_447, %parallel_loop3A_448, %parallel_loop3A_445 : i32
      %parallel_loop3A_450 = arith.remsi %parallel_loop3A_420, %parallel_loop3A_449 : i32
      %parallel_loop3A_451 = arith.constant 0 : i32
      %parallel_loop3A_452 = arith.cmpi ne, %parallel_loop3A_450, %parallel_loop3A_451 : i32
      %parallel_loop3A_453 = arith.constant 0 : i32
      %parallel_loop3A_454 = arith.cmpi slt, %parallel_loop3A_450, %parallel_loop3A_453 : i32
      %parallel_loop3A_455 = arith.constant 0 : i32
      %parallel_loop3A_456 = arith.cmpi slt, %parallel_loop3A_449, %parallel_loop3A_455 : i32
      %parallel_loop3A_457 = arith.xori %parallel_loop3A_454, %parallel_loop3A_456 : i1
      %parallel_loop3A_458 = arith.andi %parallel_loop3A_457, %parallel_loop3A_452 : i1
      %parallel_loop3A_459 = arith.addi %parallel_loop3A_450, %parallel_loop3A_449 : i32
      %parallel_loop3A_460 = arith.select %parallel_loop3A_458, %parallel_loop3A_459, %parallel_loop3A_450 : i32
      %parallel_loop3A_461 = arith.constant 16 : i32
      %parallel_loop3A_462 = arith.muli %parallel_loop3A_460, %parallel_loop3A_461 : i32
      %parallel_loop3A_463 = arith.index_cast %parallel_loop3A_444 : i32 to index
      %parallel_loop3A_464 = arith.index_cast %parallel_loop3A_462 : i32 to index
      %parallel_loop3A_465 = tpu.vector_load %arg4[%parallel_loop3A_463, %parallel_loop3A_464] {strides = array<i32>} : memref<8x4096xf32, #tpu.memory_space<vmem>>, vector<16xf32>,
      %parallel_loop3A_466 = arith.constant 3.200000e+02 : f32
      %parallel_loop3A_467 = vector.broadcast %parallel_loop3A_466 : f32 to vector<16xf32>
      %parallel_loop3A_468 = arith.mulf %parallel_loop3A_465, %parallel_loop3A_467 : vector<16xf32>
      %parallel_loop3A_469 = arith.fptosi %parallel_loop3A_468 : vector<16xf32> to vector<16xi32>
      %parallel_loop3A_470 = arith.constant -16 : i32
      %parallel_loop3A_471 = vector.broadcast %parallel_loop3A_470 : i32 to vector<16xi32>
      %parallel_loop3A_472 = arith.andi %parallel_loop3A_469, %parallel_loop3A_471 : vector<16xi32>
      %parallel_loop3A_473 = arith.ori %parallel_loop3A_472, %iota3A : vector<16xi32>
      tpu.vector_store_idx %arg6[%parallel_loop3A_473], %broadcast_in_dim3A_46 {add = true} : memref<336xf32, #tpu.memory_space<vmem>>[vector<16xi32>], vector<16xf32>,
    } {sc.loop_unroll_factor = 8 : i64, sc.parallel_access}
    %add3A_141 = arith.constant 64 : i32
    %add3A_142 = arith.addi %mul3A_2, %add3A_141 : i32
    %dma_start3A_143 = arith.constant 0 : i32
    %dma_start3A_144 = tpu.memref_slice %arg2[%add3A_142, %dma_start3A_143] : memref<4096x4096xf32, #tpu.memory_space<hbm>> -> memref<8x4096xf32, #tpu.memory_space<hbm>>
    %dma_start3A_145 = arith.constant 0 : i32
    %dma_start3A_146 = tpu.memref_slice %arg2[%add3A_142, %dma_start3A_145] : memref<4096x4096xf32, #tpu.memory_space<hbm>> -> memref<8x4096xf32, #tpu.memory_space<hbm>>
    tpu.enqueue_dma source(%dma_start3A_146 : memref<8x4096xf32, #tpu.memory_space<hbm>>) target(%arg4 : memref<8x4096xf32, #tpu.memory_space<vmem>>) target_semaphore(%arg8 : memref<!tpu.dma_semaphore, #tpu.memory_space<semaphore_mem>>)
    %dma_wait3A_147 = arith.constant 0 : i32
    %dma_wait3A_148 = tpu.memref_slice %arg2[%add3A_129, %dma_wait3A_147] : memref<4096x4096xf32, #tpu.memory_space<hbm>> -> memref<8x4096xf32, #tpu.memory_space<hbm>>
    %dma_wait3A_149 = arith.constant 0 : i32
    %dma_wait3A_150 = tpu.memref_slice %arg2[%add3A_129, %dma_wait3A_149] : memref<4096x4096xf32, #tpu.memory_space<hbm>> -> memref<8x4096xf32, #tpu.memory_space<hbm>>
    tpu.wait_dma2 semaphore(%arg9 : memref<!tpu.dma_semaphore, #tpu.memory_space<semaphore_mem>>) src(%dma_wait3A_150 : memref<8x4096xf32, #tpu.memory_space<hbm>>) dst(%arg5 : memref<8x4096xf32, #tpu.memory_space<vmem>>)
    %parallel_loop3A_151 = arith.constant 0 : i32
    %parallel_loop3A_152 = arith.constant 2048 : i32
    %parallel_loop3A_153 = arith.constant 1 : i32
    scf.for %parallel_loop3A_420 = %parallel_loop3A_151 to %parallel_loop3A_152 step %parallel_loop3A_153  : i32 {
      %parallel_loop3A_421 = arith.constant 256 : i32
      %parallel_loop3A_422 = arith.divsi %parallel_loop3A_420, %parallel_loop3A_421 : i32
      %parallel_loop3A_423 = arith.constant 0 : i32
      %parallel_loop3A_424 = arith.cmpi sgt, %parallel_loop3A_420, %parallel_loop3A_423 : i32
      %parallel_loop3A_425 = arith.extui %parallel_loop3A_424 : i1 to i32
      %parallel_loop3A_426 = arith.constant 0 : i32
      %parallel_loop3A_427 = arith.cmpi slt, %parallel_loop3A_420, %parallel_loop3A_426 : i32
      %parallel_loop3A_428 = arith.extui %parallel_loop3A_427 : i1 to i32
      %parallel_loop3A_429 = arith.subi %parallel_loop3A_425, %parallel_loop3A_428 : i32
      %parallel_loop3A_430 = arith.constant 0 : i32
      %parallel_loop3A_431 = arith.cmpi sgt, %parallel_loop3A_421, %parallel_loop3A_430 : i32
      %parallel_loop3A_432 = arith.extui %parallel_loop3A_431 : i1 to i32
      %parallel_loop3A_433 = arith.constant 0 : i32
      %parallel_loop3A_434 = arith.cmpi slt, %parallel_loop3A_421, %parallel_loop3A_433 : i32
      %parallel_loop3A_435 = arith.extui %parallel_loop3A_434 : i1 to i32
      %parallel_loop3A_436 = arith.subi %parallel_loop3A_432, %parallel_loop3A_435 : i32
      %parallel_loop3A_437 = arith.cmpi ne, %parallel_loop3A_429, %parallel_loop3A_436 : i32
      %parallel_loop3A_438 = arith.remsi %parallel_loop3A_420, %parallel_loop3A_421 : i32
      %parallel_loop3A_439 = arith.constant 0 : i32
      %parallel_loop3A_440 = arith.cmpi ne, %parallel_loop3A_438, %parallel_loop3A_439 : i32
      %parallel_loop3A_441 = arith.andi %parallel_loop3A_437, %parallel_loop3A_440 : i1
      %parallel_loop3A_442 = arith.constant 1 : i32
      %parallel_loop3A_443 = arith.subi %parallel_loop3A_422, %parallel_loop3A_442 : i32
      %parallel_loop3A_444 = arith.select %parallel_loop3A_441, %parallel_loop3A_443, %parallel_loop3A_422 : i32
      %parallel_loop3A_445 = arith.constant 256 : i32
      %parallel_loop3A_446 = arith.constant 0 : i32
      %parallel_loop3A_447 = arith.cmpi eq, %parallel_loop3A_445, %parallel_loop3A_446 : i32
      %parallel_loop3A_448 = arith.constant 1 : i32
      %parallel_loop3A_449 = arith.select %parallel_loop3A_447, %parallel_loop3A_448, %parallel_loop3A_445 : i32
      %parallel_loop3A_450 = arith.remsi %parallel_loop3A_420, %parallel_loop3A_449 : i32
      %parallel_loop3A_451 = arith.constant 0 : i32
      %parallel_loop3A_452 = arith.cmpi ne, %parallel_loop3A_450, %parallel_loop3A_451 : i32
      %parallel_loop3A_453 = arith.constant 0 : i32
      %parallel_loop3A_454 = arith.cmpi slt, %parallel_loop3A_450, %parallel_loop3A_453 : i32
      %parallel_loop3A_455 = arith.constant 0 : i32
      %parallel_loop3A_456 = arith.cmpi slt, %parallel_loop3A_449, %parallel_loop3A_455 : i32
      %parallel_loop3A_457 = arith.xori %parallel_loop3A_454, %parallel_loop3A_456 : i1
      %parallel_loop3A_458 = arith.andi %parallel_loop3A_457, %parallel_loop3A_452 : i1
      %parallel_loop3A_459 = arith.addi %parallel_loop3A_450, %parallel_loop3A_449 : i32
      %parallel_loop3A_460 = arith.select %parallel_loop3A_458, %parallel_loop3A_459, %parallel_loop3A_450 : i32
      %parallel_loop3A_461 = arith.constant 16 : i32
      %parallel_loop3A_462 = arith.muli %parallel_loop3A_460, %parallel_loop3A_461 : i32
      %parallel_loop3A_463 = arith.index_cast %parallel_loop3A_444 : i32 to index
      %parallel_loop3A_464 = arith.index_cast %parallel_loop3A_462 : i32 to index
      %parallel_loop3A_465 = tpu.vector_load %arg5[%parallel_loop3A_463, %parallel_loop3A_464] {strides = array<i32>} : memref<8x4096xf32, #tpu.memory_space<vmem>>, vector<16xf32>,
      %parallel_loop3A_466 = arith.constant 3.200000e+02 : f32
      %parallel_loop3A_467 = vector.broadcast %parallel_loop3A_466 : f32 to vector<16xf32>
      %parallel_loop3A_468 = arith.mulf %parallel_loop3A_465, %parallel_loop3A_467 : vector<16xf32>
      %parallel_loop3A_469 = arith.fptosi %parallel_loop3A_468 : vector<16xf32> to vector<16xi32>
      %parallel_loop3A_470 = arith.constant -16 : i32
      %parallel_loop3A_471 = vector.broadcast %parallel_loop3A_470 : i32 to vector<16xi32>
      %parallel_loop3A_472 = arith.andi %parallel_loop3A_469, %parallel_loop3A_471 : vector<16xi32>
      %parallel_loop3A_473 = arith.ori %parallel_loop3A_472, %iota3A : vector<16xi32>
      tpu.vector_store_idx %arg6[%parallel_loop3A_473], %broadcast_in_dim3A_46 {add = true} : memref<336xf32, #tpu.memory_space<vmem>>[vector<16xi32>], vector<16xf32>,
    } {sc.loop_unroll_factor = 8 : i64, sc.parallel_access}
    %add3A_154 = arith.constant 72 : i32
    %add3A_155 = arith.addi %mul3A_2, %add3A_154 : i32
    %dma_start3A_156 = arith.constant 0 : i32
    %dma_start3A_157 = tpu.memref_slice %arg2[%add3A_155, %dma_start3A_156] : memref<4096x4096xf32, #tpu.memory_space<hbm>> -> memref<8x4096xf32, #tpu.memory_space<hbm>>
    %dma_start3A_158 = arith.constant 0 : i32
    %dma_start3A_159 = tpu.memref_slice %arg2[%add3A_155, %dma_start3A_158] : memref<4096x4096xf32, #tpu.memory_space<hbm>> -> memref<8x4096xf32, #tpu.memory_space<hbm>>
    tpu.enqueue_dma source(%dma_start3A_159 : memref<8x4096xf32, #tpu.memory_space<hbm>>) target(%arg5 : memref<8x4096xf32, #tpu.memory_space<vmem>>) target_semaphore(%arg9 : memref<!tpu.dma_semaphore, #tpu.memory_space<semaphore_mem>>)
    %dma_wait3A_160 = arith.constant 0 : i32
    %dma_wait3A_161 = tpu.memref_slice %arg2[%add3A_142, %dma_wait3A_160] : memref<4096x4096xf32, #tpu.memory_space<hbm>> -> memref<8x4096xf32, #tpu.memory_space<hbm>>
    %dma_wait3A_162 = arith.constant 0 : i32
    %dma_wait3A_163 = tpu.memref_slice %arg2[%add3A_142, %dma_wait3A_162] : memref<4096x4096xf32, #tpu.memory_space<hbm>> -> memref<8x4096xf32, #tpu.memory_space<hbm>>
    tpu.wait_dma2 semaphore(%arg8 : memref<!tpu.dma_semaphore, #tpu.memory_space<semaphore_mem>>) src(%dma_wait3A_163 : memref<8x4096xf32, #tpu.memory_space<hbm>>) dst(%arg4 : memref<8x4096xf32, #tpu.memory_space<vmem>>)
    %parallel_loop3A_164 = arith.constant 0 : i32
    %parallel_loop3A_165 = arith.constant 2048 : i32
    %parallel_loop3A_166 = arith.constant 1 : i32
    scf.for %parallel_loop3A_420 = %parallel_loop3A_164 to %parallel_loop3A_165 step %parallel_loop3A_166  : i32 {
      %parallel_loop3A_421 = arith.constant 256 : i32
      %parallel_loop3A_422 = arith.divsi %parallel_loop3A_420, %parallel_loop3A_421 : i32
      %parallel_loop3A_423 = arith.constant 0 : i32
      %parallel_loop3A_424 = arith.cmpi sgt, %parallel_loop3A_420, %parallel_loop3A_423 : i32
      %parallel_loop3A_425 = arith.extui %parallel_loop3A_424 : i1 to i32
      %parallel_loop3A_426 = arith.constant 0 : i32
      %parallel_loop3A_427 = arith.cmpi slt, %parallel_loop3A_420, %parallel_loop3A_426 : i32
      %parallel_loop3A_428 = arith.extui %parallel_loop3A_427 : i1 to i32
      %parallel_loop3A_429 = arith.subi %parallel_loop3A_425, %parallel_loop3A_428 : i32
      %parallel_loop3A_430 = arith.constant 0 : i32
      %parallel_loop3A_431 = arith.cmpi sgt, %parallel_loop3A_421, %parallel_loop3A_430 : i32
      %parallel_loop3A_432 = arith.extui %parallel_loop3A_431 : i1 to i32
      %parallel_loop3A_433 = arith.constant 0 : i32
      %parallel_loop3A_434 = arith.cmpi slt, %parallel_loop3A_421, %parallel_loop3A_433 : i32
      %parallel_loop3A_435 = arith.extui %parallel_loop3A_434 : i1 to i32
      %parallel_loop3A_436 = arith.subi %parallel_loop3A_432, %parallel_loop3A_435 : i32
      %parallel_loop3A_437 = arith.cmpi ne, %parallel_loop3A_429, %parallel_loop3A_436 : i32
      %parallel_loop3A_438 = arith.remsi %parallel_loop3A_420, %parallel_loop3A_421 : i32
      %parallel_loop3A_439 = arith.constant 0 : i32
      %parallel_loop3A_440 = arith.cmpi ne, %parallel_loop3A_438, %parallel_loop3A_439 : i32
      %parallel_loop3A_441 = arith.andi %parallel_loop3A_437, %parallel_loop3A_440 : i1
      %parallel_loop3A_442 = arith.constant 1 : i32
      %parallel_loop3A_443 = arith.subi %parallel_loop3A_422, %parallel_loop3A_442 : i32
      %parallel_loop3A_444 = arith.select %parallel_loop3A_441, %parallel_loop3A_443, %parallel_loop3A_422 : i32
      %parallel_loop3A_445 = arith.constant 256 : i32
      %parallel_loop3A_446 = arith.constant 0 : i32
      %parallel_loop3A_447 = arith.cmpi eq, %parallel_loop3A_445, %parallel_loop3A_446 : i32
      %parallel_loop3A_448 = arith.constant 1 : i32
      %parallel_loop3A_449 = arith.select %parallel_loop3A_447, %parallel_loop3A_448, %parallel_loop3A_445 : i32
      %parallel_loop3A_450 = arith.remsi %parallel_loop3A_420, %parallel_loop3A_449 : i32
      %parallel_loop3A_451 = arith.constant 0 : i32
      %parallel_loop3A_452 = arith.cmpi ne, %parallel_loop3A_450, %parallel_loop3A_451 : i32
      %parallel_loop3A_453 = arith.constant 0 : i32
      %parallel_loop3A_454 = arith.cmpi slt, %parallel_loop3A_450, %parallel_loop3A_453 : i32
      %parallel_loop3A_455 = arith.constant 0 : i32
      %parallel_loop3A_456 = arith.cmpi slt, %parallel_loop3A_449, %parallel_loop3A_455 : i32
      %parallel_loop3A_457 = arith.xori %parallel_loop3A_454, %parallel_loop3A_456 : i1
      %parallel_loop3A_458 = arith.andi %parallel_loop3A_457, %parallel_loop3A_452 : i1
      %parallel_loop3A_459 = arith.addi %parallel_loop3A_450, %parallel_loop3A_449 : i32
      %parallel_loop3A_460 = arith.select %parallel_loop3A_458, %parallel_loop3A_459, %parallel_loop3A_450 : i32
      %parallel_loop3A_461 = arith.constant 16 : i32
      %parallel_loop3A_462 = arith.muli %parallel_loop3A_460, %parallel_loop3A_461 : i32
      %parallel_loop3A_463 = arith.index_cast %parallel_loop3A_444 : i32 to index
      %parallel_loop3A_464 = arith.index_cast %parallel_loop3A_462 : i32 to index
      %parallel_loop3A_465 = tpu.vector_load %arg4[%parallel_loop3A_463, %parallel_loop3A_464] {strides = array<i32>} : memref<8x4096xf32, #tpu.memory_space<vmem>>, vector<16xf32>,
      %parallel_loop3A_466 = arith.constant 3.200000e+02 : f32
      %parallel_loop3A_467 = vector.broadcast %parallel_loop3A_466 : f32 to vector<16xf32>
      %parallel_loop3A_468 = arith.mulf %parallel_loop3A_465, %parallel_loop3A_467 : vector<16xf32>
      %parallel_loop3A_469 = arith.fptosi %parallel_loop3A_468 : vector<16xf32> to vector<16xi32>
      %parallel_loop3A_470 = arith.constant -16 : i32
      %parallel_loop3A_471 = vector.broadcast %parallel_loop3A_470 : i32 to vector<16xi32>
      %parallel_loop3A_472 = arith.andi %parallel_loop3A_469, %parallel_loop3A_471 : vector<16xi32>
      %parallel_loop3A_473 = arith.ori %parallel_loop3A_472, %iota3A : vector<16xi32>
      tpu.vector_store_idx %arg6[%parallel_loop3A_473], %broadcast_in_dim3A_46 {add = true} : memref<336xf32, #tpu.memory_space<vmem>>[vector<16xi32>], vector<16xf32>,
    } {sc.loop_unroll_factor = 8 : i64, sc.parallel_access}
    %add3A_167 = arith.constant 80 : i32
    %add3A_168 = arith.addi %mul3A_2, %add3A_167 : i32
    %dma_start3A_169 = arith.constant 0 : i32
    %dma_start3A_170 = tpu.memref_slice %arg2[%add3A_168, %dma_start3A_169] : memref<4096x4096xf32, #tpu.memory_space<hbm>> -> memref<8x4096xf32, #tpu.memory_space<hbm>>
    %dma_start3A_171 = arith.constant 0 : i32
    %dma_start3A_172 = tpu.memref_slice %arg2[%add3A_168, %dma_start3A_171] : memref<4096x4096xf32, #tpu.memory_space<hbm>> -> memref<8x4096xf32, #tpu.memory_space<hbm>>
    tpu.enqueue_dma source(%dma_start3A_172 : memref<8x4096xf32, #tpu.memory_space<hbm>>) target(%arg4 : memref<8x4096xf32, #tpu.memory_space<vmem>>) target_semaphore(%arg8 : memref<!tpu.dma_semaphore, #tpu.memory_space<semaphore_mem>>)
    %dma_wait3A_173 = arith.constant 0 : i32
    %dma_wait3A_174 = tpu.memref_slice %arg2[%add3A_155, %dma_wait3A_173] : memref<4096x4096xf32, #tpu.memory_space<hbm>> -> memref<8x4096xf32, #tpu.memory_space<hbm>>
    %dma_wait3A_175 = arith.constant 0 : i32
    %dma_wait3A_176 = tpu.memref_slice %arg2[%add3A_155, %dma_wait3A_175] : memref<4096x4096xf32, #tpu.memory_space<hbm>> -> memref<8x4096xf32, #tpu.memory_space<hbm>>
    tpu.wait_dma2 semaphore(%arg9 : memref<!tpu.dma_semaphore, #tpu.memory_space<semaphore_mem>>) src(%dma_wait3A_176 : memref<8x4096xf32, #tpu.memory_space<hbm>>) dst(%arg5 : memref<8x4096xf32, #tpu.memory_space<vmem>>)
    %parallel_loop3A_177 = arith.constant 0 : i32
    %parallel_loop3A_178 = arith.constant 2048 : i32
    %parallel_loop3A_179 = arith.constant 1 : i32
    scf.for %parallel_loop3A_420 = %parallel_loop3A_177 to %parallel_loop3A_178 step %parallel_loop3A_179  : i32 {
      %parallel_loop3A_421 = arith.constant 256 : i32
      %parallel_loop3A_422 = arith.divsi %parallel_loop3A_420, %parallel_loop3A_421 : i32
      %parallel_loop3A_423 = arith.constant 0 : i32
      %parallel_loop3A_424 = arith.cmpi sgt, %parallel_loop3A_420, %parallel_loop3A_423 : i32
      %parallel_loop3A_425 = arith.extui %parallel_loop3A_424 : i1 to i32
      %parallel_loop3A_426 = arith.constant 0 : i32
      %parallel_loop3A_427 = arith.cmpi slt, %parallel_loop3A_420, %parallel_loop3A_426 : i32
      %parallel_loop3A_428 = arith.extui %parallel_loop3A_427 : i1 to i32
      %parallel_loop3A_429 = arith.subi %parallel_loop3A_425, %parallel_loop3A_428 : i32
      %parallel_loop3A_430 = arith.constant 0 : i32
      %parallel_loop3A_431 = arith.cmpi sgt, %parallel_loop3A_421, %parallel_loop3A_430 : i32
      %parallel_loop3A_432 = arith.extui %parallel_loop3A_431 : i1 to i32
      %parallel_loop3A_433 = arith.constant 0 : i32
      %parallel_loop3A_434 = arith.cmpi slt, %parallel_loop3A_421, %parallel_loop3A_433 : i32
      %parallel_loop3A_435 = arith.extui %parallel_loop3A_434 : i1 to i32
      %parallel_loop3A_436 = arith.subi %parallel_loop3A_432, %parallel_loop3A_435 : i32
      %parallel_loop3A_437 = arith.cmpi ne, %parallel_loop3A_429, %parallel_loop3A_436 : i32
      %parallel_loop3A_438 = arith.remsi %parallel_loop3A_420, %parallel_loop3A_421 : i32
      %parallel_loop3A_439 = arith.constant 0 : i32
      %parallel_loop3A_440 = arith.cmpi ne, %parallel_loop3A_438, %parallel_loop3A_439 : i32
      %parallel_loop3A_441 = arith.andi %parallel_loop3A_437, %parallel_loop3A_440 : i1
      %parallel_loop3A_442 = arith.constant 1 : i32
      %parallel_loop3A_443 = arith.subi %parallel_loop3A_422, %parallel_loop3A_442 : i32
      %parallel_loop3A_444 = arith.select %parallel_loop3A_441, %parallel_loop3A_443, %parallel_loop3A_422 : i32
      %parallel_loop3A_445 = arith.constant 256 : i32
      %parallel_loop3A_446 = arith.constant 0 : i32
      %parallel_loop3A_447 = arith.cmpi eq, %parallel_loop3A_445, %parallel_loop3A_446 : i32
      %parallel_loop3A_448 = arith.constant 1 : i32
      %parallel_loop3A_449 = arith.select %parallel_loop3A_447, %parallel_loop3A_448, %parallel_loop3A_445 : i32
      %parallel_loop3A_450 = arith.remsi %parallel_loop3A_420, %parallel_loop3A_449 : i32
      %parallel_loop3A_451 = arith.constant 0 : i32
      %parallel_loop3A_452 = arith.cmpi ne, %parallel_loop3A_450, %parallel_loop3A_451 : i32
      %parallel_loop3A_453 = arith.constant 0 : i32
      %parallel_loop3A_454 = arith.cmpi slt, %parallel_loop3A_450, %parallel_loop3A_453 : i32
      %parallel_loop3A_455 = arith.constant 0 : i32
      %parallel_loop3A_456 = arith.cmpi slt, %parallel_loop3A_449, %parallel_loop3A_455 : i32
      %parallel_loop3A_457 = arith.xori %parallel_loop3A_454, %parallel_loop3A_456 : i1
      %parallel_loop3A_458 = arith.andi %parallel_loop3A_457, %parallel_loop3A_452 : i1
      %parallel_loop3A_459 = arith.addi %parallel_loop3A_450, %parallel_loop3A_449 : i32
      %parallel_loop3A_460 = arith.select %parallel_loop3A_458, %parallel_loop3A_459, %parallel_loop3A_450 : i32
      %parallel_loop3A_461 = arith.constant 16 : i32
      %parallel_loop3A_462 = arith.muli %parallel_loop3A_460, %parallel_loop3A_461 : i32
      %parallel_loop3A_463 = arith.index_cast %parallel_loop3A_444 : i32 to index
      %parallel_loop3A_464 = arith.index_cast %parallel_loop3A_462 : i32 to index
      %parallel_loop3A_465 = tpu.vector_load %arg5[%parallel_loop3A_463, %parallel_loop3A_464] {strides = array<i32>} : memref<8x4096xf32, #tpu.memory_space<vmem>>, vector<16xf32>,
      %parallel_loop3A_466 = arith.constant 3.200000e+02 : f32
      %parallel_loop3A_467 = vector.broadcast %parallel_loop3A_466 : f32 to vector<16xf32>
      %parallel_loop3A_468 = arith.mulf %parallel_loop3A_465, %parallel_loop3A_467 : vector<16xf32>
      %parallel_loop3A_469 = arith.fptosi %parallel_loop3A_468 : vector<16xf32> to vector<16xi32>
      %parallel_loop3A_470 = arith.constant -16 : i32
      %parallel_loop3A_471 = vector.broadcast %parallel_loop3A_470 : i32 to vector<16xi32>
      %parallel_loop3A_472 = arith.andi %parallel_loop3A_469, %parallel_loop3A_471 : vector<16xi32>
      %parallel_loop3A_473 = arith.ori %parallel_loop3A_472, %iota3A : vector<16xi32>
      tpu.vector_store_idx %arg6[%parallel_loop3A_473], %broadcast_in_dim3A_46 {add = true} : memref<336xf32, #tpu.memory_space<vmem>>[vector<16xi32>], vector<16xf32>,
    } {sc.loop_unroll_factor = 8 : i64, sc.parallel_access}
    %add3A_180 = arith.constant 88 : i32
    %add3A_181 = arith.addi %mul3A_2, %add3A_180 : i32
    %dma_start3A_182 = arith.constant 0 : i32
    %dma_start3A_183 = tpu.memref_slice %arg2[%add3A_181, %dma_start3A_182] : memref<4096x4096xf32, #tpu.memory_space<hbm>> -> memref<8x4096xf32, #tpu.memory_space<hbm>>
    %dma_start3A_184 = arith.constant 0 : i32
    %dma_start3A_185 = tpu.memref_slice %arg2[%add3A_181, %dma_start3A_184] : memref<4096x4096xf32, #tpu.memory_space<hbm>> -> memref<8x4096xf32, #tpu.memory_space<hbm>>
    tpu.enqueue_dma source(%dma_start3A_185 : memref<8x4096xf32, #tpu.memory_space<hbm>>) target(%arg5 : memref<8x4096xf32, #tpu.memory_space<vmem>>) target_semaphore(%arg9 : memref<!tpu.dma_semaphore, #tpu.memory_space<semaphore_mem>>)
    %dma_wait3A_186 = arith.constant 0 : i32
    %dma_wait3A_187 = tpu.memref_slice %arg2[%add3A_168, %dma_wait3A_186] : memref<4096x4096xf32, #tpu.memory_space<hbm>> -> memref<8x4096xf32, #tpu.memory_space<hbm>>
    %dma_wait3A_188 = arith.constant 0 : i32
    %dma_wait3A_189 = tpu.memref_slice %arg2[%add3A_168, %dma_wait3A_188] : memref<4096x4096xf32, #tpu.memory_space<hbm>> -> memref<8x4096xf32, #tpu.memory_space<hbm>>
    tpu.wait_dma2 semaphore(%arg8 : memref<!tpu.dma_semaphore, #tpu.memory_space<semaphore_mem>>) src(%dma_wait3A_189 : memref<8x4096xf32, #tpu.memory_space<hbm>>) dst(%arg4 : memref<8x4096xf32, #tpu.memory_space<vmem>>)
    %parallel_loop3A_190 = arith.constant 0 : i32
    %parallel_loop3A_191 = arith.constant 2048 : i32
    %parallel_loop3A_192 = arith.constant 1 : i32
    scf.for %parallel_loop3A_420 = %parallel_loop3A_190 to %parallel_loop3A_191 step %parallel_loop3A_192  : i32 {
      %parallel_loop3A_421 = arith.constant 256 : i32
      %parallel_loop3A_422 = arith.divsi %parallel_loop3A_420, %parallel_loop3A_421 : i32
      %parallel_loop3A_423 = arith.constant 0 : i32
      %parallel_loop3A_424 = arith.cmpi sgt, %parallel_loop3A_420, %parallel_loop3A_423 : i32
      %parallel_loop3A_425 = arith.extui %parallel_loop3A_424 : i1 to i32
      %parallel_loop3A_426 = arith.constant 0 : i32
      %parallel_loop3A_427 = arith.cmpi slt, %parallel_loop3A_420, %parallel_loop3A_426 : i32
      %parallel_loop3A_428 = arith.extui %parallel_loop3A_427 : i1 to i32
      %parallel_loop3A_429 = arith.subi %parallel_loop3A_425, %parallel_loop3A_428 : i32
      %parallel_loop3A_430 = arith.constant 0 : i32
      %parallel_loop3A_431 = arith.cmpi sgt, %parallel_loop3A_421, %parallel_loop3A_430 : i32
      %parallel_loop3A_432 = arith.extui %parallel_loop3A_431 : i1 to i32
      %parallel_loop3A_433 = arith.constant 0 : i32
      %parallel_loop3A_434 = arith.cmpi slt, %parallel_loop3A_421, %parallel_loop3A_433 : i32
      %parallel_loop3A_435 = arith.extui %parallel_loop3A_434 : i1 to i32
      %parallel_loop3A_436 = arith.subi %parallel_loop3A_432, %parallel_loop3A_435 : i32
      %parallel_loop3A_437 = arith.cmpi ne, %parallel_loop3A_429, %parallel_loop3A_436 : i32
      %parallel_loop3A_438 = arith.remsi %parallel_loop3A_420, %parallel_loop3A_421 : i32
      %parallel_loop3A_439 = arith.constant 0 : i32
      %parallel_loop3A_440 = arith.cmpi ne, %parallel_loop3A_438, %parallel_loop3A_439 : i32
      %parallel_loop3A_441 = arith.andi %parallel_loop3A_437, %parallel_loop3A_440 : i1
      %parallel_loop3A_442 = arith.constant 1 : i32
      %parallel_loop3A_443 = arith.subi %parallel_loop3A_422, %parallel_loop3A_442 : i32
      %parallel_loop3A_444 = arith.select %parallel_loop3A_441, %parallel_loop3A_443, %parallel_loop3A_422 : i32
      %parallel_loop3A_445 = arith.constant 256 : i32
      %parallel_loop3A_446 = arith.constant 0 : i32
      %parallel_loop3A_447 = arith.cmpi eq, %parallel_loop3A_445, %parallel_loop3A_446 : i32
      %parallel_loop3A_448 = arith.constant 1 : i32
      %parallel_loop3A_449 = arith.select %parallel_loop3A_447, %parallel_loop3A_448, %parallel_loop3A_445 : i32
      %parallel_loop3A_450 = arith.remsi %parallel_loop3A_420, %parallel_loop3A_449 : i32
      %parallel_loop3A_451 = arith.constant 0 : i32
      %parallel_loop3A_452 = arith.cmpi ne, %parallel_loop3A_450, %parallel_loop3A_451 : i32
      %parallel_loop3A_453 = arith.constant 0 : i32
      %parallel_loop3A_454 = arith.cmpi slt, %parallel_loop3A_450, %parallel_loop3A_453 : i32
      %parallel_loop3A_455 = arith.constant 0 : i32
      %parallel_loop3A_456 = arith.cmpi slt, %parallel_loop3A_449, %parallel_loop3A_455 : i32
      %parallel_loop3A_457 = arith.xori %parallel_loop3A_454, %parallel_loop3A_456 : i1
      %parallel_loop3A_458 = arith.andi %parallel_loop3A_457, %parallel_loop3A_452 : i1
      %parallel_loop3A_459 = arith.addi %parallel_loop3A_450, %parallel_loop3A_449 : i32
      %parallel_loop3A_460 = arith.select %parallel_loop3A_458, %parallel_loop3A_459, %parallel_loop3A_450 : i32
      %parallel_loop3A_461 = arith.constant 16 : i32
      %parallel_loop3A_462 = arith.muli %parallel_loop3A_460, %parallel_loop3A_461 : i32
      %parallel_loop3A_463 = arith.index_cast %parallel_loop3A_444 : i32 to index
      %parallel_loop3A_464 = arith.index_cast %parallel_loop3A_462 : i32 to index
      %parallel_loop3A_465 = tpu.vector_load %arg4[%parallel_loop3A_463, %parallel_loop3A_464] {strides = array<i32>} : memref<8x4096xf32, #tpu.memory_space<vmem>>, vector<16xf32>,
      %parallel_loop3A_466 = arith.constant 3.200000e+02 : f32
      %parallel_loop3A_467 = vector.broadcast %parallel_loop3A_466 : f32 to vector<16xf32>
      %parallel_loop3A_468 = arith.mulf %parallel_loop3A_465, %parallel_loop3A_467 : vector<16xf32>
      %parallel_loop3A_469 = arith.fptosi %parallel_loop3A_468 : vector<16xf32> to vector<16xi32>
      %parallel_loop3A_470 = arith.constant -16 : i32
      %parallel_loop3A_471 = vector.broadcast %parallel_loop3A_470 : i32 to vector<16xi32>
      %parallel_loop3A_472 = arith.andi %parallel_loop3A_469, %parallel_loop3A_471 : vector<16xi32>
      %parallel_loop3A_473 = arith.ori %parallel_loop3A_472, %iota3A : vector<16xi32>
      tpu.vector_store_idx %arg6[%parallel_loop3A_473], %broadcast_in_dim3A_46 {add = true} : memref<336xf32, #tpu.memory_space<vmem>>[vector<16xi32>], vector<16xf32>,
    } {sc.loop_unroll_factor = 8 : i64, sc.parallel_access}
    %dma_wait3A_193 = arith.constant 0 : i32
    %dma_wait3A_194 = tpu.memref_slice %arg2[%add3A_181, %dma_wait3A_193] : memref<4096x4096xf32, #tpu.memory_space<hbm>> -> memref<8x4096xf32, #tpu.memory_space<hbm>>
    %dma_wait3A_195 = arith.constant 0 : i32
    %dma_wait3A_196 = tpu.memref_slice %arg2[%add3A_181, %dma_wait3A_195] : memref<4096x4096xf32, #tpu.memory_space<hbm>> -> memref<8x4096xf32, #tpu.memory_space<hbm>>
    tpu.wait_dma2 semaphore(%arg9 : memref<!tpu.dma_semaphore, #tpu.memory_space<semaphore_mem>>) src(%dma_wait3A_196 : memref<8x4096xf32, #tpu.memory_space<hbm>>) dst(%arg5 : memref<8x4096xf32, #tpu.memory_space<vmem>>)
    %parallel_loop3A_197 = arith.constant 0 : i32
    %parallel_loop3A_198 = arith.constant 2048 : i32
    %parallel_loop3A_199 = arith.constant 1 : i32
    scf.for %parallel_loop3A_420 = %parallel_loop3A_197 to %parallel_loop3A_198 step %parallel_loop3A_199  : i32 {
      %parallel_loop3A_421 = arith.constant 256 : i32
      %parallel_loop3A_422 = arith.divsi %parallel_loop3A_420, %parallel_loop3A_421 : i32
      %parallel_loop3A_423 = arith.constant 0 : i32
      %parallel_loop3A_424 = arith.cmpi sgt, %parallel_loop3A_420, %parallel_loop3A_423 : i32
      %parallel_loop3A_425 = arith.extui %parallel_loop3A_424 : i1 to i32
      %parallel_loop3A_426 = arith.constant 0 : i32
      %parallel_loop3A_427 = arith.cmpi slt, %parallel_loop3A_420, %parallel_loop3A_426 : i32
      %parallel_loop3A_428 = arith.extui %parallel_loop3A_427 : i1 to i32
      %parallel_loop3A_429 = arith.subi %parallel_loop3A_425, %parallel_loop3A_428 : i32
      %parallel_loop3A_430 = arith.constant 0 : i32
      %parallel_loop3A_431 = arith.cmpi sgt, %parallel_loop3A_421, %parallel_loop3A_430 : i32
      %parallel_loop3A_432 = arith.extui %parallel_loop3A_431 : i1 to i32
      %parallel_loop3A_433 = arith.constant 0 : i32
      %parallel_loop3A_434 = arith.cmpi slt, %parallel_loop3A_421, %parallel_loop3A_433 : i32
      %parallel_loop3A_435 = arith.extui %parallel_loop3A_434 : i1 to i32
      %parallel_loop3A_436 = arith.subi %parallel_loop3A_432, %parallel_loop3A_435 : i32
      %parallel_loop3A_437 = arith.cmpi ne, %parallel_loop3A_429, %parallel_loop3A_436 : i32
      %parallel_loop3A_438 = arith.remsi %parallel_loop3A_420, %parallel_loop3A_421 : i32
      %parallel_loop3A_439 = arith.constant 0 : i32
      %parallel_loop3A_440 = arith.cmpi ne, %parallel_loop3A_438, %parallel_loop3A_439 : i32
      %parallel_loop3A_441 = arith.andi %parallel_loop3A_437, %parallel_loop3A_440 : i1
      %parallel_loop3A_442 = arith.constant 1 : i32
      %parallel_loop3A_443 = arith.subi %parallel_loop3A_422, %parallel_loop3A_442 : i32
      %parallel_loop3A_444 = arith.select %parallel_loop3A_441, %parallel_loop3A_443, %parallel_loop3A_422 : i32
      %parallel_loop3A_445 = arith.constant 256 : i32
      %parallel_loop3A_446 = arith.constant 0 : i32
      %parallel_loop3A_447 = arith.cmpi eq, %parallel_loop3A_445, %parallel_loop3A_446 : i32
      %parallel_loop3A_448 = arith.constant 1 : i32
      %parallel_loop3A_449 = arith.select %parallel_loop3A_447, %parallel_loop3A_448, %parallel_loop3A_445 : i32
      %parallel_loop3A_450 = arith.remsi %parallel_loop3A_420, %parallel_loop3A_449 : i32
      %parallel_loop3A_451 = arith.constant 0 : i32
      %parallel_loop3A_452 = arith.cmpi ne, %parallel_loop3A_450, %parallel_loop3A_451 : i32
      %parallel_loop3A_453 = arith.constant 0 : i32
      %parallel_loop3A_454 = arith.cmpi slt, %parallel_loop3A_450, %parallel_loop3A_453 : i32
      %parallel_loop3A_455 = arith.constant 0 : i32
      %parallel_loop3A_456 = arith.cmpi slt, %parallel_loop3A_449, %parallel_loop3A_455 : i32
      %parallel_loop3A_457 = arith.xori %parallel_loop3A_454, %parallel_loop3A_456 : i1
      %parallel_loop3A_458 = arith.andi %parallel_loop3A_457, %parallel_loop3A_452 : i1
      %parallel_loop3A_459 = arith.addi %parallel_loop3A_450, %parallel_loop3A_449 : i32
      %parallel_loop3A_460 = arith.select %parallel_loop3A_458, %parallel_loop3A_459, %parallel_loop3A_450 : i32
      %parallel_loop3A_461 = arith.constant 16 : i32
      %parallel_loop3A_462 = arith.muli %parallel_loop3A_460, %parallel_loop3A_461 : i32
      %parallel_loop3A_463 = arith.index_cast %parallel_loop3A_444 : i32 to index
      %parallel_loop3A_464 = arith.index_cast %parallel_loop3A_462 : i32 to index
      %parallel_loop3A_465 = tpu.vector_load %arg5[%parallel_loop3A_463, %parallel_loop3A_464] {strides = array<i32>} : memref<8x4096xf32, #tpu.memory_space<vmem>>, vector<16xf32>,
      %parallel_loop3A_466 = arith.constant 3.200000e+02 : f32
      %parallel_loop3A_467 = vector.broadcast %parallel_loop3A_466 : f32 to vector<16xf32>
      %parallel_loop3A_468 = arith.mulf %parallel_loop3A_465, %parallel_loop3A_467 : vector<16xf32>
      %parallel_loop3A_469 = arith.fptosi %parallel_loop3A_468 : vector<16xf32> to vector<16xi32>
      %parallel_loop3A_470 = arith.constant -16 : i32
      %parallel_loop3A_471 = vector.broadcast %parallel_loop3A_470 : i32 to vector<16xi32>
      %parallel_loop3A_472 = arith.andi %parallel_loop3A_469, %parallel_loop3A_471 : vector<16xi32>
      %parallel_loop3A_473 = arith.ori %parallel_loop3A_472, %iota3A : vector<16xi32>
      tpu.vector_store_idx %arg6[%parallel_loop3A_473], %broadcast_in_dim3A_46 {add = true} : memref<336xf32, #tpu.memory_space<vmem>>[vector<16xi32>], vector<16xf32>,
    } {sc.loop_unroll_factor = 8 : i64, sc.parallel_access}
    %eq3A = arith.constant 0 : i32
    %eq3A_200 = vector.broadcast %eq3A : i32 to vector<16xi32>
    %eq3A_201 = arith.cmpi eq, %iota3A, %eq3A_200 : vector<16xi32>
    %get3A = arith.constant 0 : index
    %get3A_202 = tpu.vector_load %arg6[%get3A] {strides = array<i32>} : memref<336xf32, #tpu.memory_space<vmem>>, vector<16xf32>,
    %reduce_sum3A = arith.constant true
    %reduce_sum3A_203 = vector.broadcast %reduce_sum3A : i1 to vector<16xi1>
    %reduce_sum3A_204 = tpu.scan <sum>, %get3A_202 masked %reduce_sum3A_203 : vector<16xf32>, vector<16xi1> -> vector<16xf32>
    %reduce_sum3A_205 = vector.extract %reduce_sum3A_204[15] : f32 from vector<16xf32>
    %broadcast_in_dim3A_206 = vector.broadcast %reduce_sum3A_205 : f32 to vector<16xf32>
    %select_n3A = arith.select %eq3A_201, %broadcast_in_dim3A_206, %broadcast_in_dim3A_3 : vector<16xi1>, vector<16xf32>
    %eq3A_207 = arith.constant 1 : i32
    %eq3A_208 = vector.broadcast %eq3A_207 : i32 to vector<16xi32>
    %eq3A_209 = arith.cmpi eq, %iota3A, %eq3A_208 : vector<16xi32>
    %get3A_210 = arith.constant 16 : index
    %get3A_211 = tpu.vector_load %arg6[%get3A_210] {strides = array<i32>} : memref<336xf32, #tpu.memory_space<vmem>>, vector<16xf32>,
    %reduce_sum3A_212 = arith.constant true
    %reduce_sum3A_213 = vector.broadcast %reduce_sum3A_212 : i1 to vector<16xi1>
    %reduce_sum3A_214 = tpu.scan <sum>, %get3A_211 masked %reduce_sum3A_213 : vector<16xf32>, vector<16xi1> -> vector<16xf32>
    %reduce_sum3A_215 = vector.extract %reduce_sum3A_214[15] : f32 from vector<16xf32>
    %broadcast_in_dim3A_216 = vector.broadcast %reduce_sum3A_215 : f32 to vector<16xf32>
    %select_n3A_217 = arith.select %eq3A_209, %broadcast_in_dim3A_216, %select_n3A : vector<16xi1>, vector<16xf32>
    %eq3A_218 = arith.constant 2 : i32
    %eq3A_219 = vector.broadcast %eq3A_218 : i32 to vector<16xi32>
    %eq3A_220 = arith.cmpi eq, %iota3A, %eq3A_219 : vector<16xi32>
    %get3A_221 = arith.constant 32 : index
    %get3A_222 = tpu.vector_load %arg6[%get3A_221] {strides = array<i32>} : memref<336xf32, #tpu.memory_space<vmem>>, vector<16xf32>,
    %reduce_sum3A_223 = arith.constant true
    %reduce_sum3A_224 = vector.broadcast %reduce_sum3A_223 : i1 to vector<16xi1>
    %reduce_sum3A_225 = tpu.scan <sum>, %get3A_222 masked %reduce_sum3A_224 : vector<16xf32>, vector<16xi1> -> vector<16xf32>
    %reduce_sum3A_226 = vector.extract %reduce_sum3A_225[15] : f32 from vector<16xf32>
    %broadcast_in_dim3A_227 = vector.broadcast %reduce_sum3A_226 : f32 to vector<16xf32>
    %select_n3A_228 = arith.select %eq3A_220, %broadcast_in_dim3A_227, %select_n3A_217 : vector<16xi1>, vector<16xf32>
    %eq3A_229 = arith.constant 3 : i32
    %eq3A_230 = vector.broadcast %eq3A_229 : i32 to vector<16xi32>
    %eq3A_231 = arith.cmpi eq, %iota3A, %eq3A_230 : vector<16xi32>
    %get3A_232 = arith.constant 48 : index
    %get3A_233 = tpu.vector_load %arg6[%get3A_232] {strides = array<i32>} : memref<336xf32, #tpu.memory_space<vmem>>, vector<16xf32>,
    %reduce_sum3A_234 = arith.constant true
    %reduce_sum3A_235 = vector.broadcast %reduce_sum3A_234 : i1 to vector<16xi1>
    %reduce_sum3A_236 = tpu.scan <sum>, %get3A_233 masked %reduce_sum3A_235 : vector<16xf32>, vector<16xi1> -> vector<16xf32>
    %reduce_sum3A_237 = vector.extract %reduce_sum3A_236[15] : f32 from vector<16xf32>
    %broadcast_in_dim3A_238 = vector.broadcast %reduce_sum3A_237 : f32 to vector<16xf32>
    %select_n3A_239 = arith.select %eq3A_231, %broadcast_in_dim3A_238, %select_n3A_228 : vector<16xi1>, vector<16xf32>
    %eq3A_240 = arith.constant 4 : i32
    %eq3A_241 = vector.broadcast %eq3A_240 : i32 to vector<16xi32>
    %eq3A_242 = arith.cmpi eq, %iota3A, %eq3A_241 : vector<16xi32>
    %get3A_243 = arith.constant 64 : index
    %get3A_244 = tpu.vector_load %arg6[%get3A_243] {strides = array<i32>} : memref<336xf32, #tpu.memory_space<vmem>>, vector<16xf32>,
    %reduce_sum3A_245 = arith.constant true
    %reduce_sum3A_246 = vector.broadcast %reduce_sum3A_245 : i1 to vector<16xi1>
    %reduce_sum3A_247 = tpu.scan <sum>, %get3A_244 masked %reduce_sum3A_246 : vector<16xf32>, vector<16xi1> -> vector<16xf32>
    %reduce_sum3A_248 = vector.extract %reduce_sum3A_247[15] : f32 from vector<16xf32>
    %broadcast_in_dim3A_249 = vector.broadcast %reduce_sum3A_248 : f32 to vector<16xf32>
    %select_n3A_250 = arith.select %eq3A_242, %broadcast_in_dim3A_249, %select_n3A_239 : vector<16xi1>, vector<16xf32>
    %eq3A_251 = arith.constant 5 : i32
    %eq3A_252 = vector.broadcast %eq3A_251 : i32 to vector<16xi32>
    %eq3A_253 = arith.cmpi eq, %iota3A, %eq3A_252 : vector<16xi32>
    %get3A_254 = arith.constant 80 : index
    %get3A_255 = tpu.vector_load %arg6[%get3A_254] {strides = array<i32>} : memref<336xf32, #tpu.memory_space<vmem>>, vector<16xf32>,
    %reduce_sum3A_256 = arith.constant true
    %reduce_sum3A_257 = vector.broadcast %reduce_sum3A_256 : i1 to vector<16xi1>
    %reduce_sum3A_258 = tpu.scan <sum>, %get3A_255 masked %reduce_sum3A_257 : vector<16xf32>, vector<16xi1> -> vector<16xf32>
    %reduce_sum3A_259 = vector.extract %reduce_sum3A_258[15] : f32 from vector<16xf32>
    %broadcast_in_dim3A_260 = vector.broadcast %reduce_sum3A_259 : f32 to vector<16xf32>
    %select_n3A_261 = arith.select %eq3A_253, %broadcast_in_dim3A_260, %select_n3A_250 : vector<16xi1>, vector<16xf32>
    %eq3A_262 = arith.constant 6 : i32
    %eq3A_263 = vector.broadcast %eq3A_262 : i32 to vector<16xi32>
    %eq3A_264 = arith.cmpi eq, %iota3A, %eq3A_263 : vector<16xi32>
    %get3A_265 = arith.constant 96 : index
    %get3A_266 = tpu.vector_load %arg6[%get3A_265] {strides = array<i32>} : memref<336xf32, #tpu.memory_space<vmem>>, vector<16xf32>,
    %reduce_sum3A_267 = arith.constant true
    %reduce_sum3A_268 = vector.broadcast %reduce_sum3A_267 : i1 to vector<16xi1>
    %reduce_sum3A_269 = tpu.scan <sum>, %get3A_266 masked %reduce_sum3A_268 : vector<16xf32>, vector<16xi1> -> vector<16xf32>
    %reduce_sum3A_270 = vector.extract %reduce_sum3A_269[15] : f32 from vector<16xf32>
    %broadcast_in_dim3A_271 = vector.broadcast %reduce_sum3A_270 : f32 to vector<16xf32>
    %select_n3A_272 = arith.select %eq3A_264, %broadcast_in_dim3A_271, %select_n3A_261 : vector<16xi1>, vector<16xf32>
    %eq3A_273 = arith.constant 7 : i32
    %eq3A_274 = vector.broadcast %eq3A_273 : i32 to vector<16xi32>
    %eq3A_275 = arith.cmpi eq, %iota3A, %eq3A_274 : vector<16xi32>
    %get3A_276 = arith.constant 112 : index
    %get3A_277 = tpu.vector_load %arg6[%get3A_276] {strides = array<i32>} : memref<336xf32, #tpu.memory_space<vmem>>, vector<16xf32>,
    %reduce_sum3A_278 = arith.constant true
    %reduce_sum3A_279 = vector.broadcast %reduce_sum3A_278 : i1 to vector<16xi1>
    %reduce_sum3A_280 = tpu.scan <sum>, %get3A_277 masked %reduce_sum3A_279 : vector<16xf32>, vector<16xi1> -> vector<16xf32>
    %reduce_sum3A_281 = vector.extract %reduce_sum3A_280[15] : f32 from vector<16xf32>
    %broadcast_in_dim3A_282 = vector.broadcast %reduce_sum3A_281 : f32 to vector<16xf32>
    %select_n3A_283 = arith.select %eq3A_275, %broadcast_in_dim3A_282, %select_n3A_272 : vector<16xi1>, vector<16xf32>
    %eq3A_284 = arith.constant 8 : i32
    %eq3A_285 = vector.broadcast %eq3A_284 : i32 to vector<16xi32>
    %eq3A_286 = arith.cmpi eq, %iota3A, %eq3A_285 : vector<16xi32>
    %get3A_287 = arith.constant 128 : index
    %get3A_288 = tpu.vector_load %arg6[%get3A_287] {strides = array<i32>} : memref<336xf32, #tpu.memory_space<vmem>>, vector<16xf32>,
    %reduce_sum3A_289 = arith.constant true
    %reduce_sum3A_290 = vector.broadcast %reduce_sum3A_289 : i1 to vector<16xi1>
    %reduce_sum3A_291 = tpu.scan <sum>, %get3A_288 masked %reduce_sum3A_290 : vector<16xf32>, vector<16xi1> -> vector<16xf32>
    %reduce_sum3A_292 = vector.extract %reduce_sum3A_291[15] : f32 from vector<16xf32>
    %broadcast_in_dim3A_293 = vector.broadcast %reduce_sum3A_292 : f32 to vector<16xf32>
    %select_n3A_294 = arith.select %eq3A_286, %broadcast_in_dim3A_293, %select_n3A_283 : vector<16xi1>, vector<16xf32>
    %eq3A_295 = arith.constant 9 : i32
    %eq3A_296 = vector.broadcast %eq3A_295 : i32 to vector<16xi32>
    %eq3A_297 = arith.cmpi eq, %iota3A, %eq3A_296 : vector<16xi32>
    %get3A_298 = arith.constant 144 : index
    %get3A_299 = tpu.vector_load %arg6[%get3A_298] {strides = array<i32>} : memref<336xf32, #tpu.memory_space<vmem>>, vector<16xf32>,
    %reduce_sum3A_300 = arith.constant true
    %reduce_sum3A_301 = vector.broadcast %reduce_sum3A_300 : i1 to vector<16xi1>
    %reduce_sum3A_302 = tpu.scan <sum>, %get3A_299 masked %reduce_sum3A_301 : vector<16xf32>, vector<16xi1> -> vector<16xf32>
    %reduce_sum3A_303 = vector.extract %reduce_sum3A_302[15] : f32 from vector<16xf32>
    %broadcast_in_dim3A_304 = vector.broadcast %reduce_sum3A_303 : f32 to vector<16xf32>
    %select_n3A_305 = arith.select %eq3A_297, %broadcast_in_dim3A_304, %select_n3A_294 : vector<16xi1>, vector<16xf32>
    %eq3A_306 = arith.constant 10 : i32
    %eq3A_307 = vector.broadcast %eq3A_306 : i32 to vector<16xi32>
    %eq3A_308 = arith.cmpi eq, %iota3A, %eq3A_307 : vector<16xi32>
    %get3A_309 = arith.constant 160 : index
    %get3A_310 = tpu.vector_load %arg6[%get3A_309] {strides = array<i32>} : memref<336xf32, #tpu.memory_space<vmem>>, vector<16xf32>,
    %reduce_sum3A_311 = arith.constant true
    %reduce_sum3A_312 = vector.broadcast %reduce_sum3A_311 : i1 to vector<16xi1>
    %reduce_sum3A_313 = tpu.scan <sum>, %get3A_310 masked %reduce_sum3A_312 : vector<16xf32>, vector<16xi1> -> vector<16xf32>
    %reduce_sum3A_314 = vector.extract %reduce_sum3A_313[15] : f32 from vector<16xf32>
    %broadcast_in_dim3A_315 = vector.broadcast %reduce_sum3A_314 : f32 to vector<16xf32>
    %select_n3A_316 = arith.select %eq3A_308, %broadcast_in_dim3A_315, %select_n3A_305 : vector<16xi1>, vector<16xf32>
    %eq3A_317 = arith.constant 11 : i32
    %eq3A_318 = vector.broadcast %eq3A_317 : i32 to vector<16xi32>
    %eq3A_319 = arith.cmpi eq, %iota3A, %eq3A_318 : vector<16xi32>
    %get3A_320 = arith.constant 176 : index
    %get3A_321 = tpu.vector_load %arg6[%get3A_320] {strides = array<i32>} : memref<336xf32, #tpu.memory_space<vmem>>, vector<16xf32>,
    %reduce_sum3A_322 = arith.constant true
    %reduce_sum3A_323 = vector.broadcast %reduce_sum3A_322 : i1 to vector<16xi1>
    %reduce_sum3A_324 = tpu.scan <sum>, %get3A_321 masked %reduce_sum3A_323 : vector<16xf32>, vector<16xi1> -> vector<16xf32>
    %reduce_sum3A_325 = vector.extract %reduce_sum3A_324[15] : f32 from vector<16xf32>
    %broadcast_in_dim3A_326 = vector.broadcast %reduce_sum3A_325 : f32 to vector<16xf32>
    %select_n3A_327 = arith.select %eq3A_319, %broadcast_in_dim3A_326, %select_n3A_316 : vector<16xi1>, vector<16xf32>
    %eq3A_328 = arith.constant 12 : i32
    %eq3A_329 = vector.broadcast %eq3A_328 : i32 to vector<16xi32>
    %eq3A_330 = arith.cmpi eq, %iota3A, %eq3A_329 : vector<16xi32>
    %get3A_331 = arith.constant 192 : index
    %get3A_332 = tpu.vector_load %arg6[%get3A_331] {strides = array<i32>} : memref<336xf32, #tpu.memory_space<vmem>>, vector<16xf32>,
    %reduce_sum3A_333 = arith.constant true
    %reduce_sum3A_334 = vector.broadcast %reduce_sum3A_333 : i1 to vector<16xi1>
    %reduce_sum3A_335 = tpu.scan <sum>, %get3A_332 masked %reduce_sum3A_334 : vector<16xf32>, vector<16xi1> -> vector<16xf32>
    %reduce_sum3A_336 = vector.extract %reduce_sum3A_335[15] : f32 from vector<16xf32>
    %broadcast_in_dim3A_337 = vector.broadcast %reduce_sum3A_336 : f32 to vector<16xf32>
    %select_n3A_338 = arith.select %eq3A_330, %broadcast_in_dim3A_337, %select_n3A_327 : vector<16xi1>, vector<16xf32>
    %eq3A_339 = arith.constant 13 : i32
    %eq3A_340 = vector.broadcast %eq3A_339 : i32 to vector<16xi32>
    %eq3A_341 = arith.cmpi eq, %iota3A, %eq3A_340 : vector<16xi32>
    %get3A_342 = arith.constant 208 : index
    %get3A_343 = tpu.vector_load %arg6[%get3A_342] {strides = array<i32>} : memref<336xf32, #tpu.memory_space<vmem>>, vector<16xf32>,
    %reduce_sum3A_344 = arith.constant true
    %reduce_sum3A_345 = vector.broadcast %reduce_sum3A_344 : i1 to vector<16xi1>
    %reduce_sum3A_346 = tpu.scan <sum>, %get3A_343 masked %reduce_sum3A_345 : vector<16xf32>, vector<16xi1> -> vector<16xf32>
    %reduce_sum3A_347 = vector.extract %reduce_sum3A_346[15] : f32 from vector<16xf32>
    %broadcast_in_dim3A_348 = vector.broadcast %reduce_sum3A_347 : f32 to vector<16xf32>
    %select_n3A_349 = arith.select %eq3A_341, %broadcast_in_dim3A_348, %select_n3A_338 : vector<16xi1>, vector<16xf32>
    %eq3A_350 = arith.constant 14 : i32
    %eq3A_351 = vector.broadcast %eq3A_350 : i32 to vector<16xi32>
    %eq3A_352 = arith.cmpi eq, %iota3A, %eq3A_351 : vector<16xi32>
    %get3A_353 = arith.constant 224 : index
    %get3A_354 = tpu.vector_load %arg6[%get3A_353] {strides = array<i32>} : memref<336xf32, #tpu.memory_space<vmem>>, vector<16xf32>,
    %reduce_sum3A_355 = arith.constant true
    %reduce_sum3A_356 = vector.broadcast %reduce_sum3A_355 : i1 to vector<16xi1>
    %reduce_sum3A_357 = tpu.scan <sum>, %get3A_354 masked %reduce_sum3A_356 : vector<16xf32>, vector<16xi1> -> vector<16xf32>
    %reduce_sum3A_358 = vector.extract %reduce_sum3A_357[15] : f32 from vector<16xf32>
    %broadcast_in_dim3A_359 = vector.broadcast %reduce_sum3A_358 : f32 to vector<16xf32>
    %select_n3A_360 = arith.select %eq3A_352, %broadcast_in_dim3A_359, %select_n3A_349 : vector<16xi1>, vector<16xf32>
    %eq3A_361 = arith.constant 15 : i32
    %eq3A_362 = vector.broadcast %eq3A_361 : i32 to vector<16xi32>
    %eq3A_363 = arith.cmpi eq, %iota3A, %eq3A_362 : vector<16xi32>
    %get3A_364 = arith.constant 240 : index
    %get3A_365 = tpu.vector_load %arg6[%get3A_364] {strides = array<i32>} : memref<336xf32, #tpu.memory_space<vmem>>, vector<16xf32>,
    %reduce_sum3A_366 = arith.constant true
    %reduce_sum3A_367 = vector.broadcast %reduce_sum3A_366 : i1 to vector<16xi1>
    %reduce_sum3A_368 = tpu.scan <sum>, %get3A_365 masked %reduce_sum3A_367 : vector<16xf32>, vector<16xi1> -> vector<16xf32>
    %reduce_sum3A_369 = vector.extract %reduce_sum3A_368[15] : f32 from vector<16xf32>
    %broadcast_in_dim3A_370 = vector.broadcast %reduce_sum3A_369 : f32 to vector<16xf32>
    %select_n3A_371 = arith.select %eq3A_363, %broadcast_in_dim3A_370, %select_n3A_360 : vector<16xi1>, vector<16xf32>
    %eq3A_372 = arith.constant 0 : i32
    %eq3A_373 = vector.broadcast %eq3A_372 : i32 to vector<16xi32>
    %eq3A_374 = arith.cmpi eq, %iota3A, %eq3A_373 : vector<16xi32>
    %get3A_375 = arith.constant 256 : index
    %get3A_376 = tpu.vector_load %arg6[%get3A_375] {strides = array<i32>} : memref<336xf32, #tpu.memory_space<vmem>>, vector<16xf32>,
    %reduce_sum3A_377 = arith.constant true
    %reduce_sum3A_378 = vector.broadcast %reduce_sum3A_377 : i1 to vector<16xi1>
    %reduce_sum3A_379 = tpu.scan <sum>, %get3A_376 masked %reduce_sum3A_378 : vector<16xf32>, vector<16xi1> -> vector<16xf32>
    %reduce_sum3A_380 = vector.extract %reduce_sum3A_379[15] : f32 from vector<16xf32>
    %broadcast_in_dim3A_381 = vector.broadcast %reduce_sum3A_380 : f32 to vector<16xf32>
    %select_n3A_382 = arith.select %eq3A_374, %broadcast_in_dim3A_381, %broadcast_in_dim3A_3 : vector<16xi1>, vector<16xf32>
    %eq3A_383 = arith.constant 1 : i32
    %eq3A_384 = vector.broadcast %eq3A_383 : i32 to vector<16xi32>
    %eq3A_385 = arith.cmpi eq, %iota3A, %eq3A_384 : vector<16xi32>
    %get3A_386 = arith.constant 272 : index
    %get3A_387 = tpu.vector_load %arg6[%get3A_386] {strides = array<i32>} : memref<336xf32, #tpu.memory_space<vmem>>, vector<16xf32>,
    %reduce_sum3A_388 = arith.constant true
    %reduce_sum3A_389 = vector.broadcast %reduce_sum3A_388 : i1 to vector<16xi1>
    %reduce_sum3A_390 = tpu.scan <sum>, %get3A_387 masked %reduce_sum3A_389 : vector<16xf32>, vector<16xi1> -> vector<16xf32>
    %reduce_sum3A_391 = vector.extract %reduce_sum3A_390[15] : f32 from vector<16xf32>
    %broadcast_in_dim3A_392 = vector.broadcast %reduce_sum3A_391 : f32 to vector<16xf32>
    %select_n3A_393 = arith.select %eq3A_385, %broadcast_in_dim3A_392, %select_n3A_382 : vector<16xi1>, vector<16xf32>
    %eq3A_394 = arith.constant 2 : i32
    %eq3A_395 = vector.broadcast %eq3A_394 : i32 to vector<16xi32>
    %eq3A_396 = arith.cmpi eq, %iota3A, %eq3A_395 : vector<16xi32>
    %get3A_397 = arith.constant 288 : index
    %get3A_398 = tpu.vector_load %arg6[%get3A_397] {strides = array<i32>} : memref<336xf32, #tpu.memory_space<vmem>>, vector<16xf32>,
    %reduce_sum3A_399 = arith.constant true
    %reduce_sum3A_400 = vector.broadcast %reduce_sum3A_399 : i1 to vector<16xi1>
    %reduce_sum3A_401 = tpu.scan <sum>, %get3A_398 masked %reduce_sum3A_400 : vector<16xf32>, vector<16xi1> -> vector<16xf32>
    %reduce_sum3A_402 = vector.extract %reduce_sum3A_401[15] : f32 from vector<16xf32>
    %broadcast_in_dim3A_403 = vector.broadcast %reduce_sum3A_402 : f32 to vector<16xf32>
    %select_n3A_404 = arith.select %eq3A_396, %broadcast_in_dim3A_403, %select_n3A_393 : vector<16xi1>, vector<16xf32>
    %eq3A_405 = arith.constant 3 : i32
    %eq3A_406 = vector.broadcast %eq3A_405 : i32 to vector<16xi32>
    %eq3A_407 = arith.cmpi eq, %iota3A, %eq3A_406 : vector<16xi32>
    %get3A_408 = arith.constant 304 : index
    %get3A_409 = tpu.vector_load %arg6[%get3A_408] {strides = array<i32>} : memref<336xf32, #tpu.memory_space<vmem>>, vector<16xf32>,
    %reduce_sum3A_410 = arith.constant true
    %reduce_sum3A_411 = vector.broadcast %reduce_sum3A_410 : i1 to vector<16xi1>
    %reduce_sum3A_412 = tpu.scan <sum>, %get3A_409 masked %reduce_sum3A_411 : vector<16xf32>, vector<16xi1> -> vector<16xf32>
    %reduce_sum3A_413 = vector.extract %reduce_sum3A_412[15] : f32 from vector<16xf32>
    %broadcast_in_dim3A_414 = vector.broadcast %reduce_sum3A_413 : f32 to vector<16xf32>
    %select_n3A_415 = arith.select %eq3A_407, %broadcast_in_dim3A_414, %select_n3A_404 : vector<16xi1>, vector<16xf32>
    %swap3A_416 = arith.constant 0 : index
    %swap3A_417 = tpu.vector_load %arg7[%swap3A_416] {strides = array<i32>} : memref<32xf32, #tpu.memory_space<vmem>>, vector<16xf32>,
    tpu.vector_store %arg7[%swap3A_416], %select_n3A_371 {strides = array<i32>} : memref<32xf32, #tpu.memory_space<vmem>>, vector<16xf32>,
    %swap3A_418 = arith.constant 16 : index
    %swap3A_419 = tpu.vector_load %arg7[%swap3A_418] {strides = array<i32>} : memref<32xf32, #tpu.memory_space<vmem>>, vector<16xf32>,
    tpu.vector_store %arg7[%swap3A_418], %select_n3A_415 {strides = array<i32>} : memref<32xf32, #tpu.memory_space<vmem>>, vector<16xf32>,
    "tpu.region"() ({
      %run_scoped3A = tpu.sem_alloc : memref<!tpu.dma_semaphore, #tpu.memory_space<semaphore_mem>>
      %dma_start3A_420 = arith.constant 0 : i32
      %dma_start3A_421 = tpu.memref_slice %arg3[%add3A, %dma_start3A_420] : memref<32x32xf32, #tpu.memory_space<hbm>> -> memref<1x32xf32, #tpu.memory_space<hbm>>
      %dma_start3A_422 = tpu.memref_squeeze %dma_start3A_421 : memref<1x32xf32, #tpu.memory_space<hbm>> -> memref<32xf32, #tpu.memory_space<hbm>>
      %dma_start3A_423 = arith.constant 0 : i32
      %dma_start3A_424 = tpu.memref_slice %arg3[%add3A, %dma_start3A_423] : memref<32x32xf32, #tpu.memory_space<hbm>> -> memref<1x32xf32, #tpu.memory_space<hbm>>
      %dma_start3A_425 = tpu.memref_squeeze %dma_start3A_424 : memref<1x32xf32, #tpu.memory_space<hbm>> -> memref<32xf32, #tpu.memory_space<hbm>>
      tpu.enqueue_dma source(%arg7 : memref<32xf32, #tpu.memory_space<vmem>>) target(%dma_start3A_425 : memref<32xf32, #tpu.memory_space<hbm>>) target_semaphore(%run_scoped3A : memref<!tpu.dma_semaphore, #tpu.memory_space<semaphore_mem>>)
      %dma_wait3A_426 = arith.constant 0 : i32
      %dma_wait3A_427 = tpu.memref_slice %arg3[%add3A, %dma_wait3A_426] : memref<32x32xf32, #tpu.memory_space<hbm>> -> memref<1x32xf32, #tpu.memory_space<hbm>>
      %dma_wait3A_428 = tpu.memref_squeeze %dma_wait3A_427 : memref<1x32xf32, #tpu.memory_space<hbm>> -> memref<32xf32, #tpu.memory_space<hbm>>
      %dma_wait3A_429 = arith.constant 0 : i32
      %dma_wait3A_430 = tpu.memref_slice %arg3[%add3A, %dma_wait3A_429] : memref<32x32xf32, #tpu.memory_space<hbm>> -> memref<1x32xf32, #tpu.memory_space<hbm>>
      %dma_wait3A_431 = tpu.memref_squeeze %dma_wait3A_430 : memref<1x32xf32, #tpu.memory_space<hbm>> -> memref<32xf32, #tpu.memory_space<hbm>>
      tpu.wait_dma2 semaphore(%run_scoped3A : memref<!tpu.dma_semaphore, #tpu.memory_space<semaphore_mem>>) src(%arg7 : memref<32xf32, #tpu.memory_space<vmem>>) dst(%dma_wait3A_431 : memref<32xf32, #tpu.memory_space<hbm>>)
      tpu.yield
    }) : () -> ()
    return
  }
}

module attributes {stable_mosaic.version = 14 : i64} {
  func.func @_finalize_body(%arg0: memref<32x32xf32, #tpu.memory_space<vmem>>, %arg1: memref<1x32xf32, #tpu.memory_space<vmem>>, %arg2: memref<1x20xf32, #tpu.memory_space<vmem>>, %arg3: memref<1x20xf32, #tpu.memory_space<vmem>>, %arg4: memref<1x1xf32, #tpu.memory_space<smem>>, %arg5: memref<1x1xi32, #tpu.memory_space<smem>>) attributes {dimension_semantics = [], scalar_prefetch = 0 : i64, scratch_operands = 0 : i64, tpu.core_type = #tpu.core_type<tc>} {
    %get3A = arith.constant 0 : index
    %get3A_0 = arith.constant 0 : index
    %get3A_1 = vector.load %arg0[%get3A, %get3A_0] : memref<32x32xf32, #tpu.memory_space<vmem>>, vector<32x32xf32>
    %reduce_sum3A = arith.constant dense<0.000000e+00> : vector<32xf32>
    %reduce_sum3A_2 = vector.multi_reduction <add>, %get3A_1, %reduce_sum3A [0] : vector<32x32xf32> to vector<32xf32>
    %broadcast_in_dim3A = vector.shape_cast %reduce_sum3A_2 : vector<32xf32> to vector<1x32xf32>
    %get3A_3 = arith.constant 0 : index
    %get3A_4 = arith.constant 0 : index
    %get3A_5 = vector.load %arg1[%get3A_3, %get3A_4] : memref<1x32xf32, #tpu.memory_space<vmem>>, vector<1x32xf32>
    %add3A = arith.addf %broadcast_in_dim3A, %get3A_5 : vector<1x32xf32>
    %reduce_sum3A_6 = vector.shape_cast %add3A : vector<1x32xf32> to vector<1x1x32xf32>
    %reduce_sum3A_7 = arith.constant dense<0.000000e+00> : vector<1xf32>
    %reduce_sum3A_8 = vector.multi_reduction <add>, %reduce_sum3A_6, %reduce_sum3A_7 [1, 2] : vector<1x1x32xf32> to vector<1xf32>
    %reduce_sum3A_9 = vector.shape_cast %reduce_sum3A_8 : vector<1xf32> to vector<1x1x1xf32>
    %reduce_sum3A_10 = vector.extract %reduce_sum3A_9[0, 0, 0] : f32 from vector<1x1x1xf32>
    %add3A_11 = arith.constant 9.99999997E-7 : f32
    %add3A_12 = arith.addf %reduce_sum3A_10, %add3A_11 : f32
    %slice3A = vector.extract_strided_slice %add3A {offsets = [0, 0], sizes = [1, 20], strides = [1, 1]} : vector<1x32xf32> to vector<1x20xf32>
    %div3A = vector.broadcast %add3A_12 : f32 to vector<1x20xf32>
    %div3A_13 = arith.divf %slice3A, %div3A : vector<1x20xf32>
    %get3A_14 = arith.constant 0 : index
    %get3A_15 = arith.constant 0 : index
    %get3A_16 = vector.load %arg2[%get3A_14, %get3A_15] : memref<1x20xf32, #tpu.memory_space<vmem>>, vector<1x20xf32>
    %sub3A = arith.subf %div3A_13, %get3A_16 : vector<1x20xf32>
    %get3A_17 = arith.constant 0 : index
    %get3A_18 = arith.constant 0 : index
    %get3A_19 = vector.load %arg3[%get3A_17, %get3A_18] : memref<1x20xf32, #tpu.memory_space<vmem>>, vector<1x20xf32>
    %div3A_20 = arith.divf %sub3A, %get3A_19 : vector<1x20xf32>
    %abs3A = math.absf %div3A_20 : vector<1x20xf32>
    %reduce_max3A = vector.shape_cast %abs3A : vector<1x20xf32> to vector<1x1x20xf32>
    %reduce_max3A_21 = arith.constant dense<0xFF800000> : vector<1xf32>
    %reduce_max3A_22 = vector.multi_reduction <maximumf>, %reduce_max3A, %reduce_max3A_21 [1, 2] : vector<1x1x20xf32> to vector<1xf32>
    %reduce_max3A_23 = vector.shape_cast %reduce_max3A_22 : vector<1xf32> to vector<1x1x1xf32>
    %reduce_max3A_24 = vector.extract %reduce_max3A_23[0, 0, 0] : f32 from vector<1x1x1xf32>
    %swap3A = arith.constant 0 : index
    %swap3A_25 = arith.constant 0 : index
    %swap3A_26 = memref.load %arg4[%swap3A, %swap3A_25] : memref<1x1xf32, #tpu.memory_space<smem>>
    memref.store %reduce_max3A_24, %arg4[%swap3A, %swap3A_25] : memref<1x1xf32, #tpu.memory_space<smem>>
    %gt3A = arith.constant 1.000000e-01 : f32
    %gt3A_27 = arith.cmpf ogt, %reduce_max3A_24, %gt3A : f32
    %convert_element_type3A = arith.extui %gt3A_27 : i1 to i32
    %swap3A_28 = arith.constant 0 : index
    %swap3A_29 = arith.constant 0 : index
    %swap3A_30 = memref.load %arg5[%swap3A_28, %swap3A_29] : memref<1x1xi32, #tpu.memory_space<smem>>
    memref.store %convert_element_type3A, %arg5[%swap3A_28, %swap3A_29] : memref<1x1xi32, #tpu.memory_space<smem>>
    return
  }
}

module attributes {stable_mosaic.version = 14 : i64} {
  func.func @_tc_hist_body(%arg0: i32, %arg1: memref<256x4096xf32, #tpu.memory_space<vmem>>, %arg2: memref<1x32xf32, #tpu.memory_space<vmem>>) attributes {dimension_semantics = [#tpu.dimension_semantics<arbitrary>], iteration_bounds = array<i64: 4>, scalar_prefetch = 0 : i64, scratch_operands = 0 : i64, tpu.core_type = #tpu.core_type<tc>, window_params = [{transform_indices = @transform_0, window_bounds = array<i64: 256, 4096>}, {pipeline_mode = #tpu.pipeline_mode<synchronous>, transform_indices = @transform_1, window_bounds = array<i64: 1, 32>}]} {
    %get3A = arith.constant 0 : index
    %get3A_0 = arith.constant 0 : index
    %get3A_1 = vector.load %arg1[%get3A, %get3A_0] : memref<256x4096xf32, #tpu.memory_space<vmem>>, vector<256x4096xf32>
    %mul3A = arith.constant 2.000000e+01 : f32
    %mul3A_2 = vector.broadcast %mul3A : f32 to vector<256x4096xf32>
    %mul3A_3 = arith.mulf %get3A_1, %mul3A_2 : vector<256x4096xf32>
    %iota3A = tpu.iota {dimensions = array<i32: 1>} : vector<1x32xi32>
    %eq3A = arith.constant 0 : i32
    %eq3A_4 = vector.broadcast %eq3A : i32 to vector<1x32xi32>
    %eq3A_5 = arith.cmpi eq, %iota3A, %eq3A_4 : vector<1x32xi32>
    %jit3A = arith.constant 0x49800000 : f32
    %jit3A_6 = arith.constant 0.000000e+00 : f32
    %broadcast_in_dim3A = vector.broadcast %jit3A : f32 to vector<1x32xf32>
    %broadcast_in_dim3A_7 = vector.broadcast %jit3A_6 : f32 to vector<1x32xf32>
    %select_n3A = arith.select %eq3A_5, %broadcast_in_dim3A, %broadcast_in_dim3A_7 : vector<1x32xi1>, vector<1x32xf32>
    %ge3A = arith.constant 1.000000e+00 : f32
    %ge3A_8 = vector.broadcast %ge3A : f32 to vector<256x4096xf32>
    %ge3A_9 = arith.cmpf oge, %mul3A_3, %ge3A_8 : vector<256x4096xf32>
    %jit3A_10 = arith.constant 1.000000e+00 : f32
    %jit3A_11 = arith.constant 0.000000e+00 : f32
    %broadcast_in_dim3A_12 = vector.broadcast %jit3A_10 : f32 to vector<256x4096xf32>
    %broadcast_in_dim3A_13 = vector.broadcast %jit3A_11 : f32 to vector<256x4096xf32>
    %select_n3A_14 = arith.select %ge3A_9, %broadcast_in_dim3A_12, %broadcast_in_dim3A_13 : vector<256x4096xi1>, vector<256x4096xf32>
    %reduce_sum3A = vector.shape_cast %select_n3A_14 : vector<256x4096xf32> to vector<1x256x4096xf32>
    %reduce_sum3A_15 = arith.constant dense<0.000000e+00> : vector<1xf32>
    %reduce_sum3A_16 = vector.multi_reduction <add>, %reduce_sum3A, %reduce_sum3A_15 [1, 2] : vector<1x256x4096xf32> to vector<1xf32>
    %reduce_sum3A_17 = vector.shape_cast %reduce_sum3A_16 : vector<1xf32> to vector<1x1x1xf32>
    %reduce_sum3A_18 = vector.extract %reduce_sum3A_17[0, 0, 0] : f32 from vector<1x1x1xf32>
    %eq3A_19 = arith.constant 1 : i32
    %eq3A_20 = vector.broadcast %eq3A_19 : i32 to vector<1x32xi32>
    %eq3A_21 = arith.cmpi eq, %iota3A, %eq3A_20 : vector<1x32xi32>
    %jit3A_22 = arith.constant 0.000000e+00 : f32
    %broadcast_in_dim3A_23 = vector.broadcast %reduce_sum3A_18 : f32 to vector<1x32xf32>
    %broadcast_in_dim3A_24 = vector.broadcast %jit3A_22 : f32 to vector<1x32xf32>
    %select_n3A_25 = arith.select %eq3A_21, %broadcast_in_dim3A_23, %broadcast_in_dim3A_24 : vector<1x32xi1>, vector<1x32xf32>
    %add3A = arith.addf %select_n3A, %select_n3A_25 : vector<1x32xf32>
    %eq3A_26 = arith.constant 0 : i32
    %eq3A_27 = vector.broadcast %eq3A_26 : i32 to vector<1x32xi32>
    %eq3A_28 = arith.cmpi eq, %iota3A, %eq3A_27 : vector<1x32xi32>
    %jit3A_29 = arith.constant 0.000000e+00 : f32
    %broadcast_in_dim3A_30 = vector.broadcast %reduce_sum3A_18 : f32 to vector<1x32xf32>
    %broadcast_in_dim3A_31 = vector.broadcast %jit3A_29 : f32 to vector<1x32xf32>
    %select_n3A_32 = arith.select %eq3A_28, %broadcast_in_dim3A_30, %broadcast_in_dim3A_31 : vector<1x32xi1>, vector<1x32xf32>
    %sub3A = arith.subf %add3A, %select_n3A_32 : vector<1x32xf32>
    %ge3A_33 = arith.constant 2.000000e+00 : f32
    %ge3A_34 = vector.broadcast %ge3A_33 : f32 to vector<256x4096xf32>
    %ge3A_35 = arith.cmpf oge, %mul3A_3, %ge3A_34 : vector<256x4096xf32>
    %jit3A_36 = arith.constant 1.000000e+00 : f32
    %jit3A_37 = arith.constant 0.000000e+00 : f32
    %broadcast_in_dim3A_38 = vector.broadcast %jit3A_36 : f32 to vector<256x4096xf32>
    %broadcast_in_dim3A_39 = vector.broadcast %jit3A_37 : f32 to vector<256x4096xf32>
    %select_n3A_40 = arith.select %ge3A_35, %broadcast_in_dim3A_38, %broadcast_in_dim3A_39 : vector<256x4096xi1>, vector<256x4096xf32>
    %reduce_sum3A_41 = vector.shape_cast %select_n3A_40 : vector<256x4096xf32> to vector<1x256x4096xf32>
    %reduce_sum3A_42 = arith.constant dense<0.000000e+00> : vector<1xf32>
    %reduce_sum3A_43 = vector.multi_reduction <add>, %reduce_sum3A_41, %reduce_sum3A_42 [1, 2] : vector<1x256x4096xf32> to vector<1xf32>
    %reduce_sum3A_44 = vector.shape_cast %reduce_sum3A_43 : vector<1xf32> to vector<1x1x1xf32>
    %reduce_sum3A_45 = vector.extract %reduce_sum3A_44[0, 0, 0] : f32 from vector<1x1x1xf32>
    %eq3A_46 = arith.constant 2 : i32
    %eq3A_47 = vector.broadcast %eq3A_46 : i32 to vector<1x32xi32>
    %eq3A_48 = arith.cmpi eq, %iota3A, %eq3A_47 : vector<1x32xi32>
    %jit3A_49 = arith.constant 0.000000e+00 : f32
    %broadcast_in_dim3A_50 = vector.broadcast %reduce_sum3A_45 : f32 to vector<1x32xf32>
    %broadcast_in_dim3A_51 = vector.broadcast %jit3A_49 : f32 to vector<1x32xf32>
    %select_n3A_52 = arith.select %eq3A_48, %broadcast_in_dim3A_50, %broadcast_in_dim3A_51 : vector<1x32xi1>, vector<1x32xf32>
    %add3A_53 = arith.addf %sub3A, %select_n3A_52 : vector<1x32xf32>
    %eq3A_54 = arith.constant 1 : i32
    %eq3A_55 = vector.broadcast %eq3A_54 : i32 to vector<1x32xi32>
    %eq3A_56 = arith.cmpi eq, %iota3A, %eq3A_55 : vector<1x32xi32>
    %jit3A_57 = arith.constant 0.000000e+00 : f32
    %broadcast_in_dim3A_58 = vector.broadcast %reduce_sum3A_45 : f32 to vector<1x32xf32>
    %broadcast_in_dim3A_59 = vector.broadcast %jit3A_57 : f32 to vector<1x32xf32>
    %select_n3A_60 = arith.select %eq3A_56, %broadcast_in_dim3A_58, %broadcast_in_dim3A_59 : vector<1x32xi1>, vector<1x32xf32>
    %sub3A_61 = arith.subf %add3A_53, %select_n3A_60 : vector<1x32xf32>
    %ge3A_62 = arith.constant 3.000000e+00 : f32
    %ge3A_63 = vector.broadcast %ge3A_62 : f32 to vector<256x4096xf32>
    %ge3A_64 = arith.cmpf oge, %mul3A_3, %ge3A_63 : vector<256x4096xf32>
    %jit3A_65 = arith.constant 1.000000e+00 : f32
    %jit3A_66 = arith.constant 0.000000e+00 : f32
    %broadcast_in_dim3A_67 = vector.broadcast %jit3A_65 : f32 to vector<256x4096xf32>
    %broadcast_in_dim3A_68 = vector.broadcast %jit3A_66 : f32 to vector<256x4096xf32>
    %select_n3A_69 = arith.select %ge3A_64, %broadcast_in_dim3A_67, %broadcast_in_dim3A_68 : vector<256x4096xi1>, vector<256x4096xf32>
    %reduce_sum3A_70 = vector.shape_cast %select_n3A_69 : vector<256x4096xf32> to vector<1x256x4096xf32>
    %reduce_sum3A_71 = arith.constant dense<0.000000e+00> : vector<1xf32>
    %reduce_sum3A_72 = vector.multi_reduction <add>, %reduce_sum3A_70, %reduce_sum3A_71 [1, 2] : vector<1x256x4096xf32> to vector<1xf32>
    %reduce_sum3A_73 = vector.shape_cast %reduce_sum3A_72 : vector<1xf32> to vector<1x1x1xf32>
    %reduce_sum3A_74 = vector.extract %reduce_sum3A_73[0, 0, 0] : f32 from vector<1x1x1xf32>
    %eq3A_75 = arith.constant 3 : i32
    %eq3A_76 = vector.broadcast %eq3A_75 : i32 to vector<1x32xi32>
    %eq3A_77 = arith.cmpi eq, %iota3A, %eq3A_76 : vector<1x32xi32>
    %jit3A_78 = arith.constant 0.000000e+00 : f32
    %broadcast_in_dim3A_79 = vector.broadcast %reduce_sum3A_74 : f32 to vector<1x32xf32>
    %broadcast_in_dim3A_80 = vector.broadcast %jit3A_78 : f32 to vector<1x32xf32>
    %select_n3A_81 = arith.select %eq3A_77, %broadcast_in_dim3A_79, %broadcast_in_dim3A_80 : vector<1x32xi1>, vector<1x32xf32>
    %add3A_82 = arith.addf %sub3A_61, %select_n3A_81 : vector<1x32xf32>
    %eq3A_83 = arith.constant 2 : i32
    %eq3A_84 = vector.broadcast %eq3A_83 : i32 to vector<1x32xi32>
    %eq3A_85 = arith.cmpi eq, %iota3A, %eq3A_84 : vector<1x32xi32>
    %jit3A_86 = arith.constant 0.000000e+00 : f32
    %broadcast_in_dim3A_87 = vector.broadcast %reduce_sum3A_74 : f32 to vector<1x32xf32>
    %broadcast_in_dim3A_88 = vector.broadcast %jit3A_86 : f32 to vector<1x32xf32>
    %select_n3A_89 = arith.select %eq3A_85, %broadcast_in_dim3A_87, %broadcast_in_dim3A_88 : vector<1x32xi1>, vector<1x32xf32>
    %sub3A_90 = arith.subf %add3A_82, %select_n3A_89 : vector<1x32xf32>
    %ge3A_91 = arith.constant 4.000000e+00 : f32
    %ge3A_92 = vector.broadcast %ge3A_91 : f32 to vector<256x4096xf32>
    %ge3A_93 = arith.cmpf oge, %mul3A_3, %ge3A_92 : vector<256x4096xf32>
    %jit3A_94 = arith.constant 1.000000e+00 : f32
    %jit3A_95 = arith.constant 0.000000e+00 : f32
    %broadcast_in_dim3A_96 = vector.broadcast %jit3A_94 : f32 to vector<256x4096xf32>
    %broadcast_in_dim3A_97 = vector.broadcast %jit3A_95 : f32 to vector<256x4096xf32>
    %select_n3A_98 = arith.select %ge3A_93, %broadcast_in_dim3A_96, %broadcast_in_dim3A_97 : vector<256x4096xi1>, vector<256x4096xf32>
    %reduce_sum3A_99 = vector.shape_cast %select_n3A_98 : vector<256x4096xf32> to vector<1x256x4096xf32>
    %reduce_sum3A_100 = arith.constant dense<0.000000e+00> : vector<1xf32>
    %reduce_sum3A_101 = vector.multi_reduction <add>, %reduce_sum3A_99, %reduce_sum3A_100 [1, 2] : vector<1x256x4096xf32> to vector<1xf32>
    %reduce_sum3A_102 = vector.shape_cast %reduce_sum3A_101 : vector<1xf32> to vector<1x1x1xf32>
    %reduce_sum3A_103 = vector.extract %reduce_sum3A_102[0, 0, 0] : f32 from vector<1x1x1xf32>
    %eq3A_104 = arith.constant 4 : i32
    %eq3A_105 = vector.broadcast %eq3A_104 : i32 to vector<1x32xi32>
    %eq3A_106 = arith.cmpi eq, %iota3A, %eq3A_105 : vector<1x32xi32>
    %jit3A_107 = arith.constant 0.000000e+00 : f32
    %broadcast_in_dim3A_108 = vector.broadcast %reduce_sum3A_103 : f32 to vector<1x32xf32>
    %broadcast_in_dim3A_109 = vector.broadcast %jit3A_107 : f32 to vector<1x32xf32>
    %select_n3A_110 = arith.select %eq3A_106, %broadcast_in_dim3A_108, %broadcast_in_dim3A_109 : vector<1x32xi1>, vector<1x32xf32>
    %add3A_111 = arith.addf %sub3A_90, %select_n3A_110 : vector<1x32xf32>
    %eq3A_112 = arith.constant 3 : i32
    %eq3A_113 = vector.broadcast %eq3A_112 : i32 to vector<1x32xi32>
    %eq3A_114 = arith.cmpi eq, %iota3A, %eq3A_113 : vector<1x32xi32>
    %jit3A_115 = arith.constant 0.000000e+00 : f32
    %broadcast_in_dim3A_116 = vector.broadcast %reduce_sum3A_103 : f32 to vector<1x32xf32>
    %broadcast_in_dim3A_117 = vector.broadcast %jit3A_115 : f32 to vector<1x32xf32>
    %select_n3A_118 = arith.select %eq3A_114, %broadcast_in_dim3A_116, %broadcast_in_dim3A_117 : vector<1x32xi1>, vector<1x32xf32>
    %sub3A_119 = arith.subf %add3A_111, %select_n3A_118 : vector<1x32xf32>
    %ge3A_120 = arith.constant 5.000000e+00 : f32
    %ge3A_121 = vector.broadcast %ge3A_120 : f32 to vector<256x4096xf32>
    %ge3A_122 = arith.cmpf oge, %mul3A_3, %ge3A_121 : vector<256x4096xf32>
    %jit3A_123 = arith.constant 1.000000e+00 : f32
    %jit3A_124 = arith.constant 0.000000e+00 : f32
    %broadcast_in_dim3A_125 = vector.broadcast %jit3A_123 : f32 to vector<256x4096xf32>
    %broadcast_in_dim3A_126 = vector.broadcast %jit3A_124 : f32 to vector<256x4096xf32>
    %select_n3A_127 = arith.select %ge3A_122, %broadcast_in_dim3A_125, %broadcast_in_dim3A_126 : vector<256x4096xi1>, vector<256x4096xf32>
    %reduce_sum3A_128 = vector.shape_cast %select_n3A_127 : vector<256x4096xf32> to vector<1x256x4096xf32>
    %reduce_sum3A_129 = arith.constant dense<0.000000e+00> : vector<1xf32>
    %reduce_sum3A_130 = vector.multi_reduction <add>, %reduce_sum3A_128, %reduce_sum3A_129 [1, 2] : vector<1x256x4096xf32> to vector<1xf32>
    %reduce_sum3A_131 = vector.shape_cast %reduce_sum3A_130 : vector<1xf32> to vector<1x1x1xf32>
    %reduce_sum3A_132 = vector.extract %reduce_sum3A_131[0, 0, 0] : f32 from vector<1x1x1xf32>
    %eq3A_133 = arith.constant 5 : i32
    %eq3A_134 = vector.broadcast %eq3A_133 : i32 to vector<1x32xi32>
    %eq3A_135 = arith.cmpi eq, %iota3A, %eq3A_134 : vector<1x32xi32>
    %jit3A_136 = arith.constant 0.000000e+00 : f32
    %broadcast_in_dim3A_137 = vector.broadcast %reduce_sum3A_132 : f32 to vector<1x32xf32>
    %broadcast_in_dim3A_138 = vector.broadcast %jit3A_136 : f32 to vector<1x32xf32>
    %select_n3A_139 = arith.select %eq3A_135, %broadcast_in_dim3A_137, %broadcast_in_dim3A_138 : vector<1x32xi1>, vector<1x32xf32>
    %add3A_140 = arith.addf %sub3A_119, %select_n3A_139 : vector<1x32xf32>
    %eq3A_141 = arith.constant 4 : i32
    %eq3A_142 = vector.broadcast %eq3A_141 : i32 to vector<1x32xi32>
    %eq3A_143 = arith.cmpi eq, %iota3A, %eq3A_142 : vector<1x32xi32>
    %jit3A_144 = arith.constant 0.000000e+00 : f32
    %broadcast_in_dim3A_145 = vector.broadcast %reduce_sum3A_132 : f32 to vector<1x32xf32>
    %broadcast_in_dim3A_146 = vector.broadcast %jit3A_144 : f32 to vector<1x32xf32>
    %select_n3A_147 = arith.select %eq3A_143, %broadcast_in_dim3A_145, %broadcast_in_dim3A_146 : vector<1x32xi1>, vector<1x32xf32>
    %sub3A_148 = arith.subf %add3A_140, %select_n3A_147 : vector<1x32xf32>
    %ge3A_149 = arith.constant 6.000000e+00 : f32
    %ge3A_150 = vector.broadcast %ge3A_149 : f32 to vector<256x4096xf32>
    %ge3A_151 = arith.cmpf oge, %mul3A_3, %ge3A_150 : vector<256x4096xf32>
    %jit3A_152 = arith.constant 1.000000e+00 : f32
    %jit3A_153 = arith.constant 0.000000e+00 : f32
    %broadcast_in_dim3A_154 = vector.broadcast %jit3A_152 : f32 to vector<256x4096xf32>
    %broadcast_in_dim3A_155 = vector.broadcast %jit3A_153 : f32 to vector<256x4096xf32>
    %select_n3A_156 = arith.select %ge3A_151, %broadcast_in_dim3A_154, %broadcast_in_dim3A_155 : vector<256x4096xi1>, vector<256x4096xf32>
    %reduce_sum3A_157 = vector.shape_cast %select_n3A_156 : vector<256x4096xf32> to vector<1x256x4096xf32>
    %reduce_sum3A_158 = arith.constant dense<0.000000e+00> : vector<1xf32>
    %reduce_sum3A_159 = vector.multi_reduction <add>, %reduce_sum3A_157, %reduce_sum3A_158 [1, 2] : vector<1x256x4096xf32> to vector<1xf32>
    %reduce_sum3A_160 = vector.shape_cast %reduce_sum3A_159 : vector<1xf32> to vector<1x1x1xf32>
    %reduce_sum3A_161 = vector.extract %reduce_sum3A_160[0, 0, 0] : f32 from vector<1x1x1xf32>
    %eq3A_162 = arith.constant 6 : i32
    %eq3A_163 = vector.broadcast %eq3A_162 : i32 to vector<1x32xi32>
    %eq3A_164 = arith.cmpi eq, %iota3A, %eq3A_163 : vector<1x32xi32>
    %jit3A_165 = arith.constant 0.000000e+00 : f32
    %broadcast_in_dim3A_166 = vector.broadcast %reduce_sum3A_161 : f32 to vector<1x32xf32>
    %broadcast_in_dim3A_167 = vector.broadcast %jit3A_165 : f32 to vector<1x32xf32>
    %select_n3A_168 = arith.select %eq3A_164, %broadcast_in_dim3A_166, %broadcast_in_dim3A_167 : vector<1x32xi1>, vector<1x32xf32>
    %add3A_169 = arith.addf %sub3A_148, %select_n3A_168 : vector<1x32xf32>
    %eq3A_170 = arith.constant 5 : i32
    %eq3A_171 = vector.broadcast %eq3A_170 : i32 to vector<1x32xi32>
    %eq3A_172 = arith.cmpi eq, %iota3A, %eq3A_171 : vector<1x32xi32>
    %jit3A_173 = arith.constant 0.000000e+00 : f32
    %broadcast_in_dim3A_174 = vector.broadcast %reduce_sum3A_161 : f32 to vector<1x32xf32>
    %broadcast_in_dim3A_175 = vector.broadcast %jit3A_173 : f32 to vector<1x32xf32>
    %select_n3A_176 = arith.select %eq3A_172, %broadcast_in_dim3A_174, %broadcast_in_dim3A_175 : vector<1x32xi1>, vector<1x32xf32>
    %sub3A_177 = arith.subf %add3A_169, %select_n3A_176 : vector<1x32xf32>
    %ge3A_178 = arith.constant 7.000000e+00 : f32
    %ge3A_179 = vector.broadcast %ge3A_178 : f32 to vector<256x4096xf32>
    %ge3A_180 = arith.cmpf oge, %mul3A_3, %ge3A_179 : vector<256x4096xf32>
    %jit3A_181 = arith.constant 1.000000e+00 : f32
    %jit3A_182 = arith.constant 0.000000e+00 : f32
    %broadcast_in_dim3A_183 = vector.broadcast %jit3A_181 : f32 to vector<256x4096xf32>
    %broadcast_in_dim3A_184 = vector.broadcast %jit3A_182 : f32 to vector<256x4096xf32>
    %select_n3A_185 = arith.select %ge3A_180, %broadcast_in_dim3A_183, %broadcast_in_dim3A_184 : vector<256x4096xi1>, vector<256x4096xf32>
    %reduce_sum3A_186 = vector.shape_cast %select_n3A_185 : vector<256x4096xf32> to vector<1x256x4096xf32>
    %reduce_sum3A_187 = arith.constant dense<0.000000e+00> : vector<1xf32>
    %reduce_sum3A_188 = vector.multi_reduction <add>, %reduce_sum3A_186, %reduce_sum3A_187 [1, 2] : vector<1x256x4096xf32> to vector<1xf32>
    %reduce_sum3A_189 = vector.shape_cast %reduce_sum3A_188 : vector<1xf32> to vector<1x1x1xf32>
    %reduce_sum3A_190 = vector.extract %reduce_sum3A_189[0, 0, 0] : f32 from vector<1x1x1xf32>
    %eq3A_191 = arith.constant 7 : i32
    %eq3A_192 = vector.broadcast %eq3A_191 : i32 to vector<1x32xi32>
    %eq3A_193 = arith.cmpi eq, %iota3A, %eq3A_192 : vector<1x32xi32>
    %jit3A_194 = arith.constant 0.000000e+00 : f32
    %broadcast_in_dim3A_195 = vector.broadcast %reduce_sum3A_190 : f32 to vector<1x32xf32>
    %broadcast_in_dim3A_196 = vector.broadcast %jit3A_194 : f32 to vector<1x32xf32>
    %select_n3A_197 = arith.select %eq3A_193, %broadcast_in_dim3A_195, %broadcast_in_dim3A_196 : vector<1x32xi1>, vector<1x32xf32>
    %add3A_198 = arith.addf %sub3A_177, %select_n3A_197 : vector<1x32xf32>
    %eq3A_199 = arith.constant 6 : i32
    %eq3A_200 = vector.broadcast %eq3A_199 : i32 to vector<1x32xi32>
    %eq3A_201 = arith.cmpi eq, %iota3A, %eq3A_200 : vector<1x32xi32>
    %jit3A_202 = arith.constant 0.000000e+00 : f32
    %broadcast_in_dim3A_203 = vector.broadcast %reduce_sum3A_190 : f32 to vector<1x32xf32>
    %broadcast_in_dim3A_204 = vector.broadcast %jit3A_202 : f32 to vector<1x32xf32>
    %select_n3A_205 = arith.select %eq3A_201, %broadcast_in_dim3A_203, %broadcast_in_dim3A_204 : vector<1x32xi1>, vector<1x32xf32>
    %sub3A_206 = arith.subf %add3A_198, %select_n3A_205 : vector<1x32xf32>
    %ge3A_207 = arith.constant 8.000000e+00 : f32
    %ge3A_208 = vector.broadcast %ge3A_207 : f32 to vector<256x4096xf32>
    %ge3A_209 = arith.cmpf oge, %mul3A_3, %ge3A_208 : vector<256x4096xf32>
    %jit3A_210 = arith.constant 1.000000e+00 : f32
    %jit3A_211 = arith.constant 0.000000e+00 : f32
    %broadcast_in_dim3A_212 = vector.broadcast %jit3A_210 : f32 to vector<256x4096xf32>
    %broadcast_in_dim3A_213 = vector.broadcast %jit3A_211 : f32 to vector<256x4096xf32>
    %select_n3A_214 = arith.select %ge3A_209, %broadcast_in_dim3A_212, %broadcast_in_dim3A_213 : vector<256x4096xi1>, vector<256x4096xf32>
    %reduce_sum3A_215 = vector.shape_cast %select_n3A_214 : vector<256x4096xf32> to vector<1x256x4096xf32>
    %reduce_sum3A_216 = arith.constant dense<0.000000e+00> : vector<1xf32>
    %reduce_sum3A_217 = vector.multi_reduction <add>, %reduce_sum3A_215, %reduce_sum3A_216 [1, 2] : vector<1x256x4096xf32> to vector<1xf32>
    %reduce_sum3A_218 = vector.shape_cast %reduce_sum3A_217 : vector<1xf32> to vector<1x1x1xf32>
    %reduce_sum3A_219 = vector.extract %reduce_sum3A_218[0, 0, 0] : f32 from vector<1x1x1xf32>
    %eq3A_220 = arith.constant 8 : i32
    %eq3A_221 = vector.broadcast %eq3A_220 : i32 to vector<1x32xi32>
    %eq3A_222 = arith.cmpi eq, %iota3A, %eq3A_221 : vector<1x32xi32>
    %jit3A_223 = arith.constant 0.000000e+00 : f32
    %broadcast_in_dim3A_224 = vector.broadcast %reduce_sum3A_219 : f32 to vector<1x32xf32>
    %broadcast_in_dim3A_225 = vector.broadcast %jit3A_223 : f32 to vector<1x32xf32>
    %select_n3A_226 = arith.select %eq3A_222, %broadcast_in_dim3A_224, %broadcast_in_dim3A_225 : vector<1x32xi1>, vector<1x32xf32>
    %add3A_227 = arith.addf %sub3A_206, %select_n3A_226 : vector<1x32xf32>
    %eq3A_228 = arith.constant 7 : i32
    %eq3A_229 = vector.broadcast %eq3A_228 : i32 to vector<1x32xi32>
    %eq3A_230 = arith.cmpi eq, %iota3A, %eq3A_229 : vector<1x32xi32>
    %jit3A_231 = arith.constant 0.000000e+00 : f32
    %broadcast_in_dim3A_232 = vector.broadcast %reduce_sum3A_219 : f32 to vector<1x32xf32>
    %broadcast_in_dim3A_233 = vector.broadcast %jit3A_231 : f32 to vector<1x32xf32>
    %select_n3A_234 = arith.select %eq3A_230, %broadcast_in_dim3A_232, %broadcast_in_dim3A_233 : vector<1x32xi1>, vector<1x32xf32>
    %sub3A_235 = arith.subf %add3A_227, %select_n3A_234 : vector<1x32xf32>
    %ge3A_236 = arith.constant 9.000000e+00 : f32
    %ge3A_237 = vector.broadcast %ge3A_236 : f32 to vector<256x4096xf32>
    %ge3A_238 = arith.cmpf oge, %mul3A_3, %ge3A_237 : vector<256x4096xf32>
    %jit3A_239 = arith.constant 1.000000e+00 : f32
    %jit3A_240 = arith.constant 0.000000e+00 : f32
    %broadcast_in_dim3A_241 = vector.broadcast %jit3A_239 : f32 to vector<256x4096xf32>
    %broadcast_in_dim3A_242 = vector.broadcast %jit3A_240 : f32 to vector<256x4096xf32>
    %select_n3A_243 = arith.select %ge3A_238, %broadcast_in_dim3A_241, %broadcast_in_dim3A_242 : vector<256x4096xi1>, vector<256x4096xf32>
    %reduce_sum3A_244 = vector.shape_cast %select_n3A_243 : vector<256x4096xf32> to vector<1x256x4096xf32>
    %reduce_sum3A_245 = arith.constant dense<0.000000e+00> : vector<1xf32>
    %reduce_sum3A_246 = vector.multi_reduction <add>, %reduce_sum3A_244, %reduce_sum3A_245 [1, 2] : vector<1x256x4096xf32> to vector<1xf32>
    %reduce_sum3A_247 = vector.shape_cast %reduce_sum3A_246 : vector<1xf32> to vector<1x1x1xf32>
    %reduce_sum3A_248 = vector.extract %reduce_sum3A_247[0, 0, 0] : f32 from vector<1x1x1xf32>
    %eq3A_249 = arith.constant 9 : i32
    %eq3A_250 = vector.broadcast %eq3A_249 : i32 to vector<1x32xi32>
    %eq3A_251 = arith.cmpi eq, %iota3A, %eq3A_250 : vector<1x32xi32>
    %jit3A_252 = arith.constant 0.000000e+00 : f32
    %broadcast_in_dim3A_253 = vector.broadcast %reduce_sum3A_248 : f32 to vector<1x32xf32>
    %broadcast_in_dim3A_254 = vector.broadcast %jit3A_252 : f32 to vector<1x32xf32>
    %select_n3A_255 = arith.select %eq3A_251, %broadcast_in_dim3A_253, %broadcast_in_dim3A_254 : vector<1x32xi1>, vector<1x32xf32>
    %add3A_256 = arith.addf %sub3A_235, %select_n3A_255 : vector<1x32xf32>
    %eq3A_257 = arith.constant 8 : i32
    %eq3A_258 = vector.broadcast %eq3A_257 : i32 to vector<1x32xi32>
    %eq3A_259 = arith.cmpi eq, %iota3A, %eq3A_258 : vector<1x32xi32>
    %jit3A_260 = arith.constant 0.000000e+00 : f32
    %broadcast_in_dim3A_261 = vector.broadcast %reduce_sum3A_248 : f32 to vector<1x32xf32>
    %broadcast_in_dim3A_262 = vector.broadcast %jit3A_260 : f32 to vector<1x32xf32>
    %select_n3A_263 = arith.select %eq3A_259, %broadcast_in_dim3A_261, %broadcast_in_dim3A_262 : vector<1x32xi1>, vector<1x32xf32>
    %sub3A_264 = arith.subf %add3A_256, %select_n3A_263 : vector<1x32xf32>
    %ge3A_265 = arith.constant 1.000000e+01 : f32
    %ge3A_266 = vector.broadcast %ge3A_265 : f32 to vector<256x4096xf32>
    %ge3A_267 = arith.cmpf oge, %mul3A_3, %ge3A_266 : vector<256x4096xf32>
    %jit3A_268 = arith.constant 1.000000e+00 : f32
    %jit3A_269 = arith.constant 0.000000e+00 : f32
    %broadcast_in_dim3A_270 = vector.broadcast %jit3A_268 : f32 to vector<256x4096xf32>
    %broadcast_in_dim3A_271 = vector.broadcast %jit3A_269 : f32 to vector<256x4096xf32>
    %select_n3A_272 = arith.select %ge3A_267, %broadcast_in_dim3A_270, %broadcast_in_dim3A_271 : vector<256x4096xi1>, vector<256x4096xf32>
    %reduce_sum3A_273 = vector.shape_cast %select_n3A_272 : vector<256x4096xf32> to vector<1x256x4096xf32>
    %reduce_sum3A_274 = arith.constant dense<0.000000e+00> : vector<1xf32>
    %reduce_sum3A_275 = vector.multi_reduction <add>, %reduce_sum3A_273, %reduce_sum3A_274 [1, 2] : vector<1x256x4096xf32> to vector<1xf32>
    %reduce_sum3A_276 = vector.shape_cast %reduce_sum3A_275 : vector<1xf32> to vector<1x1x1xf32>
    %reduce_sum3A_277 = vector.extract %reduce_sum3A_276[0, 0, 0] : f32 from vector<1x1x1xf32>
    %eq3A_278 = arith.constant 10 : i32
    %eq3A_279 = vector.broadcast %eq3A_278 : i32 to vector<1x32xi32>
    %eq3A_280 = arith.cmpi eq, %iota3A, %eq3A_279 : vector<1x32xi32>
    %jit3A_281 = arith.constant 0.000000e+00 : f32
    %broadcast_in_dim3A_282 = vector.broadcast %reduce_sum3A_277 : f32 to vector<1x32xf32>
    %broadcast_in_dim3A_283 = vector.broadcast %jit3A_281 : f32 to vector<1x32xf32>
    %select_n3A_284 = arith.select %eq3A_280, %broadcast_in_dim3A_282, %broadcast_in_dim3A_283 : vector<1x32xi1>, vector<1x32xf32>
    %add3A_285 = arith.addf %sub3A_264, %select_n3A_284 : vector<1x32xf32>
    %eq3A_286 = arith.constant 9 : i32
    %eq3A_287 = vector.broadcast %eq3A_286 : i32 to vector<1x32xi32>
    %eq3A_288 = arith.cmpi eq, %iota3A, %eq3A_287 : vector<1x32xi32>
    %jit3A_289 = arith.constant 0.000000e+00 : f32
    %broadcast_in_dim3A_290 = vector.broadcast %reduce_sum3A_277 : f32 to vector<1x32xf32>
    %broadcast_in_dim3A_291 = vector.broadcast %jit3A_289 : f32 to vector<1x32xf32>
    %select_n3A_292 = arith.select %eq3A_288, %broadcast_in_dim3A_290, %broadcast_in_dim3A_291 : vector<1x32xi1>, vector<1x32xf32>
    %sub3A_293 = arith.subf %add3A_285, %select_n3A_292 : vector<1x32xf32>
    %ge3A_294 = arith.constant 1.100000e+01 : f32
    %ge3A_295 = vector.broadcast %ge3A_294 : f32 to vector<256x4096xf32>
    %ge3A_296 = arith.cmpf oge, %mul3A_3, %ge3A_295 : vector<256x4096xf32>
    %jit3A_297 = arith.constant 1.000000e+00 : f32
    %jit3A_298 = arith.constant 0.000000e+00 : f32
    %broadcast_in_dim3A_299 = vector.broadcast %jit3A_297 : f32 to vector<256x4096xf32>
    %broadcast_in_dim3A_300 = vector.broadcast %jit3A_298 : f32 to vector<256x4096xf32>
    %select_n3A_301 = arith.select %ge3A_296, %broadcast_in_dim3A_299, %broadcast_in_dim3A_300 : vector<256x4096xi1>, vector<256x4096xf32>
    %reduce_sum3A_302 = vector.shape_cast %select_n3A_301 : vector<256x4096xf32> to vector<1x256x4096xf32>
    %reduce_sum3A_303 = arith.constant dense<0.000000e+00> : vector<1xf32>
    %reduce_sum3A_304 = vector.multi_reduction <add>, %reduce_sum3A_302, %reduce_sum3A_303 [1, 2] : vector<1x256x4096xf32> to vector<1xf32>
    %reduce_sum3A_305 = vector.shape_cast %reduce_sum3A_304 : vector<1xf32> to vector<1x1x1xf32>
    %reduce_sum3A_306 = vector.extract %reduce_sum3A_305[0, 0, 0] : f32 from vector<1x1x1xf32>
    %eq3A_307 = arith.constant 11 : i32
    %eq3A_308 = vector.broadcast %eq3A_307 : i32 to vector<1x32xi32>
    %eq3A_309 = arith.cmpi eq, %iota3A, %eq3A_308 : vector<1x32xi32>
    %jit3A_310 = arith.constant 0.000000e+00 : f32
    %broadcast_in_dim3A_311 = vector.broadcast %reduce_sum3A_306 : f32 to vector<1x32xf32>
    %broadcast_in_dim3A_312 = vector.broadcast %jit3A_310 : f32 to vector<1x32xf32>
    %select_n3A_313 = arith.select %eq3A_309, %broadcast_in_dim3A_311, %broadcast_in_dim3A_312 : vector<1x32xi1>, vector<1x32xf32>
    %add3A_314 = arith.addf %sub3A_293, %select_n3A_313 : vector<1x32xf32>
    %eq3A_315 = arith.constant 10 : i32
    %eq3A_316 = vector.broadcast %eq3A_315 : i32 to vector<1x32xi32>
    %eq3A_317 = arith.cmpi eq, %iota3A, %eq3A_316 : vector<1x32xi32>
    %jit3A_318 = arith.constant 0.000000e+00 : f32
    %broadcast_in_dim3A_319 = vector.broadcast %reduce_sum3A_306 : f32 to vector<1x32xf32>
    %broadcast_in_dim3A_320 = vector.broadcast %jit3A_318 : f32 to vector<1x32xf32>
    %select_n3A_321 = arith.select %eq3A_317, %broadcast_in_dim3A_319, %broadcast_in_dim3A_320 : vector<1x32xi1>, vector<1x32xf32>
    %sub3A_322 = arith.subf %add3A_314, %select_n3A_321 : vector<1x32xf32>
    %ge3A_323 = arith.constant 1.200000e+01 : f32
    %ge3A_324 = vector.broadcast %ge3A_323 : f32 to vector<256x4096xf32>
    %ge3A_325 = arith.cmpf oge, %mul3A_3, %ge3A_324 : vector<256x4096xf32>
    %jit3A_326 = arith.constant 1.000000e+00 : f32
    %jit3A_327 = arith.constant 0.000000e+00 : f32
    %broadcast_in_dim3A_328 = vector.broadcast %jit3A_326 : f32 to vector<256x4096xf32>
    %broadcast_in_dim3A_329 = vector.broadcast %jit3A_327 : f32 to vector<256x4096xf32>
    %select_n3A_330 = arith.select %ge3A_325, %broadcast_in_dim3A_328, %broadcast_in_dim3A_329 : vector<256x4096xi1>, vector<256x4096xf32>
    %reduce_sum3A_331 = vector.shape_cast %select_n3A_330 : vector<256x4096xf32> to vector<1x256x4096xf32>
    %reduce_sum3A_332 = arith.constant dense<0.000000e+00> : vector<1xf32>
    %reduce_sum3A_333 = vector.multi_reduction <add>, %reduce_sum3A_331, %reduce_sum3A_332 [1, 2] : vector<1x256x4096xf32> to vector<1xf32>
    %reduce_sum3A_334 = vector.shape_cast %reduce_sum3A_333 : vector<1xf32> to vector<1x1x1xf32>
    %reduce_sum3A_335 = vector.extract %reduce_sum3A_334[0, 0, 0] : f32 from vector<1x1x1xf32>
    %eq3A_336 = arith.constant 12 : i32
    %eq3A_337 = vector.broadcast %eq3A_336 : i32 to vector<1x32xi32>
    %eq3A_338 = arith.cmpi eq, %iota3A, %eq3A_337 : vector<1x32xi32>
    %jit3A_339 = arith.constant 0.000000e+00 : f32
    %broadcast_in_dim3A_340 = vector.broadcast %reduce_sum3A_335 : f32 to vector<1x32xf32>
    %broadcast_in_dim3A_341 = vector.broadcast %jit3A_339 : f32 to vector<1x32xf32>
    %select_n3A_342 = arith.select %eq3A_338, %broadcast_in_dim3A_340, %broadcast_in_dim3A_341 : vector<1x32xi1>, vector<1x32xf32>
    %add3A_343 = arith.addf %sub3A_322, %select_n3A_342 : vector<1x32xf32>
    %eq3A_344 = arith.constant 11 : i32
    %eq3A_345 = vector.broadcast %eq3A_344 : i32 to vector<1x32xi32>
    %eq3A_346 = arith.cmpi eq, %iota3A, %eq3A_345 : vector<1x32xi32>
    %jit3A_347 = arith.constant 0.000000e+00 : f32
    %broadcast_in_dim3A_348 = vector.broadcast %reduce_sum3A_335 : f32 to vector<1x32xf32>
    %broadcast_in_dim3A_349 = vector.broadcast %jit3A_347 : f32 to vector<1x32xf32>
    %select_n3A_350 = arith.select %eq3A_346, %broadcast_in_dim3A_348, %broadcast_in_dim3A_349 : vector<1x32xi1>, vector<1x32xf32>
    %sub3A_351 = arith.subf %add3A_343, %select_n3A_350 : vector<1x32xf32>
    %ge3A_352 = arith.constant 1.300000e+01 : f32
    %ge3A_353 = vector.broadcast %ge3A_352 : f32 to vector<256x4096xf32>
    %ge3A_354 = arith.cmpf oge, %mul3A_3, %ge3A_353 : vector<256x4096xf32>
    %jit3A_355 = arith.constant 1.000000e+00 : f32
    %jit3A_356 = arith.constant 0.000000e+00 : f32
    %broadcast_in_dim3A_357 = vector.broadcast %jit3A_355 : f32 to vector<256x4096xf32>
    %broadcast_in_dim3A_358 = vector.broadcast %jit3A_356 : f32 to vector<256x4096xf32>
    %select_n3A_359 = arith.select %ge3A_354, %broadcast_in_dim3A_357, %broadcast_in_dim3A_358 : vector<256x4096xi1>, vector<256x4096xf32>
    %reduce_sum3A_360 = vector.shape_cast %select_n3A_359 : vector<256x4096xf32> to vector<1x256x4096xf32>
    %reduce_sum3A_361 = arith.constant dense<0.000000e+00> : vector<1xf32>
    %reduce_sum3A_362 = vector.multi_reduction <add>, %reduce_sum3A_360, %reduce_sum3A_361 [1, 2] : vector<1x256x4096xf32> to vector<1xf32>
    %reduce_sum3A_363 = vector.shape_cast %reduce_sum3A_362 : vector<1xf32> to vector<1x1x1xf32>
    %reduce_sum3A_364 = vector.extract %reduce_sum3A_363[0, 0, 0] : f32 from vector<1x1x1xf32>
    %eq3A_365 = arith.constant 13 : i32
    %eq3A_366 = vector.broadcast %eq3A_365 : i32 to vector<1x32xi32>
    %eq3A_367 = arith.cmpi eq, %iota3A, %eq3A_366 : vector<1x32xi32>
    %jit3A_368 = arith.constant 0.000000e+00 : f32
    %broadcast_in_dim3A_369 = vector.broadcast %reduce_sum3A_364 : f32 to vector<1x32xf32>
    %broadcast_in_dim3A_370 = vector.broadcast %jit3A_368 : f32 to vector<1x32xf32>
    %select_n3A_371 = arith.select %eq3A_367, %broadcast_in_dim3A_369, %broadcast_in_dim3A_370 : vector<1x32xi1>, vector<1x32xf32>
    %add3A_372 = arith.addf %sub3A_351, %select_n3A_371 : vector<1x32xf32>
    %eq3A_373 = arith.constant 12 : i32
    %eq3A_374 = vector.broadcast %eq3A_373 : i32 to vector<1x32xi32>
    %eq3A_375 = arith.cmpi eq, %iota3A, %eq3A_374 : vector<1x32xi32>
    %jit3A_376 = arith.constant 0.000000e+00 : f32
    %broadcast_in_dim3A_377 = vector.broadcast %reduce_sum3A_364 : f32 to vector<1x32xf32>
    %broadcast_in_dim3A_378 = vector.broadcast %jit3A_376 : f32 to vector<1x32xf32>
    %select_n3A_379 = arith.select %eq3A_375, %broadcast_in_dim3A_377, %broadcast_in_dim3A_378 : vector<1x32xi1>, vector<1x32xf32>
    %sub3A_380 = arith.subf %add3A_372, %select_n3A_379 : vector<1x32xf32>
    %ge3A_381 = arith.constant 1.400000e+01 : f32
    %ge3A_382 = vector.broadcast %ge3A_381 : f32 to vector<256x4096xf32>
    %ge3A_383 = arith.cmpf oge, %mul3A_3, %ge3A_382 : vector<256x4096xf32>
    %jit3A_384 = arith.constant 1.000000e+00 : f32
    %jit3A_385 = arith.constant 0.000000e+00 : f32
    %broadcast_in_dim3A_386 = vector.broadcast %jit3A_384 : f32 to vector<256x4096xf32>
    %broadcast_in_dim3A_387 = vector.broadcast %jit3A_385 : f32 to vector<256x4096xf32>
    %select_n3A_388 = arith.select %ge3A_383, %broadcast_in_dim3A_386, %broadcast_in_dim3A_387 : vector<256x4096xi1>, vector<256x4096xf32>
    %reduce_sum3A_389 = vector.shape_cast %select_n3A_388 : vector<256x4096xf32> to vector<1x256x4096xf32>
    %reduce_sum3A_390 = arith.constant dense<0.000000e+00> : vector<1xf32>
    %reduce_sum3A_391 = vector.multi_reduction <add>, %reduce_sum3A_389, %reduce_sum3A_390 [1, 2] : vector<1x256x4096xf32> to vector<1xf32>
    %reduce_sum3A_392 = vector.shape_cast %reduce_sum3A_391 : vector<1xf32> to vector<1x1x1xf32>
    %reduce_sum3A_393 = vector.extract %reduce_sum3A_392[0, 0, 0] : f32 from vector<1x1x1xf32>
    %eq3A_394 = arith.constant 14 : i32
    %eq3A_395 = vector.broadcast %eq3A_394 : i32 to vector<1x32xi32>
    %eq3A_396 = arith.cmpi eq, %iota3A, %eq3A_395 : vector<1x32xi32>
    %jit3A_397 = arith.constant 0.000000e+00 : f32
    %broadcast_in_dim3A_398 = vector.broadcast %reduce_sum3A_393 : f32 to vector<1x32xf32>
    %broadcast_in_dim3A_399 = vector.broadcast %jit3A_397 : f32 to vector<1x32xf32>
    %select_n3A_400 = arith.select %eq3A_396, %broadcast_in_dim3A_398, %broadcast_in_dim3A_399 : vector<1x32xi1>, vector<1x32xf32>
    %add3A_401 = arith.addf %sub3A_380, %select_n3A_400 : vector<1x32xf32>
    %eq3A_402 = arith.constant 13 : i32
    %eq3A_403 = vector.broadcast %eq3A_402 : i32 to vector<1x32xi32>
    %eq3A_404 = arith.cmpi eq, %iota3A, %eq3A_403 : vector<1x32xi32>
    %jit3A_405 = arith.constant 0.000000e+00 : f32
    %broadcast_in_dim3A_406 = vector.broadcast %reduce_sum3A_393 : f32 to vector<1x32xf32>
    %broadcast_in_dim3A_407 = vector.broadcast %jit3A_405 : f32 to vector<1x32xf32>
    %select_n3A_408 = arith.select %eq3A_404, %broadcast_in_dim3A_406, %broadcast_in_dim3A_407 : vector<1x32xi1>, vector<1x32xf32>
    %sub3A_409 = arith.subf %add3A_401, %select_n3A_408 : vector<1x32xf32>
    %ge3A_410 = arith.constant 1.500000e+01 : f32
    %ge3A_411 = vector.broadcast %ge3A_410 : f32 to vector<256x4096xf32>
    %ge3A_412 = arith.cmpf oge, %mul3A_3, %ge3A_411 : vector<256x4096xf32>
    %jit3A_413 = arith.constant 1.000000e+00 : f32
    %jit3A_414 = arith.constant 0.000000e+00 : f32
    %broadcast_in_dim3A_415 = vector.broadcast %jit3A_413 : f32 to vector<256x4096xf32>
    %broadcast_in_dim3A_416 = vector.broadcast %jit3A_414 : f32 to vector<256x4096xf32>
    %select_n3A_417 = arith.select %ge3A_412, %broadcast_in_dim3A_415, %broadcast_in_dim3A_416 : vector<256x4096xi1>, vector<256x4096xf32>
    %reduce_sum3A_418 = vector.shape_cast %select_n3A_417 : vector<256x4096xf32> to vector<1x256x4096xf32>
    %reduce_sum3A_419 = arith.constant dense<0.000000e+00> : vector<1xf32>
    %reduce_sum3A_420 = vector.multi_reduction <add>, %reduce_sum3A_418, %reduce_sum3A_419 [1, 2] : vector<1x256x4096xf32> to vector<1xf32>
    %reduce_sum3A_421 = vector.shape_cast %reduce_sum3A_420 : vector<1xf32> to vector<1x1x1xf32>
    %reduce_sum3A_422 = vector.extract %reduce_sum3A_421[0, 0, 0] : f32 from vector<1x1x1xf32>
    %eq3A_423 = arith.constant 15 : i32
    %eq3A_424 = vector.broadcast %eq3A_423 : i32 to vector<1x32xi32>
    %eq3A_425 = arith.cmpi eq, %iota3A, %eq3A_424 : vector<1x32xi32>
    %jit3A_426 = arith.constant 0.000000e+00 : f32
    %broadcast_in_dim3A_427 = vector.broadcast %reduce_sum3A_422 : f32 to vector<1x32xf32>
    %broadcast_in_dim3A_428 = vector.broadcast %jit3A_426 : f32 to vector<1x32xf32>
    %select_n3A_429 = arith.select %eq3A_425, %broadcast_in_dim3A_427, %broadcast_in_dim3A_428 : vector<1x32xi1>, vector<1x32xf32>
    %add3A_430 = arith.addf %sub3A_409, %select_n3A_429 : vector<1x32xf32>
    %eq3A_431 = arith.constant 14 : i32
    %eq3A_432 = vector.broadcast %eq3A_431 : i32 to vector<1x32xi32>
    %eq3A_433 = arith.cmpi eq, %iota3A, %eq3A_432 : vector<1x32xi32>
    %jit3A_434 = arith.constant 0.000000e+00 : f32
    %broadcast_in_dim3A_435 = vector.broadcast %reduce_sum3A_422 : f32 to vector<1x32xf32>
    %broadcast_in_dim3A_436 = vector.broadcast %jit3A_434 : f32 to vector<1x32xf32>
    %select_n3A_437 = arith.select %eq3A_433, %broadcast_in_dim3A_435, %broadcast_in_dim3A_436 : vector<1x32xi1>, vector<1x32xf32>
    %sub3A_438 = arith.subf %add3A_430, %select_n3A_437 : vector<1x32xf32>
    %ge3A_439 = arith.constant 1.600000e+01 : f32
    %ge3A_440 = vector.broadcast %ge3A_439 : f32 to vector<256x4096xf32>
    %ge3A_441 = arith.cmpf oge, %mul3A_3, %ge3A_440 : vector<256x4096xf32>
    %jit3A_442 = arith.constant 1.000000e+00 : f32
    %jit3A_443 = arith.constant 0.000000e+00 : f32
    %broadcast_in_dim3A_444 = vector.broadcast %jit3A_442 : f32 to vector<256x4096xf32>
    %broadcast_in_dim3A_445 = vector.broadcast %jit3A_443 : f32 to vector<256x4096xf32>
    %select_n3A_446 = arith.select %ge3A_441, %broadcast_in_dim3A_444, %broadcast_in_dim3A_445 : vector<256x4096xi1>, vector<256x4096xf32>
    %reduce_sum3A_447 = vector.shape_cast %select_n3A_446 : vector<256x4096xf32> to vector<1x256x4096xf32>
    %reduce_sum3A_448 = arith.constant dense<0.000000e+00> : vector<1xf32>
    %reduce_sum3A_449 = vector.multi_reduction <add>, %reduce_sum3A_447, %reduce_sum3A_448 [1, 2] : vector<1x256x4096xf32> to vector<1xf32>
    %reduce_sum3A_450 = vector.shape_cast %reduce_sum3A_449 : vector<1xf32> to vector<1x1x1xf32>
    %reduce_sum3A_451 = vector.extract %reduce_sum3A_450[0, 0, 0] : f32 from vector<1x1x1xf32>
    %eq3A_452 = arith.constant 16 : i32
    %eq3A_453 = vector.broadcast %eq3A_452 : i32 to vector<1x32xi32>
    %eq3A_454 = arith.cmpi eq, %iota3A, %eq3A_453 : vector<1x32xi32>
    %jit3A_455 = arith.constant 0.000000e+00 : f32
    %broadcast_in_dim3A_456 = vector.broadcast %reduce_sum3A_451 : f32 to vector<1x32xf32>
    %broadcast_in_dim3A_457 = vector.broadcast %jit3A_455 : f32 to vector<1x32xf32>
    %select_n3A_458 = arith.select %eq3A_454, %broadcast_in_dim3A_456, %broadcast_in_dim3A_457 : vector<1x32xi1>, vector<1x32xf32>
    %add3A_459 = arith.addf %sub3A_438, %select_n3A_458 : vector<1x32xf32>
    %eq3A_460 = arith.constant 15 : i32
    %eq3A_461 = vector.broadcast %eq3A_460 : i32 to vector<1x32xi32>
    %eq3A_462 = arith.cmpi eq, %iota3A, %eq3A_461 : vector<1x32xi32>
    %jit3A_463 = arith.constant 0.000000e+00 : f32
    %broadcast_in_dim3A_464 = vector.broadcast %reduce_sum3A_451 : f32 to vector<1x32xf32>
    %broadcast_in_dim3A_465 = vector.broadcast %jit3A_463 : f32 to vector<1x32xf32>
    %select_n3A_466 = arith.select %eq3A_462, %broadcast_in_dim3A_464, %broadcast_in_dim3A_465 : vector<1x32xi1>, vector<1x32xf32>
    %sub3A_467 = arith.subf %add3A_459, %select_n3A_466 : vector<1x32xf32>
    %ge3A_468 = arith.constant 1.700000e+01 : f32
    %ge3A_469 = vector.broadcast %ge3A_468 : f32 to vector<256x4096xf32>
    %ge3A_470 = arith.cmpf oge, %mul3A_3, %ge3A_469 : vector<256x4096xf32>
    %jit3A_471 = arith.constant 1.000000e+00 : f32
    %jit3A_472 = arith.constant 0.000000e+00 : f32
    %broadcast_in_dim3A_473 = vector.broadcast %jit3A_471 : f32 to vector<256x4096xf32>
    %broadcast_in_dim3A_474 = vector.broadcast %jit3A_472 : f32 to vector<256x4096xf32>
    %select_n3A_475 = arith.select %ge3A_470, %broadcast_in_dim3A_473, %broadcast_in_dim3A_474 : vector<256x4096xi1>, vector<256x4096xf32>
    %reduce_sum3A_476 = vector.shape_cast %select_n3A_475 : vector<256x4096xf32> to vector<1x256x4096xf32>
    %reduce_sum3A_477 = arith.constant dense<0.000000e+00> : vector<1xf32>
    %reduce_sum3A_478 = vector.multi_reduction <add>, %reduce_sum3A_476, %reduce_sum3A_477 [1, 2] : vector<1x256x4096xf32> to vector<1xf32>
    %reduce_sum3A_479 = vector.shape_cast %reduce_sum3A_478 : vector<1xf32> to vector<1x1x1xf32>
    %reduce_sum3A_480 = vector.extract %reduce_sum3A_479[0, 0, 0] : f32 from vector<1x1x1xf32>
    %eq3A_481 = arith.constant 17 : i32
    %eq3A_482 = vector.broadcast %eq3A_481 : i32 to vector<1x32xi32>
    %eq3A_483 = arith.cmpi eq, %iota3A, %eq3A_482 : vector<1x32xi32>
    %jit3A_484 = arith.constant 0.000000e+00 : f32
    %broadcast_in_dim3A_485 = vector.broadcast %reduce_sum3A_480 : f32 to vector<1x32xf32>
    %broadcast_in_dim3A_486 = vector.broadcast %jit3A_484 : f32 to vector<1x32xf32>
    %select_n3A_487 = arith.select %eq3A_483, %broadcast_in_dim3A_485, %broadcast_in_dim3A_486 : vector<1x32xi1>, vector<1x32xf32>
    %add3A_488 = arith.addf %sub3A_467, %select_n3A_487 : vector<1x32xf32>
    %eq3A_489 = arith.constant 16 : i32
    %eq3A_490 = vector.broadcast %eq3A_489 : i32 to vector<1x32xi32>
    %eq3A_491 = arith.cmpi eq, %iota3A, %eq3A_490 : vector<1x32xi32>
    %jit3A_492 = arith.constant 0.000000e+00 : f32
    %broadcast_in_dim3A_493 = vector.broadcast %reduce_sum3A_480 : f32 to vector<1x32xf32>
    %broadcast_in_dim3A_494 = vector.broadcast %jit3A_492 : f32 to vector<1x32xf32>
    %select_n3A_495 = arith.select %eq3A_491, %broadcast_in_dim3A_493, %broadcast_in_dim3A_494 : vector<1x32xi1>, vector<1x32xf32>
    %sub3A_496 = arith.subf %add3A_488, %select_n3A_495 : vector<1x32xf32>
    %ge3A_497 = arith.constant 1.800000e+01 : f32
    %ge3A_498 = vector.broadcast %ge3A_497 : f32 to vector<256x4096xf32>
    %ge3A_499 = arith.cmpf oge, %mul3A_3, %ge3A_498 : vector<256x4096xf32>
    %jit3A_500 = arith.constant 1.000000e+00 : f32
    %jit3A_501 = arith.constant 0.000000e+00 : f32
    %broadcast_in_dim3A_502 = vector.broadcast %jit3A_500 : f32 to vector<256x4096xf32>
    %broadcast_in_dim3A_503 = vector.broadcast %jit3A_501 : f32 to vector<256x4096xf32>
    %select_n3A_504 = arith.select %ge3A_499, %broadcast_in_dim3A_502, %broadcast_in_dim3A_503 : vector<256x4096xi1>, vector<256x4096xf32>
    %reduce_sum3A_505 = vector.shape_cast %select_n3A_504 : vector<256x4096xf32> to vector<1x256x4096xf32>
    %reduce_sum3A_506 = arith.constant dense<0.000000e+00> : vector<1xf32>
    %reduce_sum3A_507 = vector.multi_reduction <add>, %reduce_sum3A_505, %reduce_sum3A_506 [1, 2] : vector<1x256x4096xf32> to vector<1xf32>
    %reduce_sum3A_508 = vector.shape_cast %reduce_sum3A_507 : vector<1xf32> to vector<1x1x1xf32>
    %reduce_sum3A_509 = vector.extract %reduce_sum3A_508[0, 0, 0] : f32 from vector<1x1x1xf32>
    %eq3A_510 = arith.constant 18 : i32
    %eq3A_511 = vector.broadcast %eq3A_510 : i32 to vector<1x32xi32>
    %eq3A_512 = arith.cmpi eq, %iota3A, %eq3A_511 : vector<1x32xi32>
    %jit3A_513 = arith.constant 0.000000e+00 : f32
    %broadcast_in_dim3A_514 = vector.broadcast %reduce_sum3A_509 : f32 to vector<1x32xf32>
    %broadcast_in_dim3A_515 = vector.broadcast %jit3A_513 : f32 to vector<1x32xf32>
    %select_n3A_516 = arith.select %eq3A_512, %broadcast_in_dim3A_514, %broadcast_in_dim3A_515 : vector<1x32xi1>, vector<1x32xf32>
    %add3A_517 = arith.addf %sub3A_496, %select_n3A_516 : vector<1x32xf32>
    %eq3A_518 = arith.constant 17 : i32
    %eq3A_519 = vector.broadcast %eq3A_518 : i32 to vector<1x32xi32>
    %eq3A_520 = arith.cmpi eq, %iota3A, %eq3A_519 : vector<1x32xi32>
    %jit3A_521 = arith.constant 0.000000e+00 : f32
    %broadcast_in_dim3A_522 = vector.broadcast %reduce_sum3A_509 : f32 to vector<1x32xf32>
    %broadcast_in_dim3A_523 = vector.broadcast %jit3A_521 : f32 to vector<1x32xf32>
    %select_n3A_524 = arith.select %eq3A_520, %broadcast_in_dim3A_522, %broadcast_in_dim3A_523 : vector<1x32xi1>, vector<1x32xf32>
    %sub3A_525 = arith.subf %add3A_517, %select_n3A_524 : vector<1x32xf32>
    %ge3A_526 = arith.constant 1.900000e+01 : f32
    %ge3A_527 = vector.broadcast %ge3A_526 : f32 to vector<256x4096xf32>
    %ge3A_528 = arith.cmpf oge, %mul3A_3, %ge3A_527 : vector<256x4096xf32>
    %jit3A_529 = arith.constant 1.000000e+00 : f32
    %jit3A_530 = arith.constant 0.000000e+00 : f32
    %broadcast_in_dim3A_531 = vector.broadcast %jit3A_529 : f32 to vector<256x4096xf32>
    %broadcast_in_dim3A_532 = vector.broadcast %jit3A_530 : f32 to vector<256x4096xf32>
    %select_n3A_533 = arith.select %ge3A_528, %broadcast_in_dim3A_531, %broadcast_in_dim3A_532 : vector<256x4096xi1>, vector<256x4096xf32>
    %reduce_sum3A_534 = vector.shape_cast %select_n3A_533 : vector<256x4096xf32> to vector<1x256x4096xf32>
    %reduce_sum3A_535 = arith.constant dense<0.000000e+00> : vector<1xf32>
    %reduce_sum3A_536 = vector.multi_reduction <add>, %reduce_sum3A_534, %reduce_sum3A_535 [1, 2] : vector<1x256x4096xf32> to vector<1xf32>
    %reduce_sum3A_537 = vector.shape_cast %reduce_sum3A_536 : vector<1xf32> to vector<1x1x1xf32>
    %reduce_sum3A_538 = vector.extract %reduce_sum3A_537[0, 0, 0] : f32 from vector<1x1x1xf32>
    %eq3A_539 = arith.constant 19 : i32
    %eq3A_540 = vector.broadcast %eq3A_539 : i32 to vector<1x32xi32>
    %eq3A_541 = arith.cmpi eq, %iota3A, %eq3A_540 : vector<1x32xi32>
    %jit3A_542 = arith.constant 0.000000e+00 : f32
    %broadcast_in_dim3A_543 = vector.broadcast %reduce_sum3A_538 : f32 to vector<1x32xf32>
    %broadcast_in_dim3A_544 = vector.broadcast %jit3A_542 : f32 to vector<1x32xf32>
    %select_n3A_545 = arith.select %eq3A_541, %broadcast_in_dim3A_543, %broadcast_in_dim3A_544 : vector<1x32xi1>, vector<1x32xf32>
    %add3A_546 = arith.addf %sub3A_525, %select_n3A_545 : vector<1x32xf32>
    %eq3A_547 = arith.constant 18 : i32
    %eq3A_548 = vector.broadcast %eq3A_547 : i32 to vector<1x32xi32>
    %eq3A_549 = arith.cmpi eq, %iota3A, %eq3A_548 : vector<1x32xi32>
    %jit3A_550 = arith.constant 0.000000e+00 : f32
    %broadcast_in_dim3A_551 = vector.broadcast %reduce_sum3A_538 : f32 to vector<1x32xf32>
    %broadcast_in_dim3A_552 = vector.broadcast %jit3A_550 : f32 to vector<1x32xf32>
    %select_n3A_553 = arith.select %eq3A_549, %broadcast_in_dim3A_551, %broadcast_in_dim3A_552 : vector<1x32xi1>, vector<1x32xf32>
    %sub3A_554 = arith.subf %add3A_546, %select_n3A_553 : vector<1x32xf32>
    %eq3A_555 = arith.constant 0 : i32
    %eq3A_556 = arith.cmpi eq, %arg0, %eq3A_555 : i32
    %convert_element_type3A = arith.extui %eq3A_556 : i1 to i32
    %cond3A = arith.constant 0 : i32
    %cond3A_557 = arith.cmpi ne, %convert_element_type3A, %cond3A : i32
    scf.if %cond3A_557 {
      %swap3A = arith.constant 0 : index
      %swap3A_562 = arith.constant 0 : index
      %swap3A_563 = vector.load %arg2[%swap3A, %swap3A_562] : memref<1x32xf32, #tpu.memory_space<vmem>>, vector<1x32xf32>
      tpu.vector_store %arg2[%swap3A, %swap3A_562], %sub3A_554 {strides = array<i32>} : memref<1x32xf32, #tpu.memory_space<vmem>>, vector<1x32xf32>,
    } else {
    }
    %gt3A = arith.constant 0 : i32
    %gt3A_558 = arith.cmpi sgt, %arg0, %gt3A : i32
    %convert_element_type3A_559 = arith.extui %gt3A_558 : i1 to i32
    %cond3A_560 = arith.constant 0 : i32
    %cond3A_561 = arith.cmpi ne, %convert_element_type3A_559, %cond3A_560 : i32
    scf.if %cond3A_561 {
      %get3A_562 = arith.constant 0 : index
      %get3A_563 = arith.constant 0 : index
      %get3A_564 = vector.load %arg2[%get3A_562, %get3A_563] : memref<1x32xf32, #tpu.memory_space<vmem>>, vector<1x32xf32>
      %add3A_565 = arith.addf %get3A_564, %sub3A_554 : vector<1x32xf32>
      %swap3A = arith.constant 0 : index
      %swap3A_566 = arith.constant 0 : index
      %swap3A_567 = vector.load %arg2[%swap3A, %swap3A_566] : memref<1x32xf32, #tpu.memory_space<vmem>>, vector<1x32xf32>
      tpu.vector_store %arg2[%swap3A, %swap3A_566], %add3A_565 {strides = array<i32>} : memref<1x32xf32, #tpu.memory_space<vmem>>, vector<1x32xf32>,
    } else {
    }
    return
  }
  func.func @transform_0(%arg0: i32) -> (i32, i32) {
    %add3A = arith.constant 12 : i32
    %add3A_0 = arith.addi %add3A, %arg0 : i32
    %c0_i32 = arith.constant 0 : i32
    %c0_i32_1 = arith.constant 0 : i32
    return %add3A_0, %c0_i32 : i32, i32
  }
  func.func @transform_1(%arg0: i32) -> (i32, i32) {
    %c0_i32 = arith.constant 0 : i32
    %c0_i32_0 = arith.constant 0 : i32
    %c0_i32_1 = arith.constant 0 : i32
    return %c0_i32, %c0_i32_0 : i32, i32
  }
}

</mosaic_0001>

<sc_bundles>
// kernel: kernel.5.cloned.1.call-start
scs
__scs_entry_jumppad:
0x0: {  	(pc) =	sbr.rel $0x88, $3  }
0x1: {  	(tag) =	ssettag $0x0;
	lr =	simm.s32 $0x1  }
0x2: {  	[smem:$0x3F9E] =	sst lr;
	_ =	strace $0xD0000000  }
0x3: {  	_ = 	snop  }
0x4: {  	_ = 	snop  }
0x5: {  	_ = 	snop  }
0x6: {  	_ = 	snop  }
0x7: {  	_ = 	snop  }
__scs_overlays_trampoline_lowered:
0x8: {  	[smem:$0x3FAD] =	sst s0  }
0x9: {  	[smem:$0x3FAE] =	sst s1  }
0xa: {  	[smem:$0x3FAF] =	sst s2  }
0xb: {  	[smem:$0x3FB0] =	sst s3  }
0xc: {  	[smem:$0x3FB1] =	sst s4  }
0xd: {  	[smem:$0x3FB2] =	sst s5  }
0xe: {  	[smem:$0x3FB3] =	sst s6  }
0xf: {  	[smem:$0x3FB4] =	sst s7  }
0x10: {  	[smem:$0x3FB5] =	sst s8  }
0x11: {  	[smem:$0x3FB6] =	sst s9;
	s0 =	simm.s32 @!p0 $0x0  }
0x12: {  	s1 =	sld [smem:$0x3F9C];
	s0 =	simm.s32 @p0 $0x1  }
0x13: {  	[smem:$0x3FB7] =	sst s0;
	s0 =	simm.s32 @!p1 $0x0  }
0x14: {  	s2 =	sld [smem:$0x3F9B];
	s0 =	simm.s32 @p1 $0x1  }
0x15: {  	[smem:$0x3FB8] =	sst s0;
	s0 =	simm.s32 @!p2 $0x0  }
0x16: {  	s3 =	sld [smem:$0x3FDB];
	s0 =	simm.s32 @p2 $0x1  }
0x17: {  	s4 =	simm.s32 $0x1BF5;
	[smem:$0x3FBA] =	sst s0  }
0x18: {  	s0 =	sld [smem:$0x3F9D];
	_ =	swait.ge [sflag:s4], $0x0  }
0x19: {  	s7 =	sld [smem:$0x3F9E]  }
0x1a: {  	s8 =	sadd.s32 $0xFFFFE003, lr  }
0x1b: {  	s9 =	sadd.s32 $0xFFFFFEF7, lr;
	s5 =	simm.s32 $0xFFFFFFFF;
	p2 =	slt.u32 s8, $0xFFFFF086  }
0x1c: {  	p1 =	slt.u32 s9, $0xF7A;
	s5 =	simm.s32 @!p2 $0x0  }
0x1d: {  	s5 =	simm.s32 @p1 $0x1;
	p0 =	seq.s32 s7, s2  }
0x1e: {  	s7 =	smul.u32 @!p0 $0xF7A, s2;
	p2 =	seq.s32 @!p0 s5, $0x0  }
0x1f: {  	s9 =	smul.u32 $0xF7A, s1;
	s8 =	simm.s32 @!p0 $0x1BF5;
	p2 =	por !p2, p0  }
0x20: {  	[sflag:s8] =	ssyncset.s32 @!p0 $0xFFFFF086;
	s6 =	sadd.s32 @!p0 s3, s7;
	s7 =	simm.s32 @!p0 $0x108  }
0x21: {  	s3 =	sadd.s32 s3, s9;
	s6 =	sadd.s32 @!p0 $0x88, s6;
	s7 =	simm.s32 @p2 $0x1082  }
0x22: {  	[simem:s7], [sflag:s8] =	dma.local @!p0 [hbm:s6], $0xF7A  }
0x23: {  	s9 =	sor.u32 $0xD0000000, s2;
	s6 =	simm.s32 $0x108;
	_ =	swait.ge @!p0 [sflag:s8], $0x0  }
0x24: {  	s3 =	sadd.s32 $0x88, s3;
	s6 =	simm.s32 @!p1 $0x1082;
	[sflag:s4] =	ssyncset.s32 $0xFFFFF086  }
0x25: {  	[simem:s6], [sflag:s4] =	dma.local [hbm:s3], $0xF7A  }
0x26: {  	[smem:$0x3F9E] =	sst s1;
	(tag) =	ssettag s2;
	_ =	strace s9  }
0x27: {  	s1 =	sld [smem:$0x3FAE]  }
0x28: {  	s2 =	sld [smem:$0x3FAF]  }
0x29: {  	s4 =	sld [smem:$0x3FB1]  }
0x2a: {  	p0 =	seq.s32 s5, $0x0;
	s5 =	sld [smem:$0x3FB2]  }
0x2b: {  	s6 =	sld [smem:$0x3FB3]  }
0x2c: {  	s7 =	sld [smem:$0x3FB4]  }
0x2d: {  	s3 =	simm.s32 $0x108;
	s8 =	sld [smem:$0x3FB5]  }
0x2e: {  	s3 =	simm.s32 @!p0 $0x1082;
	s9 =	sld [smem:$0x3FB6]  }
0x2f: {  	lr =	sadd.s32 s0, s3;
	s0 =	sld [smem:$0x3FAD]  }
0x30: {  	s3 =	sld [smem:$0x3FB0]  }
0x31: {  	[smem:$0x3FB9] =	sst s10  }
0x32: {  	s10 =	sld [smem:$0x3FB7];
	_ =	sdelay $0x3  }
0x33: {  	p0 =	seq.s32 s10, $0x1;
	s10 =	sld [smem:$0x3FB9];
	_ =	sdelay $0x3  }
0x34: {  	[smem:$0x3FB9] =	sst s10  }
0x35: {  	s10 =	sld [smem:$0x3FB8];
	_ =	sdelay $0x3  }
0x36: {  	p1 =	seq.s32 s10, $0x1;
	s10 =	sld [smem:$0x3FB9];
	_ =	sdelay $0x3  }
0x37: {  	[smem:$0x3FB9] =	sst s10  }
0x38: {  	s10 =	sld [smem:$0x3FBA]  }
0x39: {  	_ = 	snop;
	(pc) =	sbr.ind lr, $3  }
0x3a: {  	_ = 	snop  }
0x3b: {  	_ = 	snop  }
0x3c: {  	p2 =	seq.s32 s10, $0x1;
	s10 =	sld [smem:$0x3FB9]  }
0x3d: {  	_ =	shalt  }
0x3e: {  	_ =	shalt  }
0x3f: {  	_ =	shalt  }
0x40: {  	_ =	shalt  }
0x41: {  	_ =	shalt  }
0x42: {  	_ =	shalt  }
0x43: {  	_ =	shalt  }
0x44: {  	_ =	shalt  }
0x45: {  	_ =	shalt  }
0x46: {  	_ =	shalt  }
0x47: {  	_ =	shalt  }
0x48: {  	_ =	shalt  }
0x49: {  	_ =	shalt  }
0x4a: {  	_ =	shalt  }
0x4b: {  	_ =	shalt  }
0x4c: {  	_ =	shalt  }
0x4d: {  	_ =	shalt  }
0x4e: {  	_ =	shalt  }
0x4f: {  	_ =	shalt  }
0x50: {  	_ =	shalt  }
0x51: {  	_ =	shalt  }
0x52: {  	_ =	shalt  }
0x53: {  	_ =	shalt  }
0x54: {  	_ =	shalt  }
0x55: {  	_ =	shalt  }
0x56: {  	_ =	shalt  }
0x57: {  	_ =	shalt  }
0x58: {  	_ =	shalt  }
0x59: {  	_ =	shalt  }
0x5a: {  	_ =	shalt  }
0x5b: {  	_ =	shalt  }
0x5c: {  	_ =	shalt  }
0x5d: {  	_ =	shalt  }
0x5e: {  	_ =	shalt  }
0x5f: {  	_ =	shalt  }
0x60: {  	_ =	shalt  }
0x61: {  	_ =	shalt  }
0x62: {  	_ =	shalt  }
0x63: {  	_ =	shalt  }
0x64: {  	_ =	shalt  }
0x65: {  	_ =	shalt  }
0x66: {  	_ =	shalt  }
0x67: {  	_ =	shalt  }
0x68: {  	_ =	shalt  }
0x69: {  	_ =	shalt  }
0x6a: {  	_ =	shalt  }
0x6b: {  	_ =	shalt  }
0x6c: {  	_ =	shalt  }
0x6d: {  	_ =	shalt  }
0x6e: {  	_ =	shalt  }
0x6f: {  	_ =	shalt  }
0x70: {  	_ =	shalt  }
0x71: {  	_ =	shalt  }
0x72: {  	_ =	shalt  }
0x73: {  	_ =	shalt  }
0x74: {  	_ =	shalt  }
0x75: {  	_ =	shalt  }
0x76: {  	_ =	shalt  }
0x77: {  	_ =	shalt  }
0x78: {  	_ =	shalt  }
0x79: {  	_ =	shalt  }
0x7a: {  	_ =	shalt  }
0x7b: {  	_ =	shalt  }
0x7c: {  	_ =	shalt  }
0x7d: {  	_ =	shalt  }
0x7e: {  	_ =	shalt  }
0x7f: {  	_ =	shalt  }
0x80: {  	_ =	shalt  }
0x81: {  	_ =	shalt  }
0x82: {  	_ =	shalt  }
0x83: {  	_ =	shalt  }
0x84: {  	_ =	shalt  }
0x85: {  	_ =	shalt  }
0x86: {  	_ =	shalt  }
0x87: {  	_ =	shalt  }
.Lfunc_end0:
.L_simem_size_0:
called_computation_lowered:
.L_overlay_start_0:
0x88: {  	s2 =	sld [smem:$0x3FD9]  }
0x89: {  	s3 =	sld [smem:$0x3FFE];
	_ =	sdelay $0x1  }
0x8a: {  	s1 =	srdreg.scid  }
0x8b: {  	s0 =	sand.u32 $0x1, s1  }
0x8c: {  	s17 =	sshll.u32 s0, $0xA;
	s2 =	sadd.s32 s3, s2  }
0x8d: {  	s2 =	sadd.s32 s2, s17  }
0x8e: {  	[smem:$0x3FC5] =	sst s2  }
0x8f: {  	_ = 	snop  }
0x90: {  	s2 =	sld [smem:$0x3FC9];
	(tm) =	ssettm $0x1  }
0x91: {  	s18 =	sld [smem:$0x3FFB];
	_ =	sdelay $0x3  }
0x92: {  	_ =	strace s18  }
0x93: {  	s3 =	sld [smem:$0x3FFC];
	_ =	sdelay $0x3  }
0x94: {  	_ =	strace s3  }
0x95: {  	s3 =	sld [smem:$0x3FFD];
	_ =	sdelay $0x3  }
0x96: {  	_ =	strace s3  }
0x97: {  	_ =	strace $0x8FFFFFFF  }
0x98: {  	s19 =	sld [smem:$0x3FDB];
	_ =	sdelay $0x1  }
0x99: {  	s4 =	simm.s32 $_scs_section_size  }
0x9a: {  	s5 =	simm.s32 $_size__tile_overlayer_lowered;
	s6 =	simm.s32 $_tile_overlayer_lowered  }
0x9b: {  	s22 =	simm.s32 $0x1BFF;
	s21 =	sshll.u32 s6, $0x1;
	s3 =	sadd.s32 s4, s19  }
0x9c: {  	s7 =	simm.s32 $0x0;
	s20 =	sshll.u32 s5, $0x1;
	s5 =	sadd.s32 s21, s3  }
0x9d: {  	[timem:s7], [sflag:s22] =	dma.local [hbm:s5], s20  }
0x9e: {  	_ =	swait.ge [sflag:s22], s20  }
0x9f: {  	s4 =	ssub.s32 $0x0, s20;
	[sflag:s22] =	ssyncset.done $0x0  }
0xa0: {  	[sflag:s22] =	ssyncadd.s32 s4;
	_ =	sdelay $0x1  }
0xa1: {  	s23 =	simm.s32 $0x1B8B  }
0xa2: {  	_ =	swait.ge [sflag:s23], $0x1  }
0xa3: {  	[sflag:s23] =	ssyncset.done $0x0  }
0xa4: {  	s25 =	simm.s32 $0x1B8E;
	s24 =	sld [smem:$0x3FFE];
	[sflag:s23] =	ssyncadd.s32 $0xFFFFFFFF  }
0xa5: {  	s26 =	simm.s32 $execute0_lowered;
	[smem:$0x3FD2] =	sst s25  }
0xa6: {  	s5 =	sshll.u32 s26, $0x1;
	_ =	strace $0x80000046;
	[dreg:$0x1] =	wrdreg $0xFFFFFFFF  }
0xa7: {  	s28 =	simm.s32 $_size_execute0_lowered;
	s3 =	sadd.s32 s3, s5;
	[dreg:$0x0] =	wrdreg $0x0  }
0xa8: {  	s5 =	sshll.u32 s28, $0x1;
	[dreg:$0x2] =	wrdreg s3  }
0xa9: {  	[dreg:$0x3] =	wrdreg s5  }
0xaa: {  	[dreg:$0x4] =	wrdreg $0xC0  }
0xab: {  	_ =	task [dreg:s7], $0x5FFFF  }
0xac: {  	[dreg:$0x1] =	wrdreg $0xFFFFFFFF  }
0xad: {  	[dreg:$0x0] =	wrdreg $0x60  }
0xae: {  	[dreg:$0x2] =	wrdreg s2  }
0xaf: {  	[dreg:$0x3] =	wrdreg s24  }
0xb0: {  	[dreg:$0x4] =	wrdreg $0x9  }
0xb1: {  	_ =	task.clear_ibuf [dreg:s7], $0x5FFFF;
	_ =	strace $0x90000046  }
0xb2: {  	s29 =	simm.s32 $0x9;
	_ =	strace $0x80000048  }
0xb3: {  	_ =	swait.ge [sflag:s29], $0x1  }
0xb4: {  	[sflag:s29] =	ssyncadd.s32 $0xFFFFFFFF  }
0xb5: {  	_ =	strace $0x90000048  }
0xb6: {  	_ =	sfence  }
0xb7: {  	s30 =	sld [smem:$0x0];
	_ =	sdelay $0x2  }
0xb8: {  	s31 =	sshll.u32 s1, $0xD;
	s1 =	sshrl.u32 s1, $0x2  }
0xb9: {  	s3 =	sand.u32 $0x4000, s31;
	s1 =	sadd.s32 s1, s30  }
0xba: {  	s0 =	sor.u32 s3, s0;
	s1 =	sshll.u32 s1, $0x11  }
0xbb: {  	s0 =	sor.u32 s1, s0  }
0xbc: {  	s0 =	sadd.s32 $0x8F2B, s0  }
0xbd: {  	[sflag:s0] =	ssyncadd.remote.s32 $0x1  }
0xbe: {  	_ =	sfence.sel $0xFFFF  }
0xbf: {  	[dreg:$0x0] =	wrdreg $0xFFFFFFFF;
	(pc) =	sbr.abs _section_cstart, $3  }
0xc0: {  	[dreg:$0x1] =	wrdreg $0xFFFFFFFF  }
0xc1: {  	_ =	task.clear_ibuf [dreg:s7], $0x2FFFF;
	_ =	strace $0x9FFFFFFF  }
0xc2: {  	(tm) =	ssettm $0x7FFFFFFF  }
0xc3: {  	_ =	shalt  }
tec
execute0_lowered:
.L_overlay_start_1:
0x0: {  	(tag) =	ssettag $0x1  }
0x1: {  	s6 =	rddreg [dreg:$0x0];
	s1 =	srdreg.scid  }
0x2: {  	s0 =	stileid.u32;
	s3 =	rddreg [dreg:$0x1];
	s2 =	simm.s32 $0x0  }
0x3: {  	s17 =	simm.s32 $0x8000;
	s18 =	simm.s32 $0x1;
	s19 =	simm.s32 $0x10000  }
0x4: {  	s20 =	simm.s32 $0x2;
	s21 =	simm.s32 $0x10180;
	s22 =	simm.s32 $0x3  }
0x5: {  	s4 =	sand.u32 $0x1, s1;
	s5 =	sshll.u32 s0, $0x1;
	s1 =	rddreg [dreg:$0x2]  }
0x6: {  	s23 =	simm.s32 $0x0;
	[smem:$0x7FF] =	sst s2;
	s5 =	sor.u32 s4, s5  }
0x7: {  	s4 =	ssub.s32 $0x2, s4;
	_ =	strace $0x80000047;
	s7 =	smul.u32 $0xC000, s5  }
0x8: {  	s8 =	sshll.u32 s5, $0x4;
	s5 =	smul.u32 $0x60000, s5;
	s30 =	sshrl.u32 s4, $0x1  }
0x9: {  	v0 =	vimm.f32 $0.0e+00;
	v1 =	vlaneseq.u32;
	v2 =	vimm.f32 $1.000000000e+00;
	s15 =	sadd.s32 s8, s3;
	s16 =	ssub.s32 s4, s30;
	s3 =	sadd.s32 s6, s7  }
0xa: {  	vm0 =	vmmov $0x1;
	vm1 =	vmmov $0x3;
	vm2 =	vmmov $0x7;
	s31 =	sshrl.u32 s5, $0x3;
	s15 =	sadd.s32 $0xC00, s15;
	s16 =	smax.u32 s16, $0x1  }
0xb: {  	vm3 =	vmmov $0xf;
	vm4 =	vmmov $0x1f;
	vm5 =	vmmov $0x3f;
	s4 =	sadd.s32 $0x1000, s3;
	s5 =	sadd.s32 $0x2000, s3;
	s14 =	sadd.s32 s6, s31  }
0xc: {  	vm6 =	vmmov $0x7f;
	vm7 =	vmmov $0xff;
	vm8 =	vmmov $0x1ff;
	s6 =	sadd.s32 $0x3000, s3;
	s7 =	sadd.s32 $0x4000, s14;
	s8 =	sadd.s32 $0x5000, s14  }
0xd: {  	vm9 =	vmmov $0x3ff;
	vm10 =	vmmov $0x7ff;
	vm11 =	vmmov $0xfff;
	s9 =	sadd.s32 $0x6000, s14;
	s10 =	sadd.s32 $0x7000, s14;
	s11 =	sadd.s32 $0x8000, s14  }
0xe: {  	vm12 =	vmmov $0x1fff;
	vm13 =	vmmov $0x3fff;
	vm14 =	vmmov $0x7fff;
	s12 =	sadd.s32 $0x9000, s14;
	s13 =	sadd.s32 $0xA000, s14;
	s14 =	sadd.s32 $0xB000, s14  }
.LBB2_1:
0xf: {  	[tilespmem:$0x10000] =	vst v0  }
0x10: {  	[tilespmem:$0x10010] =	vst v0  }
0x11: {  	[tilespmem:$0x10020] =	vst v0  }
0x12: {  	[tilespmem:$0x10030] =	vst v0  }
0x13: {  	[tilespmem:$0x10040] =	vst v0  }
0x14: {  	[tilespmem:$0x10050] =	vst v0  }
0x15: {  	[tilespmem:$0x10060] =	vst v0  }
0x16: {  	[tilespmem:$0x10070] =	vst v0  }
0x17: {  	[tilespmem:$0x10080] =	vst v0  }
0x18: {  	[tilespmem:$0x10090] =	vst v0  }
0x19: {  	[tilespmem:$0x100A0] =	vst v0  }
0x1a: {  	[tilespmem:$0x100B0] =	vst v0  }
0x1b: {  	[tilespmem:$0x100C0] =	vst v0  }
0x1c: {  	[tilespmem:$0x100D0] =	vst v0  }
0x1d: {  	[tilespmem:$0x100E0] =	vst v0  }
0x1e: {  	[tilespmem:$0x100F0] =	vst v0  }
0x1f: {  	[tilespmem:$0x10100] =	vst v0  }
0x20: {  	[tilespmem:$0x10110] =	vst v0  }
0x21: {  	[tilespmem:$0x10120] =	vst v0  }
0x22: {  	[tilespmem:$0x10130] =	vst v0  }
0x23: {  	[tilespmem:$0x10140] =	vst v0  }
0x24: {  	[tilespmem:s2], [sflag:$0x1] =	stream.linear.gather [hbm4b:s3+s2], $0x8000, $0x38;
	[tilespmem:$0x10200] =	vst v63  }
0x25: {  	_ = 	snop  }
0x26: {  	[tilespmem:s17], [sflag:$0x2] =	stream.linear.gather [hbm4b:s4+s2], $0x8000, $0x38;
	[tilespmem:$0x10200] =	vst v63  }
0x27: {  	_ =	swait.ge [sflag:s18], $0x8000  }
0x28: {  	s24 =	sand.u32 $0x7C00, s2;
	s25 =	sand.u32 $0x380, s2;
	[sflag:s18] =	ssyncset.done $0x0  }
0x29: {  	s24 =	sor.u32 s25, s24;
	[sflag:s18] =	ssyncadd.s32 $0xFFFF8000  }
0x2a: {  	v3 =	vld [tilespmem:s24+$0x70]  }
0x2b: {  	v4 =	vld [tilespmem:s24+$0x0]  }
0x2c: {  	v5 =	vld [tilespmem:s24+$0x10]  }
0x2d: {  	v6 =	vld [tilespmem:s24+$0x20]  }
0x2e: {  	v7 =	vld [tilespmem:s24+$0x30]  }
0x2f: {  	v8 =	vld [tilespmem:s24+$0x40]  }
0x30: {  	v9 =	vld [tilespmem:s24+$0x50]  }
0x31: {  	v10 =	vld [tilespmem:s24+$0x60];
	v3 =	vmul.f32 $3.200000000e+02, v3  }
0x32: {  	v4 =	vmul.f32 $3.200000000e+02, v4;
	v5 =	vmul.f32 $3.200000000e+02, v5  }
0x33: {  	v6 =	vmul.f32 $3.200000000e+02, v6;
	v7 =	vmul.f32 $3.200000000e+02, v7  }
0x34: {  	s30 =	simm.s32 $0x400;
	s31 =	simm.s32 $0x4;
	v8 =	vmul.f32 $3.200000000e+02, v8;
	v3 =	vtrunc.f32 v3  }
0x35: {  	s25 =	sand.u32 $0x380, s31;
	s24 =	sand.u32 $0x7C00, s30;
	v9 =	vmul.f32 $3.200000000e+02, v9;
	v3 =	vcvt.f32.s32 v3  }
0x36: {  	s24 =	sor.u32 s25, s24;
	v10 =	vmul.f32 $3.200000000e+02, v10;
	v4 =	vtrunc.f32 v4  }
0x37: {  	v11 =	vld [tilespmem:s24+$0x70];
	v5 =	vtrunc.f32 v5;
	v6 =	vtrunc.f32 v6;
	v3 =	vand.u32 $0xFFFFFFF0, v3  }
0x38: {  	v7 =	vtrunc.f32 v7;
	v8 =	vtrunc.f32 v8;
	v3 =	vor.u32 v1, v3  }
0x39: {  	v12 =	vld [tilespmem:s24+$0x10];
	v9 =	vtrunc.f32 v9;
	v6 =	vcvt.f32.s32 v6  }
0x3a: {  	v13 =	vld [tilespmem:s24+$0x20];
	v4 =	vcvt.f32.s32 v4;
	v5 =	vcvt.f32.s32 v5  }
0x3b: {  	v14 =	vld [tilespmem:s24+$0x30];
	v7 =	vcvt.f32.s32 v7;
	v8 =	vcvt.f32.s32 v8;
	v6 =	vand.u32 $0xFFFFFFF0, v6  }
0x3c: {  	v4 =	vand.u32 $0xFFFFFFF0, v4;
	v15 =	vor.u32 v1, v6;
	v6 =	vmul.f32 $3.200000000e+02, v11;
	v11 =	vld [tilespmem:s24+$0x50]  }
0x3d: {  	v9 =	vcvt.f32.s32 v9;
	v5 =	vand.u32 $0xFFFFFFF0, v5;
	v4 =	vor.u32 v1, v4;
	[tilespmem:v3+s19+$0x0] =	vst.idx.add.f32.msk $0xffff, v2  }
0x3e: {  	v8 =	vand.u32 $0xFFFFFFF0, v8;
	v5 =	vor.u32 v1, v5;
	v3 =	vtrunc.f32 v10;
	v10 =	vld [tilespmem:s24+$0x0]  }
0x3f: {  	v7 =	vand.u32 $0xFFFFFFF0, v7;
	v18 =	vor.u32 v1, v8;
	v8 =	vmul.f32 $3.200000000e+02, v12;
	v12 =	vld [tilespmem:s24+$0x60]  }
0x40: {  	v16 =	vld [tilespmem:s24+$0x40];
	v17 =	vor.u32 v1, v7;
	v6 =	vtrunc.f32 v6;
	v3 =	vcvt.f32.s32 v3  }
0x41: {  	v13 =	vmul.f32 $3.200000000e+02, v13;
	v9 =	vand.u32 $0xFFFFFFF0, v9;
	v19 =	vcvt.f32.s32 v6  }
0x42: {  	[tilespmem:v4+s19+$0x0] =	vst.idx.add.f32.msk $0xffff, v2;
	v4 =	vor.u32 v1, v9;
	v9 =	vmul.f32 $3.200000000e+02, v14;
	v3 =	vand.u32 $0xFFFFFFF0, v3  }
0x43: {  	[tilespmem:v5+s19+$0x0] =	vst.idx.add.f32.msk $0xffff, v2;
	v11 =	vmul.f32 $3.200000000e+02, v11;
	v3 =	vor.u32 v1, v3;
	v7 =	vmul.f32 $3.200000000e+02, v10  }
0x44: {  	[tilespmem:v15+s19+$0x0] =	vst.idx.add.f32.msk $0xffff, v2;
	v5 =	vand.u32 $0xFFFFFFF0, v19;
	v12 =	vmul.f32 $3.200000000e+02, v12;
	v9 =	vtrunc.f32 v9  }
0x45: {  	[tilespmem:v17+s19+$0x0] =	vst.idx.add.f32.msk $0xffff, v2;
	v5 =	vor.u32 v1, v5;
	v10 =	vmul.f32 $3.200000000e+02, v16;
	v6 =	vtrunc.f32 v7  }
0x46: {  	s26 =	simm.s32 $0x8;
	s25 =	simm.s32 $0x800;
	s24 =	simm.s32 $0x8;
	[tilespmem:v18+s19+$0x0] =	vst.idx.add.f32.msk $0xffff, v2;
	v7 =	vtrunc.f32 v8;
	v8 =	vtrunc.f32 v13  }
.LBB2_2:
0x47: {  	s28 =	sand.u32 $0x7C00, s25;
	s29 =	sand.u32 $0x380, s26;
	v10 =	vtrunc.f32 v10;
	v11 =	vtrunc.f32 v11;
	[tilespmem:v4+s19+$0x0] =	vst.idx.add.f32.msk $0xffff, v2  }
0x48: {  	s24 =	sadd.s32 $0x8, s24;
	v4 =	vcvt.f32.s32 v6;
	s28 =	sor.u32 s29, s28;
	v6 =	vtrunc.f32 v12;
	[tilespmem:v3+s19+$0x0] =	vst.idx.add.f32.msk $0xffff, v2  }
0x49: {  	v7 =	vcvt.f32.s32 v7;
	v8 =	vcvt.f32.s32 v8;
	p0 =	slt.u32 s24, $0x7F8;
	v3 =	vld [tilespmem:s28+$0x70]  }
0x4a: {  	v9 =	vcvt.f32.s32 v9;
	v10 =	vcvt.f32.s32 v10;
	v4 =	vand.u32 $0xFFFFFFF0, v4;
	[tilespmem:v5+s19+$0x0] =	vst.idx.add.f32.msk $0xffff, v2  }
0x4b: {  	v11 =	vcvt.f32.s32 v11;
	v7 =	vand.u32 $0xFFFFFFF0, v7;
	v6 =	vcvt.f32.s32 v6;
	v5 =	vld [tilespmem:s28+$0x0]  }
0x4c: {  	v8 =	vand.u32 $0xFFFFFFF0, v8;
	v9 =	vand.u32 $0xFFFFFFF0, v9;
	v10 =	vand.u32 $0xFFFFFFF0, v10;
	v12 =	vld [tilespmem:s28+$0x10]  }
0x4d: {  	v14 =	vor.u32 v1, v4;
	v4 =	vand.u32 $0xFFFFFFF0, v11;
	v6 =	vand.u32 $0xFFFFFFF0, v6;
	v13 =	vld [tilespmem:s28+$0x20]  }
0x4e: {  	v7 =	vor.u32 v1, v7;
	v8 =	vor.u32 v1, v8;
	v9 =	vor.u32 v1, v9;
	v11 =	vld [tilespmem:s28+$0x30]  }
0x4f: {  	v17 =	vor.u32 v1, v10;
	v4 =	vor.u32 v1, v4;
	v16 =	vmul.f32 $3.200000000e+02, v3;
	v15 =	vld [tilespmem:s28+$0x40]  }
0x50: {  	v3 =	vor.u32 v1, v6;
	v5 =	vmul.f32 $3.200000000e+02, v5;
	v18 =	vld [tilespmem:s28+$0x50]  }
0x51: {  	v6 =	vtrunc.f32 v16;
	v10 =	vmul.f32 $3.200000000e+02, v12;
	v12 =	vld [tilespmem:s28+$0x60]  }
.Ltmp0:
0x52: {  	v16 =	vcvt.f32.s32 v6;
	v13 =	vmul.f32 $3.200000000e+02, v13;
	[tilespmem:v14+s19+$0x0] =	vst.idx.add.f32.msk $0xffff, v2;
	(pc) =	sbr.rel @p0 .LBB2_2-.Ltmp0, $4  }
0x53: {  	v6 =	vtrunc.f32 v5;
	v14 =	vmul.f32 $3.200000000e+02, v11;
	[tilespmem:v7+s19+$0x0] =	vst.idx.add.f32.msk $0xffff, v2  }
0x54: {  	v7 =	vtrunc.f32 v10;
	v5 =	vand.u32 $0xFFFFFFF0, v16;
	v10 =	vmul.f32 $3.200000000e+02, v15;
	[tilespmem:v8+s19+$0x0] =	vst.idx.add.f32.msk $0xffff, v2  }
0x55: {  	v8 =	vtrunc.f32 v13;
	v5 =	vor.u32 v1, v5;
	v11 =	vmul.f32 $3.200000000e+02, v18;
	[tilespmem:v9+s19+$0x0] =	vst.idx.add.f32.msk $0xffff, v2  }
0x56: {  	s25 =	sadd.s32 $0x400, s25;
	s26 =	sadd.s32 $0x4, s26;
	v9 =	vtrunc.f32 v14;
	v12 =	vmul.f32 $3.200000000e+02, v12;
	[tilespmem:v17+s19+$0x0] =	vst.idx.add.f32.msk $0xffff, v2  }
0x57: {  	v10 =	vtrunc.f32 v10;
	v6 =	vcvt.f32.s32 v6  }
0x58: {  	v11 =	vtrunc.f32 v11;
	v7 =	vcvt.f32.s32 v7  }
0x59: {  	v8 =	vcvt.f32.s32 v8;
	v9 =	vcvt.f32.s32 v9;
	v6 =	vand.u32 $0xFFFFFFF0, v6  }
0x5a: {  	v12 =	vtrunc.f32 v12;
	v7 =	vand.u32 $0xFFFFFFF0, v7;
	v6 =	vor.u32 v1, v6  }
0x5b: {  	v10 =	vcvt.f32.s32 v10;
	v8 =	vand.u32 $0xFFFFFFF0, v8;
	v7 =	vor.u32 v1, v7  }
0x5c: {  	[tilespmem:v4+s19+$0x0] =	vst.idx.add.f32.msk $0xffff, v2;
	v4 =	vcvt.f32.s32 v11;
	v9 =	vand.u32 $0xFFFFFFF0, v9;
	v8 =	vor.u32 v1, v8  }
0x5d: {  	[tilespmem:v3+s19+$0x0] =	vst.idx.add.f32.msk $0xffff, v2;
	v3 =	vcvt.f32.s32 v12;
	v10 =	vand.u32 $0xFFFFFFF0, v10;
	v9 =	vor.u32 v1, v9  }
0x5e: {  	[tilespmem:v5+s19+$0x0] =	vst.idx.add.f32.msk $0xffff, v2;
	v4 =	vand.u32 $0xFFFFFFF0, v4;
	v5 =	vor.u32 v1, v10  }
0x5f: {  	v3 =	vand.u32 $0xFFFFFFF0, v3;
	v4 =	vor.u32 v1, v4;
	[tilespmem:v6+s19+$0x0] =	vst.idx.add.f32.msk $0xffff, v2  }
0x60: {  	v3 =	vor.u32 v1, v3;
	[tilespmem:v7+s19+$0x0] =	vst.idx.add.f32.msk $0xffff, v2  }
0x61: {  	[tilespmem:v8+s19+$0x0] =	vst.idx.add.f32.msk $0xffff, v2  }
0x62: {  	[tilespmem:v9+s19+$0x0] =	vst.idx.add.f32.msk $0xffff, v2  }
0x63: {  	[tilespmem:v5+s19+$0x0] =	vst.idx.add.f32.msk $0xffff, v2  }
0x64: {  	[tilespmem:v4+s19+$0x0] =	vst.idx.add.f32.msk $0xffff, v2  }
0x65: {  	s24 =	simm.s32 $0x0;
	[tilespmem:v3+s19+$0x0] =	vst.idx.add.f32.msk $0xffff, v2  }
0x66: {  	[tilespmem:s24], [sflag:$0x1] =	stream.linear.gather [hbm4b:s5+s24], $0x8000, $0x38;
	[tilespmem:$0x10200] =	vst v63  }
0x67: {  	_ =	swait.ge [sflag:s20], $0x8000  }
0x68: {  	s25 =	sand.u32 $0x7C00, s24;
	s24 =	sand.u32 $0x380, s24;
	[sflag:s20] =	ssyncset.done $0x0  }
0x69: {  	s24 =	sor.u32 s24, s25;
	[sflag:s20] =	ssyncadd.s32 $0xFFFF8000  }
0x6a: {  	v3 =	vld [tilespmem:s24+$0x8070]  }
0x6b: {  	v4 =	vld [tilespmem:s24+$0x8000]  }
0x6c: {  	v5 =	vld [tilespmem:s24+$0x8010]  }
0x6d: {  	v6 =	vld [tilespmem:s24+$0x8020]  }
0x6e: {  	v7 =	vld [tilespmem:s24+$0x8030]  }
0x6f: {  	v8 =	vld [tilespmem:s24+$0x8040]  }
0x70: {  	v9 =	vld [tilespmem:s24+$0x8050]  }
0x71: {  	v10 =	vld [tilespmem:s24+$0x8060];
	v3 =	vmul.f32 $3.200000000e+02, v3  }
0x72: {  	v4 =	vmul.f32 $3.200000000e+02, v4;
	v5 =	vmul.f32 $3.200000000e+02, v5  }
0x73: {  	v6 =	vmul.f32 $3.200000000e+02, v6;
	v7 =	vmul.f32 $3.200000000e+02, v7  }
0x74: {  	s30 =	simm.s32 $0x400;
	s31 =	simm.s32 $0x4;
	v8 =	vmul.f32 $3.200000000e+02, v8;
	v3 =	vtrunc.f32 v3  }
0x75: {  	s25 =	sand.u32 $0x380, s31;
	s24 =	sand.u32 $0x7C00, s30;
	v9 =	vmul.f32 $3.200000000e+02, v9;
	v3 =	vcvt.f32.s32 v3  }
0x76: {  	s24 =	sor.u32 s25, s24;
	v10 =	vmul.f32 $3.200000000e+02, v10;
	v4 =	vtrunc.f32 v4  }
0x77: {  	v11 =	vld [tilespmem:s24+$0x8070];
	v5 =	vtrunc.f32 v5;
	v6 =	vtrunc.f32 v6;
	v3 =	vand.u32 $0xFFFFFFF0, v3  }
0x78: {  	v7 =	vtrunc.f32 v7;
	v8 =	vtrunc.f32 v8;
	v3 =	vor.u32 v1, v3  }
0x79: {  	v12 =	vld [tilespmem:s24+$0x8010];
	v9 =	vtrunc.f32 v9;
	v6 =	vcvt.f32.s32 v6  }
0x7a: {  	v13 =	vld [tilespmem:s24+$0x8020];
	v4 =	vcvt.f32.s32 v4;
	v5 =	vcvt.f32.s32 v5  }
0x7b: {  	v14 =	vld [tilespmem:s24+$0x8030];
	v7 =	vcvt.f32.s32 v7;
	v8 =	vcvt.f32.s32 v8;
	v6 =	vand.u32 $0xFFFFFFF0, v6  }
0x7c: {  	v4 =	vand.u32 $0xFFFFFFF0, v4;
	v15 =	vor.u32 v1, v6;
	v6 =	vmul.f32 $3.200000000e+02, v11;
	v11 =	vld [tilespmem:s24+$0x8050]  }
0x7d: {  	v9 =	vcvt.f32.s32 v9;
	v5 =	vand.u32 $0xFFFFFFF0, v5;
	v4 =	vor.u32 v1, v4;
	[tilespmem:v3+s19+$0x0] =	vst.idx.add.f32.msk $0xffff, v2  }
0x7e: {  	v8 =	vand.u32 $0xFFFFFFF0, v8;
	v5 =	vor.u32 v1, v5;
	v3 =	vtrunc.f32 v10;
	v10 =	vld [tilespmem:s24+$0x8000]  }
0x7f: {  	v7 =	vand.u32 $0xFFFFFFF0, v7;
	v18 =	vor.u32 v1, v8;
	v8 =	vmul.f32 $3.200000000e+02, v12;
	v12 =	vld [tilespmem:s24+$0x8060]  }
0x80: {  	v16 =	vld [tilespmem:s24+$0x8040];
	v17 =	vor.u32 v1, v7;
	v6 =	vtrunc.f32 v6;
	v3 =	vcvt.f32.s32 v3  }
0x81: {  	v13 =	vmul.f32 $3.200000000e+02, v13;
	v9 =	vand.u32 $0xFFFFFFF0, v9;
	v19 =	vcvt.f32.s32 v6  }
0x82: {  	[tilespmem:v4+s19+$0x0] =	vst.idx.add.f32.msk $0xffff, v2;
	v4 =	vor.u32 v1, v9;
	v9 =	vmul.f32 $3.200000000e+02, v14;
	v3 =	vand.u32 $0xFFFFFFF0, v3  }
0x83: {  	[tilespmem:v5+s19+$0x0] =	vst.idx.add.f32.msk $0xffff, v2;
	v11 =	vmul.f32 $3.200000000e+02, v11;
	v3 =	vor.u32 v1, v3;
	v7 =	vmul.f32 $3.200000000e+02, v10  }
0x84: {  	[tilespmem:v15+s19+$0x0] =	vst.idx.add.f32.msk $0xffff, v2;
	v5 =	vand.u32 $0xFFFFFFF0, v19;
	v12 =	vmul.f32 $3.200000000e+02, v12;
	v9 =	vtrunc.f32 v9  }
0x85: {  	[tilespmem:v17+s19+$0x0] =	vst.idx.add.f32.msk $0xffff, v2;
	v5 =	vor.u32 v1, v5;
	v10 =	vmul.f32 $3.200000000e+02, v16;
	v6 =	vtrunc.f32 v7  }
0x86: {  	s26 =	simm.s32 $0x8;
	s25 =	simm.s32 $0x800;
	s24 =	simm.s32 $0x8;
	[tilespmem:v18+s19+$0x0] =	vst.idx.add.f32.msk $0xffff, v2;
	v7 =	vtrunc.f32 v8;
	v8 =	vtrunc.f32 v13  }
.LBB2_4:
0x87: {  	s28 =	sand.u32 $0x7C00, s25;
	s29 =	sand.u32 $0x380, s26;
	v10 =	vtrunc.f32 v10;
	v11 =	vtrunc.f32 v11;
	[tilespmem:v4+s19+$0x0] =	vst.idx.add.f32.msk $0xffff, v2  }
0x88: {  	s24 =	sadd.s32 $0x8, s24;
	v4 =	vcvt.f32.s32 v6;
	s28 =	sor.u32 s29, s28;
	v6 =	vtrunc.f32 v12;
	[tilespmem:v3+s19+$0x0] =	vst.idx.add.f32.msk $0xffff, v2  }
0x89: {  	v7 =	vcvt.f32.s32 v7;
	v8 =	vcvt.f32.s32 v8;
	p0 =	slt.u32 s24, $0x7F8;
	v3 =	vld [tilespmem:s28+$0x8070]  }
0x8a: {  	v9 =	vcvt.f32.s32 v9;
	v10 =	vcvt.f32.s32 v10;
	v4 =	vand.u32 $0xFFFFFFF0, v4;
	[tilespmem:v5+s19+$0x0] =	vst.idx.add.f32.msk $0xffff, v2  }
0x8b: {  	v11 =	vcvt.f32.s32 v11;
	v7 =	vand.u32 $0xFFFFFFF0, v7;
	v6 =	vcvt.f32.s32 v6;
	v5 =	vld [tilespmem:s28+$0x8000]  }
0x8c: {  	v8 =	vand.u32 $0xFFFFFFF0, v8;
	v9 =	vand.u32 $0xFFFFFFF0, v9;
	v10 =	vand.u32 $0xFFFFFFF0, v10;
	v12 =	vld [tilespmem:s28+$0x8010]  }
0x8d: {  	v14 =	vor.u32 v1, v4;
	v4 =	vand.u32 $0xFFFFFFF0, v11;
	v6 =	vand.u32 $0xFFFFFFF0, v6;
	v13 =	vld [tilespmem:s28+$0x8020]  }
0x8e: {  	v7 =	vor.u32 v1, v7;
	v8 =	vor.u32 v1, v8;
	v9 =	vor.u32 v1, v9;
	v11 =	vld [tilespmem:s28+$0x8030]  }
0x8f: {  	v17 =	vor.u32 v1, v10;
	v4 =	vor.u32 v1, v4;
	v16 =	vmul.f32 $3.200000000e+02, v3;
	v15 =	vld [tilespmem:s28+$0x8040]  }
0x90: {  	v3 =	vor.u32 v1, v6;
	v5 =	vmul.f32 $3.200000000e+02, v5;
	v18 =	vld [tilespmem:s28+$0x8050]  }
0x91: {  	v6 =	vtrunc.f32 v16;
	v10 =	vmul.f32 $3.200000000e+02, v12;
	v12 =	vld [tilespmem:s28+$0x8060]  }
.Ltmp1:
0x92: {  	v16 =	vcvt.f32.s32 v6;
	v13 =	vmul.f32 $3.200000000e+02, v13;
	[tilespmem:v14+s19+$0x0] =	vst.idx.add.f32.msk $0xffff, v2;
	(pc) =	sbr.rel @p0 .LBB2_4-.Ltmp1, $4  }
0x93: {  	v6 =	vtrunc.f32 v5;
	v14 =	vmul.f32 $3.200000000e+02, v11;
	[tilespmem:v7+s19+$0x0] =	vst.idx.add.f32.msk $0xffff, v2  }
0x94: {  	v7 =	vtrunc.f32 v10;
	v5 =	vand.u32 $0xFFFFFFF0, v16;
	v10 =	vmul.f32 $3.200000000e+02, v15;
	[tilespmem:v8+s19+$0x0] =	vst.idx.add.f32.msk $0xffff, v2  }
0x95: {  	v8 =	vtrunc.f32 v13;
	v5 =	vor.u32 v1, v5;
	v11 =	vmul.f32 $3.200000000e+02, v18;
	[tilespmem:v9+s19+$0x0] =	vst.idx.add.f32.msk $0xffff, v2  }
0x96: {  	s25 =	sadd.s32 $0x400, s25;
	s26 =	sadd.s32 $0x4, s26;
	v9 =	vtrunc.f32 v14;
	v12 =	vmul.f32 $3.200000000e+02, v12;
	[tilespmem:v17+s19+$0x0] =	vst.idx.add.f32.msk $0xffff, v2  }
0x97: {  	v10 =	vtrunc.f32 v10;
	v6 =	vcvt.f32.s32 v6  }
0x98: {  	v11 =	vtrunc.f32 v11;
	v7 =	vcvt.f32.s32 v7  }
0x99: {  	v8 =	vcvt.f32.s32 v8;
	v9 =	vcvt.f32.s32 v9;
	v6 =	vand.u32 $0xFFFFFFF0, v6  }
0x9a: {  	v12 =	vtrunc.f32 v12;
	v7 =	vand.u32 $0xFFFFFFF0, v7;
	v6 =	vor.u32 v1, v6  }
0x9b: {  	v10 =	vcvt.f32.s32 v10;
	v8 =	vand.u32 $0xFFFFFFF0, v8;
	v7 =	vor.u32 v1, v7  }
0x9c: {  	[tilespmem:v4+s19+$0x0] =	vst.idx.add.f32.msk $0xffff, v2;
	v4 =	vcvt.f32.s32 v11;
	v9 =	vand.u32 $0xFFFFFFF0, v9;
	v8 =	vor.u32 v1, v8  }
0x9d: {  	[tilespmem:v3+s19+$0x0] =	vst.idx.add.f32.msk $0xffff, v2;
	v3 =	vcvt.f32.s32 v12;
	v10 =	vand.u32 $0xFFFFFFF0, v10;
	v9 =	vor.u32 v1, v9  }
0x9e: {  	[tilespmem:v5+s19+$0x0] =	vst.idx.add.f32.msk $0xffff, v2;
	v4 =	vand.u32 $0xFFFFFFF0, v4;
	v5 =	vor.u32 v1, v10  }
0x9f: {  	v3 =	vand.u32 $0xFFFFFFF0, v3;
	v4 =	vor.u32 v1, v4;
	[tilespmem:v6+s19+$0x0] =	vst.idx.add.f32.msk $0xffff, v2  }
0xa0: {  	v3 =	vor.u32 v1, v3;
	[tilespmem:v7+s19+$0x0] =	vst.idx.add.f32.msk $0xffff, v2  }
0xa1: {  	[tilespmem:v8+s19+$0x0] =	vst.idx.add.f32.msk $0xffff, v2  }
0xa2: {  	[tilespmem:v9+s19+$0x0] =	vst.idx.add.f32.msk $0xffff, v2  }
0xa3: {  	[tilespmem:v5+s19+$0x0] =	vst.idx.add.f32.msk $0xffff, v2  }
0xa4: {  	[tilespmem:v4+s19+$0x0] =	vst.idx.add.f32.msk $0xffff, v2  }
0xa5: {  	s24 =	simm.s32 $0x0;
	[tilespmem:v3+s19+$0x0] =	vst.idx.add.f32.msk $0xffff, v2  }
0xa6: {  	[tilespmem:s17], [sflag:$0x2] =	stream.linear.gather [hbm4b:s6+s24], $0x8000, $0x38;
	[tilespmem:$0x10200] =	vst v63  }
0xa7: {  	_ =	swait.ge [sflag:s18], $0x8000  }
0xa8: {  	s25 =	sand.u32 $0x7C00, s24;
	s24 =	sand.u32 $0x380, s24;
	[sflag:s18] =	ssyncset.done $0x0  }
0xa9: {  	s24 =	sor.u32 s24, s25;
	[sflag:s18] =	ssyncadd.s32 $0xFFFF8000  }
0xaa: {  	v3 =	vld [tilespmem:s24+$0x70]  }
0xab: {  	v4 =	vld [tilespmem:s24+$0x0]  }
0xac: {  	v5 =	vld [tilespmem:s24+$0x10]  }
0xad: {  	v6 =	vld [tilespmem:s24+$0x20]  }
0xae: {  	v7 =	vld [tilespmem:s24+$0x30]  }
0xaf: {  	v8 =	vld [tilespmem:s24+$0x40]  }
0xb0: {  	v9 =	vld [tilespmem:s24+$0x50]  }
0xb1: {  	v10 =	vld [tilespmem:s24+$0x60];
	v3 =	vmul.f32 $3.200000000e+02, v3  }
0xb2: {  	v4 =	vmul.f32 $3.200000000e+02, v4;
	v5 =	vmul.f32 $3.200000000e+02, v5  }
0xb3: {  	v6 =	vmul.f32 $3.200000000e+02, v6;
	v7 =	vmul.f32 $3.200000000e+02, v7  }
0xb4: {  	s30 =	simm.s32 $0x400;
	s31 =	simm.s32 $0x4;
	v8 =	vmul.f32 $3.200000000e+02, v8;
	v3 =	vtrunc.f32 v3  }
0xb5: {  	s25 =	sand.u32 $0x380, s31;
	s24 =	sand.u32 $0x7C00, s30;
	v9 =	vmul.f32 $3.200000000e+02, v9;
	v3 =	vcvt.f32.s32 v3  }
0xb6: {  	s24 =	sor.u32 s25, s24;
	v10 =	vmul.f32 $3.200000000e+02, v10;
	v4 =	vtrunc.f32 v4  }
0xb7: {  	v11 =	vld [tilespmem:s24+$0x70];
	v5 =	vtrunc.f32 v5;
	v6 =	vtrunc.f32 v6;
	v3 =	vand.u32 $0xFFFFFFF0, v3  }
0xb8: {  	v7 =	vtrunc.f32 v7;
	v8 =	vtrunc.f32 v8;
	v3 =	vor.u32 v1, v3  }
0xb9: {  	v12 =	vld [tilespmem:s24+$0x10];
	v9 =	vtrunc.f32 v9;
	v6 =	vcvt.f32.s32 v6  }
0xba: {  	v13 =	vld [tilespmem:s24+$0x20];
	v4 =	vcvt.f32.s32 v4;
	v5 =	vcvt.f32.s32 v5  }
0xbb: {  	v14 =	vld [tilespmem:s24+$0x30];
	v7 =	vcvt.f32.s32 v7;
	v8 =	vcvt.f32.s32 v8;
	v6 =	vand.u32 $0xFFFFFFF0, v6  }
0xbc: {  	v4 =	vand.u32 $0xFFFFFFF0, v4;
	v15 =	vor.u32 v1, v6;
	v6 =	vmul.f32 $3.200000000e+02, v11;
	v11 =	vld [tilespmem:s24+$0x50]  }
0xbd: {  	v9 =	vcvt.f32.s32 v9;
	v5 =	vand.u32 $0xFFFFFFF0, v5;
	v4 =	vor.u32 v1, v4;
	[tilespmem:v3+s19+$0x0] =	vst.idx.add.f32.msk $0xffff, v2  }
0xbe: {  	v8 =	vand.u32 $0xFFFFFFF0, v8;
	v5 =	vor.u32 v1, v5;
	v3 =	vtrunc.f32 v10;
	v10 =	vld [tilespmem:s24+$0x0]  }
0xbf: {  	v7 =	vand.u32 $0xFFFFFFF0, v7;
	v18 =	vor.u32 v1, v8;
	v8 =	vmul.f32 $3.200000000e+02, v12;
	v12 =	vld [tilespmem:s24+$0x60]  }
0xc0: {  	v16 =	vld [tilespmem:s24+$0x40];
	v17 =	vor.u32 v1, v7;
	v6 =	vtrunc.f32 v6;
	v3 =	vcvt.f32.s32 v3  }
0xc1: {  	v13 =	vmul.f32 $3.200000000e+02, v13;
	v9 =	vand.u32 $0xFFFFFFF0, v9;
	v19 =	vcvt.f32.s32 v6  }
0xc2: {  	[tilespmem:v4+s19+$0x0] =	vst.idx.add.f32.msk $0xffff, v2;
	v4 =	vor.u32 v1, v9;
	v9 =	vmul.f32 $3.200000000e+02, v14;
	v3 =	vand.u32 $0xFFFFFFF0, v3  }
0xc3: {  	[tilespmem:v5+s19+$0x0] =	vst.idx.add.f32.msk $0xffff, v2;
	v11 =	vmul.f32 $3.200000000e+02, v11;
	v3 =	vor.u32 v1, v3;
	v7 =	vmul.f32 $3.200000000e+02, v10  }
0xc4: {  	[tilespmem:v15+s19+$0x0] =	vst.idx.add.f32.msk $0xffff, v2;
	v5 =	vand.u32 $0xFFFFFFF0, v19;
	v12 =	vmul.f32 $3.200000000e+02, v12;
	v9 =	vtrunc.f32 v9  }
0xc5: {  	[tilespmem:v17+s19+$0x0] =	vst.idx.add.f32.msk $0xffff, v2;
	v5 =	vor.u32 v1, v5;
	v10 =	vmul.f32 $3.200000000e+02, v16;
	v6 =	vtrunc.f32 v7  }
0xc6: {  	s26 =	simm.s32 $0x8;
	s25 =	simm.s32 $0x800;
	s24 =	simm.s32 $0x8;
	[tilespmem:v18+s19+$0x0] =	vst.idx.add.f32.msk $0xffff, v2;
	v7 =	vtrunc.f32 v8;
	v8 =	vtrunc.f32 v13  }
.LBB2_6:
0xc7: {  	s28 =	sand.u32 $0x7C00, s25;
	s29 =	sand.u32 $0x380, s26;
	v10 =	vtrunc.f32 v10;
	v11 =	vtrunc.f32 v11;
	[tilespmem:v4+s19+$0x0] =	vst.idx.add.f32.msk $0xffff, v2  }
0xc8: {  	s24 =	sadd.s32 $0x8, s24;
	v4 =	vcvt.f32.s32 v6;
	s28 =	sor.u32 s29, s28;
	v6 =	vtrunc.f32 v12;
	[tilespmem:v3+s19+$0x0] =	vst.idx.add.f32.msk $0xffff, v2  }
0xc9: {  	v7 =	vcvt.f32.s32 v7;
	v8 =	vcvt.f32.s32 v8;
	p0 =	slt.u32 s24, $0x7F8;
	v3 =	vld [tilespmem:s28+$0x70]  }
0xca: {  	v9 =	vcvt.f32.s32 v9;
	v10 =	vcvt.f32.s32 v10;
	v4 =	vand.u32 $0xFFFFFFF0, v4;
	[tilespmem:v5+s19+$0x0] =	vst.idx.add.f32.msk $0xffff, v2  }
0xcb: {  	v11 =	vcvt.f32.s32 v11;
	v7 =	vand.u32 $0xFFFFFFF0, v7;
	v6 =	vcvt.f32.s32 v6;
	v5 =	vld [tilespmem:s28+$0x0]  }
0xcc: {  	v8 =	vand.u32 $0xFFFFFFF0, v8;
	v9 =	vand.u32 $0xFFFFFFF0, v9;
	v10 =	vand.u32 $0xFFFFFFF0, v10;
	v12 =	vld [tilespmem:s28+$0x10]  }
0xcd: {  	v14 =	vor.u32 v1, v4;
	v4 =	vand.u32 $0xFFFFFFF0, v11;
	v6 =	vand.u32 $0xFFFFFFF0, v6;
	v13 =	vld [tilespmem:s28+$0x20]  }
0xce: {  	v7 =	vor.u32 v1, v7;
	v8 =	vor.u32 v1, v8;
	v9 =	vor.u32 v1, v9;
	v11 =	vld [tilespmem:s28+$0x30]  }
0xcf: {  	v17 =	vor.u32 v1, v10;
	v4 =	vor.u32 v1, v4;
	v16 =	vmul.f32 $3.200000000e+02, v3;
	v15 =	vld [tilespmem:s28+$0x40]  }
0xd0: {  	v3 =	vor.u32 v1, v6;
	v5 =	vmul.f32 $3.200000000e+02, v5;
	v18 =	vld [tilespmem:s28+$0x50]  }
0xd1: {  	v6 =	vtrunc.f32 v16;
	v10 =	vmul.f32 $3.200000000e+02, v12;
	v12 =	vld [tilespmem:s28+$0x60]  }
.Ltmp2:
0xd2: {  	v16 =	vcvt.f32.s32 v6;
	v13 =	vmul.f32 $3.200000000e+02, v13;
	[tilespmem:v14+s19+$0x0] =	vst.idx.add.f32.msk $0xffff, v2;
	(pc) =	sbr.rel @p0 .LBB2_6-.Ltmp2, $4  }
0xd3: {  	v6 =	vtrunc.f32 v5;
	v14 =	vmul.f32 $3.200000000e+02, v11;
	[tilespmem:v7+s19+$0x0] =	vst.idx.add.f32.msk $0xffff, v2  }
0xd4: {  	v7 =	vtrunc.f32 v10;
	v5 =	vand.u32 $0xFFFFFFF0, v16;
	v10 =	vmul.f32 $3.200000000e+02, v15;
	[tilespmem:v8+s19+$0x0] =	vst.idx.add.f32.msk $0xffff, v2  }
0xd5: {  	v8 =	vtrunc.f32 v13;
	v5 =	vor.u32 v1, v5;
	v11 =	vmul.f32 $3.200000000e+02, v18;
	[tilespmem:v9+s19+$0x0] =	vst.idx.add.f32.msk $0xffff, v2  }
0xd6: {  	s25 =	sadd.s32 $0x400, s25;
	s26 =	sadd.s32 $0x4, s26;
	v9 =	vtrunc.f32 v14;
	v12 =	vmul.f32 $3.200000000e+02, v12;
	[tilespmem:v17+s19+$0x0] =	vst.idx.add.f32.msk $0xffff, v2  }
0xd7: {  	v10 =	vtrunc.f32 v10;
	v6 =	vcvt.f32.s32 v6  }
0xd8: {  	v11 =	vtrunc.f32 v11;
	v7 =	vcvt.f32.s32 v7  }
0xd9: {  	v8 =	vcvt.f32.s32 v8;
	v9 =	vcvt.f32.s32 v9;
	v6 =	vand.u32 $0xFFFFFFF0, v6  }
0xda: {  	v12 =	vtrunc.f32 v12;
	v7 =	vand.u32 $0xFFFFFFF0, v7;
	v6 =	vor.u32 v1, v6  }
0xdb: {  	v10 =	vcvt.f32.s32 v10;
	v8 =	vand.u32 $0xFFFFFFF0, v8;
	v7 =	vor.u32 v1, v7  }
0xdc: {  	[tilespmem:v4+s19+$0x0] =	vst.idx.add.f32.msk $0xffff, v2;
	v4 =	vcvt.f32.s32 v11;
	v9 =	vand.u32 $0xFFFFFFF0, v9;
	v8 =	vor.u32 v1, v8  }
0xdd: {  	[tilespmem:v3+s19+$0x0] =	vst.idx.add.f32.msk $0xffff, v2;
	v3 =	vcvt.f32.s32 v12;
	v10 =	vand.u32 $0xFFFFFFF0, v10;
	v9 =	vor.u32 v1, v9  }
0xde: {  	[tilespmem:v5+s19+$0x0] =	vst.idx.add.f32.msk $0xffff, v2;
	v4 =	vand.u32 $0xFFFFFFF0, v4;
	v5 =	vor.u32 v1, v10  }
0xdf: {  	v3 =	vand.u32 $0xFFFFFFF0, v3;
	v4 =	vor.u32 v1, v4;
	[tilespmem:v6+s19+$0x0] =	vst.idx.add.f32.msk $0xffff, v2  }
0xe0: {  	v3 =	vor.u32 v1, v3;
	[tilespmem:v7+s19+$0x0] =	vst.idx.add.f32.msk $0xffff, v2  }
0xe1: {  	[tilespmem:v8+s19+$0x0] =	vst.idx.add.f32.msk $0xffff, v2  }
0xe2: {  	[tilespmem:v9+s19+$0x0] =	vst.idx.add.f32.msk $0xffff, v2  }
0xe3: {  	[tilespmem:v5+s19+$0x0] =	vst.idx.add.f32.msk $0xffff, v2  }
0xe4: {  	[tilespmem:v4+s19+$0x0] =	vst.idx.add.f32.msk $0xffff, v2  }
0xe5: {  	s24 =	simm.s32 $0x0;
	[tilespmem:v3+s19+$0x0] =	vst.idx.add.f32.msk $0xffff, v2  }
0xe6: {  	[tilespmem:s24], [sflag:$0x1] =	stream.linear.gather [hbm4b:s7+s24], $0x8000, $0x38;
	[tilespmem:$0x10200] =	vst v63  }
0xe7: {  	_ =	swait.ge [sflag:s20], $0x8000  }
0xe8: {  	s25 =	sand.u32 $0x7C00, s24;
	s24 =	sand.u32 $0x380, s24;
	[sflag:s20] =	ssyncset.done $0x0  }
0xe9: {  	s24 =	sor.u32 s24, s25;
	[sflag:s20] =	ssyncadd.s32 $0xFFFF8000  }
0xea: {  	v3 =	vld [tilespmem:s24+$0x8070]  }
0xeb: {  	v4 =	vld [tilespmem:s24+$0x8000]  }
0xec: {  	v5 =	vld [tilespmem:s24+$0x8010]  }
0xed: {  	v6 =	vld [tilespmem:s24+$0x8020]  }
0xee: {  	v7 =	vld [tilespmem:s24+$0x8030]  }
0xef: {  	v8 =	vld [tilespmem:s24+$0x8040]  }
0xf0: {  	v9 =	vld [tilespmem:s24+$0x8050]  }
0xf1: {  	v10 =	vld [tilespmem:s24+$0x8060];
	v3 =	vmul.f32 $3.200000000e+02, v3  }
0xf2: {  	v4 =	vmul.f32 $3.200000000e+02, v4;
	v5 =	vmul.f32 $3.200000000e+02, v5  }
0xf3: {  	v6 =	vmul.f32 $3.200000000e+02, v6;
	v7 =	vmul.f32 $3.200000000e+02, v7  }
0xf4: {  	s30 =	simm.s32 $0x400;
	s31 =	simm.s32 $0x4;
	v8 =	vmul.f32 $3.200000000e+02, v8;
	v3 =	vtrunc.f32 v3  }
0xf5: {  	s25 =	sand.u32 $0x380, s31;
	s24 =	sand.u32 $0x7C00, s30;
	v9 =	vmul.f32 $3.200000000e+02, v9;
	v3 =	vcvt.f32.s32 v3  }
0xf6: {  	s24 =	sor.u32 s25, s24;
	v10 =	vmul.f32 $3.200000000e+02, v10;
	v4 =	vtrunc.f32 v4  }
0xf7: {  	v11 =	vld [tilespmem:s24+$0x8070];
	v5 =	vtrunc.f32 v5;
	v6 =	vtrunc.f32 v6;
	v3 =	vand.u32 $0xFFFFFFF0, v3  }
0xf8: {  	v7 =	vtrunc.f32 v7;
	v8 =	vtrunc.f32 v8;
	v3 =	vor.u32 v1, v3  }
0xf9: {  	v12 =	vld [tilespmem:s24+$0x8010];
	v9 =	vtrunc.f32 v9;
	v6 =	vcvt.f32.s32 v6  }
0xfa: {  	v13 =	vld [tilespmem:s24+$0x8020];
	v4 =	vcvt.f32.s32 v4;
	v5 =	vcvt.f32.s32 v5  }
0xfb: {  	v14 =	vld [tilespmem:s24+$0x8030];
	v7 =	vcvt.f32.s32 v7;
	v8 =	vcvt.f32.s32 v8;
	v6 =	vand.u32 $0xFFFFFFF0, v6  }
0xfc: {  	v4 =	vand.u32 $0xFFFFFFF0, v4;
	v15 =	vor.u32 v1, v6;
	v6 =	vmul.f32 $3.200000000e+02, v11;
	v11 =	vld [tilespmem:s24+$0x8050]  }
0xfd: {  	v9 =	vcvt.f32.s32 v9;
	v5 =	vand.u32 $0xFFFFFFF0, v5;
	v4 =	vor.u32 v1, v4;
	[tilespmem:v3+s19+$0x0] =	vst.idx.add.f32.msk $0xffff, v2  }
0xfe: {  	v8 =	vand.u32 $0xFFFFFFF0, v8;
	v5 =	vor.u32 v1, v5;
	v3 =	vtrunc.f32 v10;
	v10 =	vld [tilespmem:s24+$0x8000]  }
0xff: {  	v7 =	vand.u32 $0xFFFFFFF0, v7;
	v18 =	vor.u32 v1, v8;
	v8 =	vmul.f32 $3.200000000e+02, v12;
	v12 =	vld [tilespmem:s24+$0x8060]  }
0x100: {  	v16 =	vld [tilespmem:s24+$0x8040];
	v17 =	vor.u32 v1, v7;
	v6 =	vtrunc.f32 v6;
	v3 =	vcvt.f32.s32 v3  }
0x101: {  	v13 =	vmul.f32 $3.200000000e+02, v13;
	v9 =	vand.u32 $0xFFFFFFF0, v9;
	v19 =	vcvt.f32.s32 v6  }
0x102: {  	[tilespmem:v4+s19+$0x0] =	vst.idx.add.f32.msk $0xffff, v2;
	v4 =	vor.u32 v1, v9;
	v9 =	vmul.f32 $3.200000000e+02, v14;
	v3 =	vand.u32 $0xFFFFFFF0, v3  }
0x103: {  	[tilespmem:v5+s19+$0x0] =	vst.idx.add.f32.msk $0xffff, v2;
	v11 =	vmul.f32 $3.200000000e+02, v11;
	v3 =	vor.u32 v1, v3;
	v7 =	vmul.f32 $3.200000000e+02, v10  }
0x104: {  	[tilespmem:v15+s19+$0x0] =	vst.idx.add.f32.msk $0xffff, v2;
	v5 =	vand.u32 $0xFFFFFFF0, v19;
	v12 =	vmul.f32 $3.200000000e+02, v12;
	v9 =	vtrunc.f32 v9  }
0x105: {  	[tilespmem:v17+s19+$0x0] =	vst.idx.add.f32.msk $0xffff, v2;
	v5 =	vor.u32 v1, v5;
	v10 =	vmul.f32 $3.200000000e+02, v16;
	v6 =	vtrunc.f32 v7  }
0x106: {  	s26 =	simm.s32 $0x8;
	s25 =	simm.s32 $0x800;
	s24 =	simm.s32 $0x8;
	[tilespmem:v18+s19+$0x0] =	vst.idx.add.f32.msk $0xffff, v2;
	v7 =	vtrunc.f32 v8;
	v8 =	vtrunc.f32 v13  }
.LBB2_8:
0x107: {  	s28 =	sand.u32 $0x7C00, s25;
	s29 =	sand.u32 $0x380, s26;
	v10 =	vtrunc.f32 v10;
	v11 =	vtrunc.f32 v11;
	[tilespmem:v4+s19+$0x0] =	vst.idx.add.f32.msk $0xffff, v2  }
0x108: {  	s24 =	sadd.s32 $0x8, s24;
	v4 =	vcvt.f32.s32 v6;
	s28 =	sor.u32 s29, s28;
	v6 =	vtrunc.f32 v12;
	[tilespmem:v3+s19+$0x0] =	vst.idx.add.f32.msk $0xffff, v2  }
0x109: {  	v7 =	vcvt.f32.s32 v7;
	v8 =	vcvt.f32.s32 v8;
	p0 =	slt.u32 s24, $0x7F8;
	v3 =	vld [tilespmem:s28+$0x8070]  }
0x10a: {  	v9 =	vcvt.f32.s32 v9;
	v10 =	vcvt.f32.s32 v10;
	v4 =	vand.u32 $0xFFFFFFF0, v4;
	[tilespmem:v5+s19+$0x0] =	vst.idx.add.f32.msk $0xffff, v2  }
0x10b: {  	v11 =	vcvt.f32.s32 v11;
	v7 =	vand.u32 $0xFFFFFFF0, v7;
	v6 =	vcvt.f32.s32 v6;
	v5 =	vld [tilespmem:s28+$0x8000]  }
0x10c: {  	v8 =	vand.u32 $0xFFFFFFF0, v8;
	v9 =	vand.u32 $0xFFFFFFF0, v9;
	v10 =	vand.u32 $0xFFFFFFF0, v10;
	v12 =	vld [tilespmem:s28+$0x8010]  }
0x10d: {  	v14 =	vor.u32 v1, v4;
	v4 =	vand.u32 $0xFFFFFFF0, v11;
	v6 =	vand.u32 $0xFFFFFFF0, v6;
	v13 =	vld [tilespmem:s28+$0x8020]  }
0x10e: {  	v7 =	vor.u32 v1, v7;
	v8 =	vor.u32 v1, v8;
	v9 =	vor.u32 v1, v9;
	v11 =	vld [tilespmem:s28+$0x8030]  }
0x10f: {  	v17 =	vor.u32 v1, v10;
	v4 =	vor.u32 v1, v4;
	v16 =	vmul.f32 $3.200000000e+02, v3;
	v15 =	vld [tilespmem:s28+$0x8040]  }
0x110: {  	v3 =	vor.u32 v1, v6;
	v5 =	vmul.f32 $3.200000000e+02, v5;
	v18 =	vld [tilespmem:s28+$0x8050]  }
0x111: {  	v6 =	vtrunc.f32 v16;
	v10 =	vmul.f32 $3.200000000e+02, v12;
	v12 =	vld [tilespmem:s28+$0x8060]  }
.Ltmp3:
0x112: {  	v16 =	vcvt.f32.s32 v6;
	v13 =	vmul.f32 $3.200000000e+02, v13;
	[tilespmem:v14+s19+$0x0] =	vst.idx.add.f32.msk $0xffff, v2;
	(pc) =	sbr.rel @p0 .LBB2_8-.Ltmp3, $4  }
0x113: {  	v6 =	vtrunc.f32 v5;
	v14 =	vmul.f32 $3.200000000e+02, v11;
	[tilespmem:v7+s19+$0x0] =	vst.idx.add.f32.msk $0xffff, v2  }
0x114: {  	v7 =	vtrunc.f32 v10;
	v5 =	vand.u32 $0xFFFFFFF0, v16;
	v10 =	vmul.f32 $3.200000000e+02, v15;
	[tilespmem:v8+s19+$0x0] =	vst.idx.add.f32.msk $0xffff, v2  }
0x115: {  	v8 =	vtrunc.f32 v13;
	v5 =	vor.u32 v1, v5;
	v11 =	vmul.f32 $3.200000000e+02, v18;
	[tilespmem:v9+s19+$0x0] =	vst.idx.add.f32.msk $0xffff, v2  }
0x116: {  	s25 =	sadd.s32 $0x400, s25;
	s26 =	sadd.s32 $0x4, s26;
	v9 =	vtrunc.f32 v14;
	v12 =	vmul.f32 $3.200000000e+02, v12;
	[tilespmem:v17+s19+$0x0] =	vst.idx.add.f32.msk $0xffff, v2  }
0x117: {  	v10 =	vtrunc.f32 v10;
	v6 =	vcvt.f32.s32 v6  }
0x118: {  	v11 =	vtrunc.f32 v11;
	v7 =	vcvt.f32.s32 v7  }
0x119: {  	v8 =	vcvt.f32.s32 v8;
	v9 =	vcvt.f32.s32 v9;
	v6 =	vand.u32 $0xFFFFFFF0, v6  }
0x11a: {  	v12 =	vtrunc.f32 v12;
	v7 =	vand.u32 $0xFFFFFFF0, v7;
	v6 =	vor.u32 v1, v6  }
0x11b: {  	v10 =	vcvt.f32.s32 v10;
	v8 =	vand.u32 $0xFFFFFFF0, v8;
	v7 =	vor.u32 v1, v7  }
0x11c: {  	[tilespmem:v4+s19+$0x0] =	vst.idx.add.f32.msk $0xffff, v2;
	v4 =	vcvt.f32.s32 v11;
	v9 =	vand.u32 $0xFFFFFFF0, v9;
	v8 =	vor.u32 v1, v8  }
0x11d: {  	[tilespmem:v3+s19+$0x0] =	vst.idx.add.f32.msk $0xffff, v2;
	v3 =	vcvt.f32.s32 v12;
	v10 =	vand.u32 $0xFFFFFFF0, v10;
	v9 =	vor.u32 v1, v9  }
0x11e: {  	[tilespmem:v5+s19+$0x0] =	vst.idx.add.f32.msk $0xffff, v2;
	v4 =	vand.u32 $0xFFFFFFF0, v4;
	v5 =	vor.u32 v1, v10  }
0x11f: {  	v3 =	vand.u32 $0xFFFFFFF0, v3;
	v4 =	vor.u32 v1, v4;
	[tilespmem:v6+s19+$0x0] =	vst.idx.add.f32.msk $0xffff, v2  }
0x120: {  	v3 =	vor.u32 v1, v3;
	[tilespmem:v7+s19+$0x0] =	vst.idx.add.f32.msk $0xffff, v2  }
0x121: {  	[tilespmem:v8+s19+$0x0] =	vst.idx.add.f32.msk $0xffff, v2  }
0x122: {  	[tilespmem:v9+s19+$0x0] =	vst.idx.add.f32.msk $0xffff, v2  }
0x123: {  	[tilespmem:v5+s19+$0x0] =	vst.idx.add.f32.msk $0xffff, v2  }
0x124: {  	[tilespmem:v4+s19+$0x0] =	vst.idx.add.f32.msk $0xffff, v2  }
0x125: {  	s24 =	simm.s32 $0x0;
	[tilespmem:v3+s19+$0x0] =	vst.idx.add.f32.msk $0xffff, v2  }
0x126: {  	[tilespmem:s17], [sflag:$0x2] =	stream.linear.gather [hbm4b:s8+s24], $0x8000, $0x38;
	[tilespmem:$0x10200] =	vst v63  }
0x127: {  	_ =	swait.ge [sflag:s18], $0x8000  }
0x128: {  	s25 =	sand.u32 $0x7C00, s24;
	s24 =	sand.u32 $0x380, s24;
	[sflag:s18] =	ssyncset.done $0x0  }
0x129: {  	s24 =	sor.u32 s24, s25;
	[sflag:s18] =	ssyncadd.s32 $0xFFFF8000  }
0x12a: {  	v3 =	vld [tilespmem:s24+$0x70]  }
0x12b: {  	v4 =	vld [tilespmem:s24+$0x0]  }
0x12c: {  	v5 =	vld [tilespmem:s24+$0x10]  }
0x12d: {  	v6 =	vld [tilespmem:s24+$0x20]  }
0x12e: {  	v7 =	vld [tilespmem:s24+$0x30]  }
0x12f: {  	v8 =	vld [tilespmem:s24+$0x40]  }
0x130: {  	v9 =	vld [tilespmem:s24+$0x50]  }
0x131: {  	v10 =	vld [tilespmem:s24+$0x60];
	v3 =	vmul.f32 $3.200000000e+02, v3  }
0x132: {  	v4 =	vmul.f32 $3.200000000e+02, v4;
	v5 =	vmul.f32 $3.200000000e+02, v5  }
0x133: {  	v6 =	vmul.f32 $3.200000000e+02, v6;
	v7 =	vmul.f32 $3.200000000e+02, v7  }
0x134: {  	s30 =	simm.s32 $0x400;
	s31 =	simm.s32 $0x4;
	v8 =	vmul.f32 $3.200000000e+02, v8;
	v3 =	vtrunc.f32 v3  }
0x135: {  	s25 =	sand.u32 $0x380, s31;
	s24 =	sand.u32 $0x7C00, s30;
	v9 =	vmul.f32 $3.200000000e+02, v9;
	v3 =	vcvt.f32.s32 v3  }
0x136: {  	s24 =	sor.u32 s25, s24;
	v10 =	vmul.f32 $3.200000000e+02, v10;
	v4 =	vtrunc.f32 v4  }
0x137: {  	v11 =	vld [tilespmem:s24+$0x70];
	v5 =	vtrunc.f32 v5;
	v6 =	vtrunc.f32 v6;
	v3 =	vand.u32 $0xFFFFFFF0, v3  }
0x138: {  	v7 =	vtrunc.f32 v7;
	v8 =	vtrunc.f32 v8;
	v3 =	vor.u32 v1, v3  }
0x139: {  	v12 =	vld [tilespmem:s24+$0x10];
	v9 =	vtrunc.f32 v9;
	v6 =	vcvt.f32.s32 v6  }
0x13a: {  	v13 =	vld [tilespmem:s24+$0x20];
	v4 =	vcvt.f32.s32 v4;
	v5 =	vcvt.f32.s32 v5  }
0x13b: {  	v14 =	vld [tilespmem:s24+$0x30];
	v7 =	vcvt.f32.s32 v7;
	v8 =	vcvt.f32.s32 v8;
	v6 =	vand.u32 $0xFFFFFFF0, v6  }
0x13c: {  	v4 =	vand.u32 $0xFFFFFFF0, v4;
	v15 =	vor.u32 v1, v6;
	v6 =	vmul.f32 $3.200000000e+02, v11;
	v11 =	vld [tilespmem:s24+$0x50]  }
0x13d: {  	v9 =	vcvt.f32.s32 v9;
	v5 =	vand.u32 $0xFFFFFFF0, v5;
	v4 =	vor.u32 v1, v4;
	[tilespmem:v3+s19+$0x0] =	vst.idx.add.f32.msk $0xffff, v2  }
0x13e: {  	v8 =	vand.u32 $0xFFFFFFF0, v8;
	v5 =	vor.u32 v1, v5;
	v3 =	vtrunc.f32 v10;
	v10 =	vld [tilespmem:s24+$0x0]  }
0x13f: {  	v7 =	vand.u32 $0xFFFFFFF0, v7;
	v18 =	vor.u32 v1, v8;
	v8 =	vmul.f32 $3.200000000e+02, v12;
	v12 =	vld [tilespmem:s24+$0x60]  }
0x140: {  	v16 =	vld [tilespmem:s24+$0x40];
	v17 =	vor.u32 v1, v7;
	v6 =	vtrunc.f32 v6;
	v3 =	vcvt.f32.s32 v3  }
0x141: {  	v13 =	vmul.f32 $3.200000000e+02, v13;
	v9 =	vand.u32 $0xFFFFFFF0, v9;
	v19 =	vcvt.f32.s32 v6  }
0x142: {  	[tilespmem:v4+s19+$0x0] =	vst.idx.add.f32.msk $0xffff, v2;
	v4 =	vor.u32 v1, v9;
	v9 =	vmul.f32 $3.200000000e+02, v14;
	v3 =	vand.u32 $0xFFFFFFF0, v3  }
0x143: {  	[tilespmem:v5+s19+$0x0] =	vst.idx.add.f32.msk $0xffff, v2;
	v11 =	vmul.f32 $3.200000000e+02, v11;
	v3 =	vor.u32 v1, v3;
	v7 =	vmul.f32 $3.200000000e+02, v10  }
0x144: {  	[tilespmem:v15+s19+$0x0] =	vst.idx.add.f32.msk $0xffff, v2;
	v5 =	vand.u32 $0xFFFFFFF0, v19;
	v12 =	vmul.f32 $3.200000000e+02, v12;
	v9 =	vtrunc.f32 v9  }
0x145: {  	[tilespmem:v17+s19+$0x0] =	vst.idx.add.f32.msk $0xffff, v2;
	v5 =	vor.u32 v1, v5;
	v10 =	vmul.f32 $3.200000000e+02, v16;
	v6 =	vtrunc.f32 v7  }
0x146: {  	s26 =	simm.s32 $0x8;
	s25 =	simm.s32 $0x800;
	s24 =	simm.s32 $0x8;
	[tilespmem:v18+s19+$0x0] =	vst.idx.add.f32.msk $0xffff, v2;
	v7 =	vtrunc.f32 v8;
	v8 =	vtrunc.f32 v13  }
.LBB2_10:
0x147: {  	s28 =	sand.u32 $0x7C00, s25;
	s29 =	sand.u32 $0x380, s26;
	v10 =	vtrunc.f32 v10;
	v11 =	vtrunc.f32 v11;
	[tilespmem:v4+s19+$0x0] =	vst.idx.add.f32.msk $0xffff, v2  }
0x148: {  	s24 =	sadd.s32 $0x8, s24;
	v4 =	vcvt.f32.s32 v6;
	s28 =	sor.u32 s29, s28;
	v6 =	vtrunc.f32 v12;
	[tilespmem:v3+s19+$0x0] =	vst.idx.add.f32.msk $0xffff, v2  }
0x149: {  	v7 =	vcvt.f32.s32 v7;
	v8 =	vcvt.f32.s32 v8;
	p0 =	slt.u32 s24, $0x7F8;
	v3 =	vld [tilespmem:s28+$0x70]  }
0x14a: {  	v9 =	vcvt.f32.s32 v9;
	v10 =	vcvt.f32.s32 v10;
	v4 =	vand.u32 $0xFFFFFFF0, v4;
	[tilespmem:v5+s19+$0x0] =	vst.idx.add.f32.msk $0xffff, v2  }
0x14b: {  	v11 =	vcvt.f32.s32 v11;
	v7 =	vand.u32 $0xFFFFFFF0, v7;
	v6 =	vcvt.f32.s32 v6;
	v5 =	vld [tilespmem:s28+$0x0]  }
0x14c: {  	v8 =	vand.u32 $0xFFFFFFF0, v8;
	v9 =	vand.u32 $0xFFFFFFF0, v9;
	v10 =	vand.u32 $0xFFFFFFF0, v10;
	v12 =	vld [tilespmem:s28+$0x10]  }
0x14d: {  	v14 =	vor.u32 v1, v4;
	v4 =	vand.u32 $0xFFFFFFF0, v11;
	v6 =	vand.u32 $0xFFFFFFF0, v6;
	v13 =	vld [tilespmem:s28+$0x20]  }
0x14e: {  	v7 =	vor.u32 v1, v7;
	v8 =	vor.u32 v1, v8;
	v9 =	vor.u32 v1, v9;
	v11 =	vld [tilespmem:s28+$0x30]  }
0x14f: {  	v17 =	vor.u32 v1, v10;
	v4 =	vor.u32 v1, v4;
	v16 =	vmul.f32 $3.200000000e+02, v3;
	v15 =	vld [tilespmem:s28+$0x40]  }
0x150: {  	v3 =	vor.u32 v1, v6;
	v5 =	vmul.f32 $3.200000000e+02, v5;
	v18 =	vld [tilespmem:s28+$0x50]  }
0x151: {  	v6 =	vtrunc.f32 v16;
	v10 =	vmul.f32 $3.200000000e+02, v12;
	v12 =	vld [tilespmem:s28+$0x60]  }
.Ltmp4:
0x152: {  	v16 =	vcvt.f32.s32 v6;
	v13 =	vmul.f32 $3.200000000e+02, v13;
	[tilespmem:v14+s19+$0x0] =	vst.idx.add.f32.msk $0xffff, v2;
	(pc) =	sbr.rel @p0 .LBB2_10-.Ltmp4, $4  }
0x153: {  	v6 =	vtrunc.f32 v5;
	v14 =	vmul.f32 $3.200000000e+02, v11;
	[tilespmem:v7+s19+$0x0] =	vst.idx.add.f32.msk $0xffff, v2  }
0x154: {  	v7 =	vtrunc.f32 v10;
	v5 =	vand.u32 $0xFFFFFFF0, v16;
	v10 =	vmul.f32 $3.200000000e+02, v15;
	[tilespmem:v8+s19+$0x0] =	vst.idx.add.f32.msk $0xffff, v2  }
0x155: {  	v8 =	vtrunc.f32 v13;
	v5 =	vor.u32 v1, v5;
	v11 =	vmul.f32 $3.200000000e+02, v18;
	[tilespmem:v9+s19+$0x0] =	vst.idx.add.f32.msk $0xffff, v2  }
0x156: {  	s25 =	sadd.s32 $0x400, s25;
	s26 =	sadd.s32 $0x4, s26;
	v9 =	vtrunc.f32 v14;
	v12 =	vmul.f32 $3.200000000e+02, v12;
	[tilespmem:v17+s19+$0x0] =	vst.idx.add.f32.msk $0xffff, v2  }
0x157: {  	v10 =	vtrunc.f32 v10;
	v6 =	vcvt.f32.s32 v6  }
0x158: {  	v11 =	vtrunc.f32 v11;
	v7 =	vcvt.f32.s32 v7  }
0x159: {  	v8 =	vcvt.f32.s32 v8;
	v9 =	vcvt.f32.s32 v9;
	v6 =	vand.u32 $0xFFFFFFF0, v6  }
0x15a: {  	v12 =	vtrunc.f32 v12;
	v7 =	vand.u32 $0xFFFFFFF0, v7;
	v6 =	vor.u32 v1, v6  }
0x15b: {  	v10 =	vcvt.f32.s32 v10;
	v8 =	vand.u32 $0xFFFFFFF0, v8;
	v7 =	vor.u32 v1, v7  }
0x15c: {  	[tilespmem:v4+s19+$0x0] =	vst.idx.add.f32.msk $0xffff, v2;
	v4 =	vcvt.f32.s32 v11;
	v9 =	vand.u32 $0xFFFFFFF0, v9;
	v8 =	vor.u32 v1, v8  }
0x15d: {  	[tilespmem:v3+s19+$0x0] =	vst.idx.add.f32.msk $0xffff, v2;
	v3 =	vcvt.f32.s32 v12;
	v10 =	vand.u32 $0xFFFFFFF0, v10;
	v9 =	vor.u32 v1, v9  }
0x15e: {  	[tilespmem:v5+s19+$0x0] =	vst.idx.add.f32.msk $0xffff, v2;
	v4 =	vand.u32 $0xFFFFFFF0, v4;
	v5 =	vor.u32 v1, v10  }
0x15f: {  	v3 =	vand.u32 $0xFFFFFFF0, v3;
	v4 =	vor.u32 v1, v4;
	[tilespmem:v6+s19+$0x0] =	vst.idx.add.f32.msk $0xffff, v2  }
0x160: {  	v3 =	vor.u32 v1, v3;
	[tilespmem:v7+s19+$0x0] =	vst.idx.add.f32.msk $0xffff, v2  }
0x161: {  	[tilespmem:v8+s19+$0x0] =	vst.idx.add.f32.msk $0xffff, v2  }
0x162: {  	[tilespmem:v9+s19+$0x0] =	vst.idx.add.f32.msk $0xffff, v2  }
0x163: {  	[tilespmem:v5+s19+$0x0] =	vst.idx.add.f32.msk $0xffff, v2  }
0x164: {  	[tilespmem:v4+s19+$0x0] =	vst.idx.add.f32.msk $0xffff, v2  }
0x165: {  	s24 =	simm.s32 $0x0;
	[tilespmem:v3+s19+$0x0] =	vst.idx.add.f32.msk $0xffff, v2  }
0x166: {  	[tilespmem:s24], [sflag:$0x1] =	stream.linear.gather [hbm4b:s9+s24], $0x8000, $0x38;
	[tilespmem:$0x10200] =	vst v63  }
0x167: {  	_ =	swait.ge [sflag:s20], $0x8000  }
0x168: {  	s25 =	sand.u32 $0x7C00, s24;
	s24 =	sand.u32 $0x380, s24;
	[sflag:s20] =	ssyncset.done $0x0  }
0x169: {  	s24 =	sor.u32 s24, s25;
	[sflag:s20] =	ssyncadd.s32 $0xFFFF8000  }
0x16a: {  	v3 =	vld [tilespmem:s24+$0x8070]  }
0x16b: {  	v4 =	vld [tilespmem:s24+$0x8000]  }
0x16c: {  	v5 =	vld [tilespmem:s24+$0x8010]  }
0x16d: {  	v6 =	vld [tilespmem:s24+$0x8020]  }
0x16e: {  	v7 =	vld [tilespmem:s24+$0x8030]  }
0x16f: {  	v8 =	vld [tilespmem:s24+$0x8040]  }
0x170: {  	v9 =	vld [tilespmem:s24+$0x8050]  }
0x171: {  	v10 =	vld [tilespmem:s24+$0x8060];
	v3 =	vmul.f32 $3.200000000e+02, v3  }
0x172: {  	v4 =	vmul.f32 $3.200000000e+02, v4;
	v5 =	vmul.f32 $3.200000000e+02, v5  }
0x173: {  	v6 =	vmul.f32 $3.200000000e+02, v6;
	v7 =	vmul.f32 $3.200000000e+02, v7  }
0x174: {  	s30 =	simm.s32 $0x400;
	s31 =	simm.s32 $0x4;
	v8 =	vmul.f32 $3.200000000e+02, v8;
	v3 =	vtrunc.f32 v3  }
0x175: {  	s25 =	sand.u32 $0x380, s31;
	s24 =	sand.u32 $0x7C00, s30;
	v9 =	vmul.f32 $3.200000000e+02, v9;
	v3 =	vcvt.f32.s32 v3  }
0x176: {  	s24 =	sor.u32 s25, s24;
	v10 =	vmul.f32 $3.200000000e+02, v10;
	v4 =	vtrunc.f32 v4  }
0x177: {  	v11 =	vld [tilespmem:s24+$0x8070];
	v5 =	vtrunc.f32 v5;
	v6 =	vtrunc.f32 v6;
	v3 =	vand.u32 $0xFFFFFFF0, v3  }
0x178: {  	v7 =	vtrunc.f32 v7;
	v8 =	vtrunc.f32 v8;
	v3 =	vor.u32 v1, v3  }
0x179: {  	v12 =	vld [tilespmem:s24+$0x8010];
	v9 =	vtrunc.f32 v9;
	v6 =	vcvt.f32.s32 v6  }
0x17a: {  	v13 =	vld [tilespmem:s24+$0x8020];
	v4 =	vcvt.f32.s32 v4;
	v5 =	vcvt.f32.s32 v5  }
0x17b: {  	v14 =	vld [tilespmem:s24+$0x8030];
	v7 =	vcvt.f32.s32 v7;
	v8 =	vcvt.f32.s32 v8;
	v6 =	vand.u32 $0xFFFFFFF0, v6  }
0x17c: {  	v4 =	vand.u32 $0xFFFFFFF0, v4;
	v15 =	vor.u32 v1, v6;
	v6 =	vmul.f32 $3.200000000e+02, v11;
	v11 =	vld [tilespmem:s24+$0x8050]  }
0x17d: {  	v9 =	vcvt.f32.s32 v9;
	v5 =	vand.u32 $0xFFFFFFF0, v5;
	v4 =	vor.u32 v1, v4;
	[tilespmem:v3+s19+$0x0] =	vst.idx.add.f32.msk $0xffff, v2  }
0x17e: {  	v8 =	vand.u32 $0xFFFFFFF0, v8;
	v5 =	vor.u32 v1, v5;
	v3 =	vtrunc.f32 v10;
	v10 =	vld [tilespmem:s24+$0x8000]  }
0x17f: {  	v7 =	vand.u32 $0xFFFFFFF0, v7;
	v18 =	vor.u32 v1, v8;
	v8 =	vmul.f32 $3.200000000e+02, v12;
	v12 =	vld [tilespmem:s24+$0x8060]  }
0x180: {  	v16 =	vld [tilespmem:s24+$0x8040];
	v17 =	vor.u32 v1, v7;
	v6 =	vtrunc.f32 v6;
	v3 =	vcvt.f32.s32 v3  }
0x181: {  	v13 =	vmul.f32 $3.200000000e+02, v13;
	v9 =	vand.u32 $0xFFFFFFF0, v9;
	v19 =	vcvt.f32.s32 v6  }
0x182: {  	[tilespmem:v4+s19+$0x0] =	vst.idx.add.f32.msk $0xffff, v2;
	v4 =	vor.u32 v1, v9;
	v9 =	vmul.f32 $3.200000000e+02, v14;
	v3 =	vand.u32 $0xFFFFFFF0, v3  }
0x183: {  	[tilespmem:v5+s19+$0x0] =	vst.idx.add.f32.msk $0xffff, v2;
	v11 =	vmul.f32 $3.200000000e+02, v11;
	v3 =	vor.u32 v1, v3;
	v7 =	vmul.f32 $3.200000000e+02, v10  }
0x184: {  	[tilespmem:v15+s19+$0x0] =	vst.idx.add.f32.msk $0xffff, v2;
	v5 =	vand.u32 $0xFFFFFFF0, v19;
	v12 =	vmul.f32 $3.200000000e+02, v12;
	v9 =	vtrunc.f32 v9  }
0x185: {  	[tilespmem:v17+s19+$0x0] =	vst.idx.add.f32.msk $0xffff, v2;
	v5 =	vor.u32 v1, v5;
	v10 =	vmul.f32 $3.200000000e+02, v16;
	v6 =	vtrunc.f32 v7  }
0x186: {  	s26 =	simm.s32 $0x8;
	s25 =	simm.s32 $0x800;
	s24 =	simm.s32 $0x8;
	[tilespmem:v18+s19+$0x0] =	vst.idx.add.f32.msk $0xffff, v2;
	v7 =	vtrunc.f32 v8;
	v8 =	vtrunc.f32 v13  }
.LBB2_12:
0x187: {  	s28 =	sand.u32 $0x7C00, s25;
	s29 =	sand.u32 $0x380, s26;
	v10 =	vtrunc.f32 v10;
	v11 =	vtrunc.f32 v11;
	[tilespmem:v4+s19+$0x0] =	vst.idx.add.f32.msk $0xffff, v2  }
0x188: {  	s24 =	sadd.s32 $0x8, s24;
	v4 =	vcvt.f32.s32 v6;
	s28 =	sor.u32 s29, s28;
	v6 =	vtrunc.f32 v12;
	[tilespmem:v3+s19+$0x0] =	vst.idx.add.f32.msk $0xffff, v2  }
0x189: {  	v7 =	vcvt.f32.s32 v7;
	v8 =	vcvt.f32.s32 v8;
	p0 =	slt.u32 s24, $0x7F8;
	v3 =	vld [tilespmem:s28+$0x8070]  }
0x18a: {  	v9 =	vcvt.f32.s32 v9;
	v10 =	vcvt.f32.s32 v10;
	v4 =	vand.u32 $0xFFFFFFF0, v4;
	[tilespmem:v5+s19+$0x0] =	vst.idx.add.f32.msk $0xffff, v2  }
0x18b: {  	v11 =	vcvt.f32.s32 v11;
	v7 =	vand.u32 $0xFFFFFFF0, v7;
	v6 =	vcvt.f32.s32 v6;
	v5 =	vld [tilespmem:s28+$0x8000]  }
0x18c: {  	v8 =	vand.u32 $0xFFFFFFF0, v8;
	v9 =	vand.u32 $0xFFFFFFF0, v9;
	v10 =	vand.u32 $0xFFFFFFF0, v10;
	v12 =	vld [tilespmem:s28+$0x8010]  }
0x18d: {  	v14 =	vor.u32 v1, v4;
	v4 =	vand.u32 $0xFFFFFFF0, v11;
	v6 =	vand.u32 $0xFFFFFFF0, v6;
	v13 =	vld [tilespmem:s28+$0x8020]  }
0x18e: {  	v7 =	vor.u32 v1, v7;
	v8 =	vor.u32 v1, v8;
	v9 =	vor.u32 v1, v9;
	v11 =	vld [tilespmem:s28+$0x8030]  }
0x18f: {  	v17 =	vor.u32 v1, v10;
	v4 =	vor.u32 v1, v4;
	v16 =	vmul.f32 $3.200000000e+02, v3;
	v15 =	vld [tilespmem:s28+$0x8040]  }
0x190: {  	v3 =	vor.u32 v1, v6;
	v5 =	vmul.f32 $3.200000000e+02, v5;
	v18 =	vld [tilespmem:s28+$0x8050]  }
0x191: {  	v6 =	vtrunc.f32 v16;
	v10 =	vmul.f32 $3.200000000e+02, v12;
	v12 =	vld [tilespmem:s28+$0x8060]  }
.Ltmp5:
0x192: {  	v16 =	vcvt.f32.s32 v6;
	v13 =	vmul.f32 $3.200000000e+02, v13;
	[tilespmem:v14+s19+$0x0] =	vst.idx.add.f32.msk $0xffff, v2;
	(pc) =	sbr.rel @p0 .LBB2_12-.Ltmp5, $4  }
0x193: {  	v6 =	vtrunc.f32 v5;
	v14 =	vmul.f32 $3.200000000e+02, v11;
	[tilespmem:v7+s19+$0x0] =	vst.idx.add.f32.msk $0xffff, v2  }
0x194: {  	v7 =	vtrunc.f32 v10;
	v5 =	vand.u32 $0xFFFFFFF0, v16;
	v10 =	vmul.f32 $3.200000000e+02, v15;
	[tilespmem:v8+s19+$0x0] =	vst.idx.add.f32.msk $0xffff, v2  }
0x195: {  	v8 =	vtrunc.f32 v13;
	v5 =	vor.u32 v1, v5;
	v11 =	vmul.f32 $3.200000000e+02, v18;
	[tilespmem:v9+s19+$0x0] =	vst.idx.add.f32.msk $0xffff, v2  }
0x196: {  	s25 =	sadd.s32 $0x400, s25;
	s26 =	sadd.s32 $0x4, s26;
	v9 =	vtrunc.f32 v14;
	v12 =	vmul.f32 $3.200000000e+02, v12;
	[tilespmem:v17+s19+$0x0] =	vst.idx.add.f32.msk $0xffff, v2  }
0x197: {  	v10 =	vtrunc.f32 v10;
	v6 =	vcvt.f32.s32 v6  }
0x198: {  	v11 =	vtrunc.f32 v11;
	v7 =	vcvt.f32.s32 v7  }
0x199: {  	v8 =	vcvt.f32.s32 v8;
	v9 =	vcvt.f32.s32 v9;
	v6 =	vand.u32 $0xFFFFFFF0, v6  }
0x19a: {  	v12 =	vtrunc.f32 v12;
	v7 =	vand.u32 $0xFFFFFFF0, v7;
	v6 =	vor.u32 v1, v6  }
0x19b: {  	v10 =	vcvt.f32.s32 v10;
	v8 =	vand.u32 $0xFFFFFFF0, v8;
	v7 =	vor.u32 v1, v7  }
0x19c: {  	[tilespmem:v4+s19+$0x0] =	vst.idx.add.f32.msk $0xffff, v2;
	v4 =	vcvt.f32.s32 v11;
	v9 =	vand.u32 $0xFFFFFFF0, v9;
	v8 =	vor.u32 v1, v8  }
0x19d: {  	[tilespmem:v3+s19+$0x0] =	vst.idx.add.f32.msk $0xffff, v2;
	v3 =	vcvt.f32.s32 v12;
	v10 =	vand.u32 $0xFFFFFFF0, v10;
	v9 =	vor.u32 v1, v9  }
0x19e: {  	[tilespmem:v5+s19+$0x0] =	vst.idx.add.f32.msk $0xffff, v2;
	v4 =	vand.u32 $0xFFFFFFF0, v4;
	v5 =	vor.u32 v1, v10  }
0x19f: {  	v3 =	vand.u32 $0xFFFFFFF0, v3;
	v4 =	vor.u32 v1, v4;
	[tilespmem:v6+s19+$0x0] =	vst.idx.add.f32.msk $0xffff, v2  }
0x1a0: {  	v3 =	vor.u32 v1, v3;
	[tilespmem:v7+s19+$0x0] =	vst.idx.add.f32.msk $0xffff, v2  }
0x1a1: {  	[tilespmem:v8+s19+$0x0] =	vst.idx.add.f32.msk $0xffff, v2  }
0x1a2: {  	[tilespmem:v9+s19+$0x0] =	vst.idx.add.f32.msk $0xffff, v2  }
0x1a3: {  	[tilespmem:v5+s19+$0x0] =	vst.idx.add.f32.msk $0xffff, v2  }
0x1a4: {  	[tilespmem:v4+s19+$0x0] =	vst.idx.add.f32.msk $0xffff, v2  }
0x1a5: {  	s24 =	simm.s32 $0x0;
	[tilespmem:v3+s19+$0x0] =	vst.idx.add.f32.msk $0xffff, v2  }
0x1a6: {  	[tilespmem:s17], [sflag:$0x2] =	stream.linear.gather [hbm4b:s10+s24], $0x8000, $0x38;
	[tilespmem:$0x10200] =	vst v63  }
0x1a7: {  	_ =	swait.ge [sflag:s18], $0x8000  }
0x1a8: {  	s25 =	sand.u32 $0x7C00, s24;
	s24 =	sand.u32 $0x380, s24;
	[sflag:s18] =	ssyncset.done $0x0  }
0x1a9: {  	s24 =	sor.u32 s24, s25;
	[sflag:s18] =	ssyncadd.s32 $0xFFFF8000  }
0x1aa: {  	v3 =	vld [tilespmem:s24+$0x70]  }
0x1ab: {  	v4 =	vld [tilespmem:s24+$0x0]  }
0x1ac: {  	v5 =	vld [tilespmem:s24+$0x10]  }
0x1ad: {  	v6 =	vld [tilespmem:s24+$0x20]  }
0x1ae: {  	v7 =	vld [tilespmem:s24+$0x30]  }
0x1af: {  	v8 =	vld [tilespmem:s24+$0x40]  }
0x1b0: {  	v9 =	vld [tilespmem:s24+$0x50]  }
0x1b1: {  	v10 =	vld [tilespmem:s24+$0x60];
	v3 =	vmul.f32 $3.200000000e+02, v3  }
0x1b2: {  	v4 =	vmul.f32 $3.200000000e+02, v4;
	v5 =	vmul.f32 $3.200000000e+02, v5  }
0x1b3: {  	v6 =	vmul.f32 $3.200000000e+02, v6;
	v7 =	vmul.f32 $3.200000000e+02, v7  }
0x1b4: {  	s30 =	simm.s32 $0x400;
	s31 =	simm.s32 $0x4;
	v8 =	vmul.f32 $3.200000000e+02, v8;
	v3 =	vtrunc.f32 v3  }
0x1b5: {  	s25 =	sand.u32 $0x380, s31;
	s24 =	sand.u32 $0x7C00, s30;
	v9 =	vmul.f32 $3.200000000e+02, v9;
	v3 =	vcvt.f32.s32 v3  }
0x1b6: {  	s24 =	sor.u32 s25, s24;
	v10 =	vmul.f32 $3.200000000e+02, v10;
	v4 =	vtrunc.f32 v4  }
0x1b7: {  	v11 =	vld [tilespmem:s24+$0x70];
	v5 =	vtrunc.f32 v5;
	v6 =	vtrunc.f32 v6;
	v3 =	vand.u32 $0xFFFFFFF0, v3  }
0x1b8: {  	v7 =	vtrunc.f32 v7;
	v8 =	vtrunc.f32 v8;
	v3 =	vor.u32 v1, v3  }
0x1b9: {  	v12 =	vld [tilespmem:s24+$0x10];
	v9 =	vtrunc.f32 v9;
	v6 =	vcvt.f32.s32 v6  }
0x1ba: {  	v13 =	vld [tilespmem:s24+$0x20];
	v4 =	vcvt.f32.s32 v4;
	v5 =	vcvt.f32.s32 v5  }
0x1bb: {  	v14 =	vld [tilespmem:s24+$0x30];
	v7 =	vcvt.f32.s32 v7;
	v8 =	vcvt.f32.s32 v8;
	v6 =	vand.u32 $0xFFFFFFF0, v6  }
0x1bc: {  	v4 =	vand.u32 $0xFFFFFFF0, v4;
	v15 =	vor.u32 v1, v6;
	v6 =	vmul.f32 $3.200000000e+02, v11;
	v11 =	vld [tilespmem:s24+$0x50]  }
0x1bd: {  	v9 =	vcvt.f32.s32 v9;
	v5 =	vand.u32 $0xFFFFFFF0, v5;
	v4 =	vor.u32 v1, v4;
	[tilespmem:v3+s19+$0x0] =	vst.idx.add.f32.msk $0xffff, v2  }
0x1be: {  	v8 =	vand.u32 $0xFFFFFFF0, v8;
	v5 =	vor.u32 v1, v5;
	v3 =	vtrunc.f32 v10;
	v10 =	vld [tilespmem:s24+$0x0]  }
0x1bf: {  	v7 =	vand.u32 $0xFFFFFFF0, v7;
	v18 =	vor.u32 v1, v8;
	v8 =	vmul.f32 $3.200000000e+02, v12;
	v12 =	vld [tilespmem:s24+$0x60]  }
0x1c0: {  	v16 =	vld [tilespmem:s24+$0x40];
	v17 =	vor.u32 v1, v7;
	v6 =	vtrunc.f32 v6;
	v3 =	vcvt.f32.s32 v3  }
0x1c1: {  	v13 =	vmul.f32 $3.200000000e+02, v13;
	v9 =	vand.u32 $0xFFFFFFF0, v9;
	v19 =	vcvt.f32.s32 v6  }
0x1c2: {  	[tilespmem:v4+s19+$0x0] =	vst.idx.add.f32.msk $0xffff, v2;
	v4 =	vor.u32 v1, v9;
	v9 =	vmul.f32 $3.200000000e+02, v14;
	v3 =	vand.u32 $0xFFFFFFF0, v3  }
0x1c3: {  	[tilespmem:v5+s19+$0x0] =	vst.idx.add.f32.msk $0xffff, v2;
	v11 =	vmul.f32 $3.200000000e+02, v11;
	v3 =	vor.u32 v1, v3;
	v7 =	vmul.f32 $3.200000000e+02, v10  }
0x1c4: {  	[tilespmem:v15+s19+$0x0] =	vst.idx.add.f32.msk $0xffff, v2;
	v5 =	vand.u32 $0xFFFFFFF0, v19;
	v12 =	vmul.f32 $3.200000000e+02, v12;
	v9 =	vtrunc.f32 v9  }
0x1c5: {  	[tilespmem:v17+s19+$0x0] =	vst.idx.add.f32.msk $0xffff, v2;
	v5 =	vor.u32 v1, v5;
	v10 =	vmul.f32 $3.200000000e+02, v16;
	v6 =	vtrunc.f32 v7  }
0x1c6: {  	s26 =	simm.s32 $0x8;
	s25 =	simm.s32 $0x800;
	s24 =	simm.s32 $0x8;
	[tilespmem:v18+s19+$0x0] =	vst.idx.add.f32.msk $0xffff, v2;
	v7 =	vtrunc.f32 v8;
	v8 =	vtrunc.f32 v13  }
.LBB2_14:
0x1c7: {  	s28 =	sand.u32 $0x7C00, s25;
	s29 =	sand.u32 $0x380, s26;
	v10 =	vtrunc.f32 v10;
	v11 =	vtrunc.f32 v11;
	[tilespmem:v4+s19+$0x0] =	vst.idx.add.f32.msk $0xffff, v2  }
0x1c8: {  	s24 =	sadd.s32 $0x8, s24;
	v4 =	vcvt.f32.s32 v6;
	s28 =	sor.u32 s29, s28;
	v6 =	vtrunc.f32 v12;
	[tilespmem:v3+s19+$0x0] =	vst.idx.add.f32.msk $0xffff, v2  }
0x1c9: {  	v7 =	vcvt.f32.s32 v7;
	v8 =	vcvt.f32.s32 v8;
	p0 =	slt.u32 s24, $0x7F8;
	v3 =	vld [tilespmem:s28+$0x70]  }
0x1ca: {  	v9 =	vcvt.f32.s32 v9;
	v10 =	vcvt.f32.s32 v10;
	v4 =	vand.u32 $0xFFFFFFF0, v4;
	[tilespmem:v5+s19+$0x0] =	vst.idx.add.f32.msk $0xffff, v2  }
0x1cb: {  	v11 =	vcvt.f32.s32 v11;
	v7 =	vand.u32 $0xFFFFFFF0, v7;
	v6 =	vcvt.f32.s32 v6;
	v5 =	vld [tilespmem:s28+$0x0]  }
0x1cc: {  	v8 =	vand.u32 $0xFFFFFFF0, v8;
	v9 =	vand.u32 $0xFFFFFFF0, v9;
	v10 =	vand.u32 $0xFFFFFFF0, v10;
	v12 =	vld [tilespmem:s28+$0x10]  }
0x1cd: {  	v14 =	vor.u32 v1, v4;
	v4 =	vand.u32 $0xFFFFFFF0, v11;
	v6 =	vand.u32 $0xFFFFFFF0, v6;
	v13 =	vld [tilespmem:s28+$0x20]  }
0x1ce: {  	v7 =	vor.u32 v1, v7;
	v8 =	vor.u32 v1, v8;
	v9 =	vor.u32 v1, v9;
	v11 =	vld [tilespmem:s28+$0x30]  }
0x1cf: {  	v17 =	vor.u32 v1, v10;
	v4 =	vor.u32 v1, v4;
	v16 =	vmul.f32 $3.200000000e+02, v3;
	v15 =	vld [tilespmem:s28+$0x40]  }
0x1d0: {  	v3 =	vor.u32 v1, v6;
	v5 =	vmul.f32 $3.200000000e+02, v5;
	v18 =	vld [tilespmem:s28+$0x50]  }
0x1d1: {  	v6 =	vtrunc.f32 v16;
	v10 =	vmul.f32 $3.200000000e+02, v12;
	v12 =	vld [tilespmem:s28+$0x60]  }
.Ltmp6:
0x1d2: {  	v16 =	vcvt.f32.s32 v6;
	v13 =	vmul.f32 $3.200000000e+02, v13;
	[tilespmem:v14+s19+$0x0] =	vst.idx.add.f32.msk $0xffff, v2;
	(pc) =	sbr.rel @p0 .LBB2_14-.Ltmp6, $4  }
0x1d3: {  	v6 =	vtrunc.f32 v5;
	v14 =	vmul.f32 $3.200000000e+02, v11;
	[tilespmem:v7+s19+$0x0] =	vst.idx.add.f32.msk $0xffff, v2  }
0x1d4: {  	v7 =	vtrunc.f32 v10;
	v5 =	vand.u32 $0xFFFFFFF0, v16;
	v10 =	vmul.f32 $3.200000000e+02, v15;
	[tilespmem:v8+s19+$0x0] =	vst.idx.add.f32.msk $0xffff, v2  }
0x1d5: {  	v8 =	vtrunc.f32 v13;
	v5 =	vor.u32 v1, v5;
	v11 =	vmul.f32 $3.200000000e+02, v18;
	[tilespmem:v9+s19+$0x0] =	vst.idx.add.f32.msk $0xffff, v2  }
0x1d6: {  	s25 =	sadd.s32 $0x400, s25;
	s26 =	sadd.s32 $0x4, s26;
	v9 =	vtrunc.f32 v14;
	v12 =	vmul.f32 $3.200000000e+02, v12;
	[tilespmem:v17+s19+$0x0] =	vst.idx.add.f32.msk $0xffff, v2  }
0x1d7: {  	v10 =	vtrunc.f32 v10;
	v6 =	vcvt.f32.s32 v6  }
0x1d8: {  	v11 =	vtrunc.f32 v11;
	v7 =	vcvt.f32.s32 v7  }
0x1d9: {  	v8 =	vcvt.f32.s32 v8;
	v9 =	vcvt.f32.s32 v9;
	v6 =	vand.u32 $0xFFFFFFF0, v6  }
0x1da: {  	v12 =	vtrunc.f32 v12;
	v7 =	vand.u32 $0xFFFFFFF0, v7;
	v6 =	vor.u32 v1, v6  }
0x1db: {  	v10 =	vcvt.f32.s32 v10;
	v8 =	vand.u32 $0xFFFFFFF0, v8;
	v7 =	vor.u32 v1, v7  }
0x1dc: {  	[tilespmem:v4+s19+$0x0] =	vst.idx.add.f32.msk $0xffff, v2;
	v4 =	vcvt.f32.s32 v11;
	v9 =	vand.u32 $0xFFFFFFF0, v9;
	v8 =	vor.u32 v1, v8  }
0x1dd: {  	[tilespmem:v3+s19+$0x0] =	vst.idx.add.f32.msk $0xffff, v2;
	v3 =	vcvt.f32.s32 v12;
	v10 =	vand.u32 $0xFFFFFFF0, v10;
	v9 =	vor.u32 v1, v9  }
0x1de: {  	[tilespmem:v5+s19+$0x0] =	vst.idx.add.f32.msk $0xffff, v2;
	v4 =	vand.u32 $0xFFFFFFF0, v4;
	v5 =	vor.u32 v1, v10  }
0x1df: {  	v3 =	vand.u32 $0xFFFFFFF0, v3;
	v4 =	vor.u32 v1, v4;
	[tilespmem:v6+s19+$0x0] =	vst.idx.add.f32.msk $0xffff, v2  }
0x1e0: {  	v3 =	vor.u32 v1, v3;
	[tilespmem:v7+s19+$0x0] =	vst.idx.add.f32.msk $0xffff, v2  }
0x1e1: {  	[tilespmem:v8+s19+$0x0] =	vst.idx.add.f32.msk $0xffff, v2  }
0x1e2: {  	[tilespmem:v9+s19+$0x0] =	vst.idx.add.f32.msk $0xffff, v2  }
0x1e3: {  	[tilespmem:v5+s19+$0x0] =	vst.idx.add.f32.msk $0xffff, v2  }
0x1e4: {  	[tilespmem:v4+s19+$0x0] =	vst.idx.add.f32.msk $0xffff, v2  }
0x1e5: {  	s24 =	simm.s32 $0x0;
	[tilespmem:v3+s19+$0x0] =	vst.idx.add.f32.msk $0xffff, v2  }
0x1e6: {  	[tilespmem:s24], [sflag:$0x1] =	stream.linear.gather [hbm4b:s11+s24], $0x8000, $0x38;
	[tilespmem:$0x10200] =	vst v63  }
0x1e7: {  	_ =	swait.ge [sflag:s20], $0x8000  }
0x1e8: {  	s25 =	sand.u32 $0x7C00, s24;
	s24 =	sand.u32 $0x380, s24;
	[sflag:s20] =	ssyncset.done $0x0  }
0x1e9: {  	s24 =	sor.u32 s24, s25;
	[sflag:s20] =	ssyncadd.s32 $0xFFFF8000  }
0x1ea: {  	v3 =	vld [tilespmem:s24+$0x8070]  }
0x1eb: {  	v4 =	vld [tilespmem:s24+$0x8000]  }
0x1ec: {  	v5 =	vld [tilespmem:s24+$0x8010]  }
0x1ed: {  	v6 =	vld [tilespmem:s24+$0x8020]  }
0x1ee: {  	v7 =	vld [tilespmem:s24+$0x8030]  }
0x1ef: {  	v8 =	vld [tilespmem:s24+$0x8040]  }
0x1f0: {  	v9 =	vld [tilespmem:s24+$0x8050]  }
0x1f1: {  	v10 =	vld [tilespmem:s24+$0x8060];
	v3 =	vmul.f32 $3.200000000e+02, v3  }
0x1f2: {  	v4 =	vmul.f32 $3.200000000e+02, v4;
	v5 =	vmul.f32 $3.200000000e+02, v5  }
0x1f3: {  	v6 =	vmul.f32 $3.200000000e+02, v6;
	v7 =	vmul.f32 $3.200000000e+02, v7  }
0x1f4: {  	s30 =	simm.s32 $0x400;
	s31 =	simm.s32 $0x4;
	v8 =	vmul.f32 $3.200000000e+02, v8;
	v3 =	vtrunc.f32 v3  }
0x1f5: {  	s25 =	sand.u32 $0x380, s31;
	s24 =	sand.u32 $0x7C00, s30;
	v9 =	vmul.f32 $3.200000000e+02, v9;
	v3 =	vcvt.f32.s32 v3  }
0x1f6: {  	s24 =	sor.u32 s25, s24;
	v10 =	vmul.f32 $3.200000000e+02, v10;
	v4 =	vtrunc.f32 v4  }
0x1f7: {  	v11 =	vld [tilespmem:s24+$0x8070];
	v5 =	vtrunc.f32 v5;
	v6 =	vtrunc.f32 v6;
	v3 =	vand.u32 $0xFFFFFFF0, v3  }
0x1f8: {  	v7 =	vtrunc.f32 v7;
	v8 =	vtrunc.f32 v8;
	v3 =	vor.u32 v1, v3  }
0x1f9: {  	v12 =	vld [tilespmem:s24+$0x8010];
	v9 =	vtrunc.f32 v9;
	v6 =	vcvt.f32.s32 v6  }
0x1fa: {  	v13 =	vld [tilespmem:s24+$0x8020];
	v4 =	vcvt.f32.s32 v4;
	v5 =	vcvt.f32.s32 v5  }
0x1fb: {  	v14 =	vld [tilespmem:s24+$0x8030];
	v7 =	vcvt.f32.s32 v7;
	v8 =	vcvt.f32.s32 v8;
	v6 =	vand.u32 $0xFFFFFFF0, v6  }
0x1fc: {  	v4 =	vand.u32 $0xFFFFFFF0, v4;
	v15 =	vor.u32 v1, v6;
	v6 =	vmul.f32 $3.200000000e+02, v11;
	v11 =	vld [tilespmem:s24+$0x8050]  }
0x1fd: {  	v9 =	vcvt.f32.s32 v9;
	v5 =	vand.u32 $0xFFFFFFF0, v5;
	v4 =	vor.u32 v1, v4;
	[tilespmem:v3+s19+$0x0] =	vst.idx.add.f32.msk $0xffff, v2  }
0x1fe: {  	v8 =	vand.u32 $0xFFFFFFF0, v8;
	v5 =	vor.u32 v1, v5;
	v3 =	vtrunc.f32 v10;
	v10 =	vld [tilespmem:s24+$0x8000]  }
0x1ff: {  	v7 =	vand.u32 $0xFFFFFFF0, v7;
	v18 =	vor.u32 v1, v8;
	v8 =	vmul.f32 $3.200000000e+02, v12;
	v12 =	vld [tilespmem:s24+$0x8060]  }
0x200: {  	v16 =	vld [tilespmem:s24+$0x8040];
	v17 =	vor.u32 v1, v7;
	v6 =	vtrunc.f32 v6;
	v3 =	vcvt.f32.s32 v3  }
0x201: {  	v13 =	vmul.f32 $3.200000000e+02, v13;
	v9 =	vand.u32 $0xFFFFFFF0, v9;
	v19 =	vcvt.f32.s32 v6  }
0x202: {  	[tilespmem:v4+s19+$0x0] =	vst.idx.add.f32.msk $0xffff, v2;
	v4 =	vor.u32 v1, v9;
	v9 =	vmul.f32 $3.200000000e+02, v14;
	v3 =	vand.u32 $0xFFFFFFF0, v3  }
0x203: {  	[tilespmem:v5+s19+$0x0] =	vst.idx.add.f32.msk $0xffff, v2;
	v11 =	vmul.f32 $3.200000000e+02, v11;
	v3 =	vor.u32 v1, v3;
	v7 =	vmul.f32 $3.200000000e+02, v10  }
0x204: {  	[tilespmem:v15+s19+$0x0] =	vst.idx.add.f32.msk $0xffff, v2;
	v5 =	vand.u32 $0xFFFFFFF0, v19;
	v12 =	vmul.f32 $3.200000000e+02, v12;
	v9 =	vtrunc.f32 v9  }
0x205: {  	[tilespmem:v17+s19+$0x0] =	vst.idx.add.f32.msk $0xffff, v2;
	v5 =	vor.u32 v1, v5;
	v10 =	vmul.f32 $3.200000000e+02, v16;
	v6 =	vtrunc.f32 v7  }
0x206: {  	s26 =	simm.s32 $0x8;
	s25 =	simm.s32 $0x800;
	s24 =	simm.s32 $0x8;
	[tilespmem:v18+s19+$0x0] =	vst.idx.add.f32.msk $0xffff, v2;
	v7 =	vtrunc.f32 v8;
	v8 =	vtrunc.f32 v13  }
.LBB2_16:
0x207: {  	s28 =	sand.u32 $0x7C00, s25;
	s29 =	sand.u32 $0x380, s26;
	v10 =	vtrunc.f32 v10;
	v11 =	vtrunc.f32 v11;
	[tilespmem:v4+s19+$0x0] =	vst.idx.add.f32.msk $0xffff, v2  }
0x208: {  	s24 =	sadd.s32 $0x8, s24;
	v4 =	vcvt.f32.s32 v6;
	s28 =	sor.u32 s29, s28;
	v6 =	vtrunc.f32 v12;
	[tilespmem:v3+s19+$0x0] =	vst.idx.add.f32.msk $0xffff, v2  }
0x209: {  	v7 =	vcvt.f32.s32 v7;
	v8 =	vcvt.f32.s32 v8;
	p0 =	slt.u32 s24, $0x7F8;
	v3 =	vld [tilespmem:s28+$0x8070]  }
0x20a: {  	v9 =	vcvt.f32.s32 v9;
	v10 =	vcvt.f32.s32 v10;
	v4 =	vand.u32 $0xFFFFFFF0, v4;
	[tilespmem:v5+s19+$0x0] =	vst.idx.add.f32.msk $0xffff, v2  }
0x20b: {  	v11 =	vcvt.f32.s32 v11;
	v7 =	vand.u32 $0xFFFFFFF0, v7;
	v6 =	vcvt.f32.s32 v6;
	v5 =	vld [tilespmem:s28+$0x8000]  }
0x20c: {  	v8 =	vand.u32 $0xFFFFFFF0, v8;
	v9 =	vand.u32 $0xFFFFFFF0, v9;
	v10 =	vand.u32 $0xFFFFFFF0, v10;
	v12 =	vld [tilespmem:s28+$0x8010]  }
0x20d: {  	v14 =	vor.u32 v1, v4;
	v4 =	vand.u32 $0xFFFFFFF0, v11;
	v6 =	vand.u32 $0xFFFFFFF0, v6;
	v13 =	vld [tilespmem:s28+$0x8020]  }
0x20e: {  	v7 =	vor.u32 v1, v7;
	v8 =	vor.u32 v1, v8;
	v9 =	vor.u32 v1, v9;
	v11 =	vld [tilespmem:s28+$0x8030]  }
0x20f: {  	v17 =	vor.u32 v1, v10;
	v4 =	vor.u32 v1, v4;
	v16 =	vmul.f32 $3.200000000e+02, v3;
	v15 =	vld [tilespmem:s28+$0x8040]  }
0x210: {  	v3 =	vor.u32 v1, v6;
	v5 =	vmul.f32 $3.200000000e+02, v5;
	v18 =	vld [tilespmem:s28+$0x8050]  }
0x211: {  	v6 =	vtrunc.f32 v16;
	v10 =	vmul.f32 $3.200000000e+02, v12;
	v12 =	vld [tilespmem:s28+$0x8060]  }
.Ltmp7:
0x212: {  	v16 =	vcvt.f32.s32 v6;
	v13 =	vmul.f32 $3.200000000e+02, v13;
	[tilespmem:v14+s19+$0x0] =	vst.idx.add.f32.msk $0xffff, v2;
	(pc) =	sbr.rel @p0 .LBB2_16-.Ltmp7, $4  }
0x213: {  	v6 =	vtrunc.f32 v5;
	v14 =	vmul.f32 $3.200000000e+02, v11;
	[tilespmem:v7+s19+$0x0] =	vst.idx.add.f32.msk $0xffff, v2  }
0x214: {  	v7 =	vtrunc.f32 v10;
	v5 =	vand.u32 $0xFFFFFFF0, v16;
	v10 =	vmul.f32 $3.200000000e+02, v15;
	[tilespmem:v8+s19+$0x0] =	vst.idx.add.f32.msk $0xffff, v2  }
0x215: {  	v8 =	vtrunc.f32 v13;
	v5 =	vor.u32 v1, v5;
	v11 =	vmul.f32 $3.200000000e+02, v18;
	[tilespmem:v9+s19+$0x0] =	vst.idx.add.f32.msk $0xffff, v2  }
0x216: {  	s25 =	sadd.s32 $0x400, s25;
	s26 =	sadd.s32 $0x4, s26;
	v9 =	vtrunc.f32 v14;
	v12 =	vmul.f32 $3.200000000e+02, v12;
	[tilespmem:v17+s19+$0x0] =	vst.idx.add.f32.msk $0xffff, v2  }
0x217: {  	v10 =	vtrunc.f32 v10;
	v6 =	vcvt.f32.s32 v6  }
0x218: {  	v11 =	vtrunc.f32 v11;
	v7 =	vcvt.f32.s32 v7  }
0x219: {  	v8 =	vcvt.f32.s32 v8;
	v9 =	vcvt.f32.s32 v9;
	v6 =	vand.u32 $0xFFFFFFF0, v6  }
0x21a: {  	v12 =	vtrunc.f32 v12;
	v7 =	vand.u32 $0xFFFFFFF0, v7;
	v6 =	vor.u32 v1, v6  }
0x21b: {  	v10 =	vcvt.f32.s32 v10;
	v8 =	vand.u32 $0xFFFFFFF0, v8;
	v7 =	vor.u32 v1, v7  }
0x21c: {  	[tilespmem:v4+s19+$0x0] =	vst.idx.add.f32.msk $0xffff, v2;
	v4 =	vcvt.f32.s32 v11;
	v9 =	vand.u32 $0xFFFFFFF0, v9;
	v8 =	vor.u32 v1, v8  }
0x21d: {  	[tilespmem:v3+s19+$0x0] =	vst.idx.add.f32.msk $0xffff, v2;
	v3 =	vcvt.f32.s32 v12;
	v10 =	vand.u32 $0xFFFFFFF0, v10;
	v9 =	vor.u32 v1, v9  }
0x21e: {  	[tilespmem:v5+s19+$0x0] =	vst.idx.add.f32.msk $0xffff, v2;
	v4 =	vand.u32 $0xFFFFFFF0, v4;
	v5 =	vor.u32 v1, v10  }
0x21f: {  	v3 =	vand.u32 $0xFFFFFFF0, v3;
	v4 =	vor.u32 v1, v4;
	[tilespmem:v6+s19+$0x0] =	vst.idx.add.f32.msk $0xffff, v2  }
0x220: {  	v3 =	vor.u32 v1, v3;
	[tilespmem:v7+s19+$0x0] =	vst.idx.add.f32.msk $0xffff, v2  }
0x221: {  	[tilespmem:v8+s19+$0x0] =	vst.idx.add.f32.msk $0xffff, v2  }
0x222: {  	[tilespmem:v9+s19+$0x0] =	vst.idx.add.f32.msk $0xffff, v2  }
0x223: {  	[tilespmem:v5+s19+$0x0] =	vst.idx.add.f32.msk $0xffff, v2  }
0x224: {  	[tilespmem:v4+s19+$0x0] =	vst.idx.add.f32.msk $0xffff, v2  }
0x225: {  	s24 =	simm.s32 $0x0;
	[tilespmem:v3+s19+$0x0] =	vst.idx.add.f32.msk $0xffff, v2  }
0x226: {  	[tilespmem:s17], [sflag:$0x2] =	stream.linear.gather [hbm4b:s12+s24], $0x8000, $0x38;
	[tilespmem:$0x10200] =	vst v63  }
0x227: {  	_ =	swait.ge [sflag:s18], $0x8000  }
0x228: {  	s25 =	sand.u32 $0x7C00, s24;
	s24 =	sand.u32 $0x380, s24;
	[sflag:s18] =	ssyncset.done $0x0  }
0x229: {  	s24 =	sor.u32 s24, s25;
	[sflag:s18] =	ssyncadd.s32 $0xFFFF8000  }
0x22a: {  	v3 =	vld [tilespmem:s24+$0x70]  }
0x22b: {  	v4 =	vld [tilespmem:s24+$0x0]  }
0x22c: {  	v5 =	vld [tilespmem:s24+$0x10]  }
0x22d: {  	v6 =	vld [tilespmem:s24+$0x20]  }
0x22e: {  	v7 =	vld [tilespmem:s24+$0x30]  }
0x22f: {  	v8 =	vld [tilespmem:s24+$0x40]  }
0x230: {  	v9 =	vld [tilespmem:s24+$0x50]  }
0x231: {  	v10 =	vld [tilespmem:s24+$0x60];
	v3 =	vmul.f32 $3.200000000e+02, v3  }
0x232: {  	v4 =	vmul.f32 $3.200000000e+02, v4;
	v5 =	vmul.f32 $3.200000000e+02, v5  }
0x233: {  	v6 =	vmul.f32 $3.200000000e+02, v6;
	v7 =	vmul.f32 $3.200000000e+02, v7  }
0x234: {  	s30 =	simm.s32 $0x400;
	s31 =	simm.s32 $0x4;
	v8 =	vmul.f32 $3.200000000e+02, v8;
	v3 =	vtrunc.f32 v3  }
0x235: {  	s25 =	sand.u32 $0x380, s31;
	s24 =	sand.u32 $0x7C00, s30;
	v9 =	vmul.f32 $3.200000000e+02, v9;
	v3 =	vcvt.f32.s32 v3  }
0x236: {  	s24 =	sor.u32 s25, s24;
	v10 =	vmul.f32 $3.200000000e+02, v10;
	v4 =	vtrunc.f32 v4  }
0x237: {  	v11 =	vld [tilespmem:s24+$0x70];
	v5 =	vtrunc.f32 v5;
	v6 =	vtrunc.f32 v6;
	v3 =	vand.u32 $0xFFFFFFF0, v3  }
0x238: {  	v7 =	vtrunc.f32 v7;
	v8 =	vtrunc.f32 v8;
	v3 =	vor.u32 v1, v3  }
0x239: {  	v12 =	vld [tilespmem:s24+$0x10];
	v9 =	vtrunc.f32 v9;
	v6 =	vcvt.f32.s32 v6  }
0x23a: {  	v13 =	vld [tilespmem:s24+$0x20];
	v4 =	vcvt.f32.s32 v4;
	v5 =	vcvt.f32.s32 v5  }
0x23b: {  	v14 =	vld [tilespmem:s24+$0x30];
	v7 =	vcvt.f32.s32 v7;
	v8 =	vcvt.f32.s32 v8;
	v6 =	vand.u32 $0xFFFFFFF0, v6  }
0x23c: {  	v4 =	vand.u32 $0xFFFFFFF0, v4;
	v15 =	vor.u32 v1, v6;
	v6 =	vmul.f32 $3.200000000e+02, v11;
	v11 =	vld [tilespmem:s24+$0x50]  }
0x23d: {  	v9 =	vcvt.f32.s32 v9;
	v5 =	vand.u32 $0xFFFFFFF0, v5;
	v4 =	vor.u32 v1, v4;
	[tilespmem:v3+s19+$0x0] =	vst.idx.add.f32.msk $0xffff, v2  }
0x23e: {  	v8 =	vand.u32 $0xFFFFFFF0, v8;
	v5 =	vor.u32 v1, v5;
	v3 =	vtrunc.f32 v10;
	v10 =	vld [tilespmem:s24+$0x0]  }
0x23f: {  	v7 =	vand.u32 $0xFFFFFFF0, v7;
	v18 =	vor.u32 v1, v8;
	v8 =	vmul.f32 $3.200000000e+02, v12;
	v12 =	vld [tilespmem:s24+$0x60]  }
0x240: {  	v16 =	vld [tilespmem:s24+$0x40];
	v17 =	vor.u32 v1, v7;
	v6 =	vtrunc.f32 v6;
	v3 =	vcvt.f32.s32 v3  }
0x241: {  	v13 =	vmul.f32 $3.200000000e+02, v13;
	v9 =	vand.u32 $0xFFFFFFF0, v9;
	v19 =	vcvt.f32.s32 v6  }
0x242: {  	[tilespmem:v4+s19+$0x0] =	vst.idx.add.f32.msk $0xffff, v2;
	v4 =	vor.u32 v1, v9;
	v9 =	vmul.f32 $3.200000000e+02, v14;
	v3 =	vand.u32 $0xFFFFFFF0, v3  }
0x243: {  	[tilespmem:v5+s19+$0x0] =	vst.idx.add.f32.msk $0xffff, v2;
	v11 =	vmul.f32 $3.200000000e+02, v11;
	v3 =	vor.u32 v1, v3;
	v7 =	vmul.f32 $3.200000000e+02, v10  }
0x244: {  	[tilespmem:v15+s19+$0x0] =	vst.idx.add.f32.msk $0xffff, v2;
	v5 =	vand.u32 $0xFFFFFFF0, v19;
	v12 =	vmul.f32 $3.200000000e+02, v12;
	v9 =	vtrunc.f32 v9  }
0x245: {  	[tilespmem:v17+s19+$0x0] =	vst.idx.add.f32.msk $0xffff, v2;
	v5 =	vor.u32 v1, v5;
	v10 =	vmul.f32 $3.200000000e+02, v16;
	v6 =	vtrunc.f32 v7  }
0x246: {  	s26 =	simm.s32 $0x8;
	s25 =	simm.s32 $0x800;
	s24 =	simm.s32 $0x8;
	[tilespmem:v18+s19+$0x0] =	vst.idx.add.f32.msk $0xffff, v2;
	v7 =	vtrunc.f32 v8;
	v8 =	vtrunc.f32 v13  }
.LBB2_18:
0x247: {  	s28 =	sand.u32 $0x7C00, s25;
	s29 =	sand.u32 $0x380, s26;
	v10 =	vtrunc.f32 v10;
	v11 =	vtrunc.f32 v11;
	[tilespmem:v4+s19+$0x0] =	vst.idx.add.f32.msk $0xffff, v2  }
0x248: {  	s24 =	sadd.s32 $0x8, s24;
	v4 =	vcvt.f32.s32 v6;
	s28 =	sor.u32 s29, s28;
	v6 =	vtrunc.f32 v12;
	[tilespmem:v3+s19+$0x0] =	vst.idx.add.f32.msk $0xffff, v2  }
0x249: {  	v7 =	vcvt.f32.s32 v7;
	v8 =	vcvt.f32.s32 v8;
	p0 =	slt.u32 s24, $0x7F8;
	v3 =	vld [tilespmem:s28+$0x70]  }
0x24a: {  	v9 =	vcvt.f32.s32 v9;
	v10 =	vcvt.f32.s32 v10;
	v4 =	vand.u32 $0xFFFFFFF0, v4;
	[tilespmem:v5+s19+$0x0] =	vst.idx.add.f32.msk $0xffff, v2  }
0x24b: {  	v11 =	vcvt.f32.s32 v11;
	v7 =	vand.u32 $0xFFFFFFF0, v7;
	v6 =	vcvt.f32.s32 v6;
	v5 =	vld [tilespmem:s28+$0x0]  }
0x24c: {  	v8 =	vand.u32 $0xFFFFFFF0, v8;
	v9 =	vand.u32 $0xFFFFFFF0, v9;
	v10 =	vand.u32 $0xFFFFFFF0, v10;
	v12 =	vld [tilespmem:s28+$0x10]  }
0x24d: {  	v14 =	vor.u32 v1, v4;
	v4 =	vand.u32 $0xFFFFFFF0, v11;
	v6 =	vand.u32 $0xFFFFFFF0, v6;
	v13 =	vld [tilespmem:s28+$0x20]  }
0x24e: {  	v7 =	vor.u32 v1, v7;
	v8 =	vor.u32 v1, v8;
	v9 =	vor.u32 v1, v9;
	v11 =	vld [tilespmem:s28+$0x30]  }
0x24f: {  	v17 =	vor.u32 v1, v10;
	v4 =	vor.u32 v1, v4;
	v16 =	vmul.f32 $3.200000000e+02, v3;
	v15 =	vld [tilespmem:s28+$0x40]  }
0x250: {  	v3 =	vor.u32 v1, v6;
	v5 =	vmul.f32 $3.200000000e+02, v5;
	v18 =	vld [tilespmem:s28+$0x50]  }
0x251: {  	v6 =	vtrunc.f32 v16;
	v10 =	vmul.f32 $3.200000000e+02, v12;
	v12 =	vld [tilespmem:s28+$0x60]  }
.Ltmp8:
0x252: {  	v16 =	vcvt.f32.s32 v6;
	v13 =	vmul.f32 $3.200000000e+02, v13;
	[tilespmem:v14+s19+$0x0] =	vst.idx.add.f32.msk $0xffff, v2;
	(pc) =	sbr.rel @p0 .LBB2_18-.Ltmp8, $4  }
0x253: {  	v6 =	vtrunc.f32 v5;
	v14 =	vmul.f32 $3.200000000e+02, v11;
	[tilespmem:v7+s19+$0x0] =	vst.idx.add.f32.msk $0xffff, v2  }
0x254: {  	v7 =	vtrunc.f32 v10;
	v5 =	vand.u32 $0xFFFFFFF0, v16;
	v10 =	vmul.f32 $3.200000000e+02, v15;
	[tilespmem:v8+s19+$0x0] =	vst.idx.add.f32.msk $0xffff, v2  }
0x255: {  	v8 =	vtrunc.f32 v13;
	v5 =	vor.u32 v1, v5;
	v11 =	vmul.f32 $3.200000000e+02, v18;
	[tilespmem:v9+s19+$0x0] =	vst.idx.add.f32.msk $0xffff, v2  }
0x256: {  	s25 =	sadd.s32 $0x400, s25;
	s26 =	sadd.s32 $0x4, s26;
	v9 =	vtrunc.f32 v14;
	v12 =	vmul.f32 $3.200000000e+02, v12;
	[tilespmem:v17+s19+$0x0] =	vst.idx.add.f32.msk $0xffff, v2  }
0x257: {  	v10 =	vtrunc.f32 v10;
	v6 =	vcvt.f32.s32 v6  }
0x258: {  	v11 =	vtrunc.f32 v11;
	v7 =	vcvt.f32.s32 v7  }
0x259: {  	v8 =	vcvt.f32.s32 v8;
	v9 =	vcvt.f32.s32 v9;
	v6 =	vand.u32 $0xFFFFFFF0, v6  }
0x25a: {  	v12 =	vtrunc.f32 v12;
	v7 =	vand.u32 $0xFFFFFFF0, v7;
	v6 =	vor.u32 v1, v6  }
0x25b: {  	v10 =	vcvt.f32.s32 v10;
	v8 =	vand.u32 $0xFFFFFFF0, v8;
	v7 =	vor.u32 v1, v7  }
0x25c: {  	[tilespmem:v4+s19+$0x0] =	vst.idx.add.f32.msk $0xffff, v2;
	v4 =	vcvt.f32.s32 v11;
	v9 =	vand.u32 $0xFFFFFFF0, v9;
	v8 =	vor.u32 v1, v8  }
0x25d: {  	[tilespmem:v3+s19+$0x0] =	vst.idx.add.f32.msk $0xffff, v2;
	v3 =	vcvt.f32.s32 v12;
	v10 =	vand.u32 $0xFFFFFFF0, v10;
	v9 =	vor.u32 v1, v9  }
0x25e: {  	[tilespmem:v5+s19+$0x0] =	vst.idx.add.f32.msk $0xffff, v2;
	v4 =	vand.u32 $0xFFFFFFF0, v4;
	v5 =	vor.u32 v1, v10  }
0x25f: {  	v3 =	vand.u32 $0xFFFFFFF0, v3;
	v4 =	vor.u32 v1, v4;
	[tilespmem:v6+s19+$0x0] =	vst.idx.add.f32.msk $0xffff, v2  }
0x260: {  	v3 =	vor.u32 v1, v3;
	[tilespmem:v7+s19+$0x0] =	vst.idx.add.f32.msk $0xffff, v2  }
0x261: {  	[tilespmem:v8+s19+$0x0] =	vst.idx.add.f32.msk $0xffff, v2  }
0x262: {  	[tilespmem:v9+s19+$0x0] =	vst.idx.add.f32.msk $0xffff, v2  }
0x263: {  	[tilespmem:v5+s19+$0x0] =	vst.idx.add.f32.msk $0xffff, v2  }
0x264: {  	[tilespmem:v4+s19+$0x0] =	vst.idx.add.f32.msk $0xffff, v2  }
0x265: {  	s24 =	simm.s32 $0x0;
	[tilespmem:v3+s19+$0x0] =	vst.idx.add.f32.msk $0xffff, v2  }
0x266: {  	[tilespmem:s24], [sflag:$0x1] =	stream.linear.gather [hbm4b:s13+s24], $0x8000, $0x38;
	[tilespmem:$0x10200] =	vst v63  }
0x267: {  	_ =	swait.ge [sflag:s20], $0x8000  }
0x268: {  	s25 =	sand.u32 $0x7C00, s24;
	s24 =	sand.u32 $0x380, s24;
	[sflag:s20] =	ssyncset.done $0x0  }
0x269: {  	s24 =	sor.u32 s24, s25;
	[sflag:s20] =	ssyncadd.s32 $0xFFFF8000  }
0x26a: {  	v3 =	vld [tilespmem:s24+$0x8070]  }
0x26b: {  	v4 =	vld [tilespmem:s24+$0x8000]  }
0x26c: {  	v5 =	vld [tilespmem:s24+$0x8010]  }
0x26d: {  	v6 =	vld [tilespmem:s24+$0x8020]  }
0x26e: {  	v7 =	vld [tilespmem:s24+$0x8030]  }
0x26f: {  	v8 =	vld [tilespmem:s24+$0x8040]  }
0x270: {  	v9 =	vld [tilespmem:s24+$0x8050]  }
0x271: {  	v10 =	vld [tilespmem:s24+$0x8060];
	v3 =	vmul.f32 $3.200000000e+02, v3  }
0x272: {  	v4 =	vmul.f32 $3.200000000e+02, v4;
	v5 =	vmul.f32 $3.200000000e+02, v5  }
0x273: {  	v6 =	vmul.f32 $3.200000000e+02, v6;
	v7 =	vmul.f32 $3.200000000e+02, v7  }
0x274: {  	s30 =	simm.s32 $0x400;
	s31 =	simm.s32 $0x4;
	v8 =	vmul.f32 $3.200000000e+02, v8;
	v3 =	vtrunc.f32 v3  }
0x275: {  	s25 =	sand.u32 $0x380, s31;
	s24 =	sand.u32 $0x7C00, s30;
	v9 =	vmul.f32 $3.200000000e+02, v9;
	v3 =	vcvt.f32.s32 v3  }
0x276: {  	s24 =	sor.u32 s25, s24;
	v10 =	vmul.f32 $3.200000000e+02, v10;
	v4 =	vtrunc.f32 v4  }
0x277: {  	v11 =	vld [tilespmem:s24+$0x8070];
	v5 =	vtrunc.f32 v5;
	v6 =	vtrunc.f32 v6;
	v3 =	vand.u32 $0xFFFFFFF0, v3  }
0x278: {  	v7 =	vtrunc.f32 v7;
	v8 =	vtrunc.f32 v8;
	v3 =	vor.u32 v1, v3  }
0x279: {  	v12 =	vld [tilespmem:s24+$0x8010];
	v9 =	vtrunc.f32 v9;
	v6 =	vcvt.f32.s32 v6  }
0x27a: {  	v13 =	vld [tilespmem:s24+$0x8020];
	v4 =	vcvt.f32.s32 v4;
	v5 =	vcvt.f32.s32 v5  }
0x27b: {  	v14 =	vld [tilespmem:s24+$0x8030];
	v7 =	vcvt.f32.s32 v7;
	v8 =	vcvt.f32.s32 v8;
	v6 =	vand.u32 $0xFFFFFFF0, v6  }
0x27c: {  	v4 =	vand.u32 $0xFFFFFFF0, v4;
	v15 =	vor.u32 v1, v6;
	v6 =	vmul.f32 $3.200000000e+02, v11;
	v11 =	vld [tilespmem:s24+$0x8050]  }
0x27d: {  	v9 =	vcvt.f32.s32 v9;
	v5 =	vand.u32 $0xFFFFFFF0, v5;
	v4 =	vor.u32 v1, v4;
	[tilespmem:v3+s19+$0x0] =	vst.idx.add.f32.msk $0xffff, v2  }
0x27e: {  	v8 =	vand.u32 $0xFFFFFFF0, v8;
	v5 =	vor.u32 v1, v5;
	v3 =	vtrunc.f32 v10;
	v10 =	vld [tilespmem:s24+$0x8000]  }
0x27f: {  	v7 =	vand.u32 $0xFFFFFFF0, v7;
	v18 =	vor.u32 v1, v8;
	v8 =	vmul.f32 $3.200000000e+02, v12;
	v12 =	vld [tilespmem:s24+$0x8060]  }
0x280: {  	v16 =	vld [tilespmem:s24+$0x8040];
	v17 =	vor.u32 v1, v7;
	v6 =	vtrunc.f32 v6;
	v3 =	vcvt.f32.s32 v3  }
0x281: {  	v13 =	vmul.f32 $3.200000000e+02, v13;
	v9 =	vand.u32 $0xFFFFFFF0, v9;
	v19 =	vcvt.f32.s32 v6  }
0x282: {  	[tilespmem:v4+s19+$0x0] =	vst.idx.add.f32.msk $0xffff, v2;
	v4 =	vor.u32 v1, v9;
	v9 =	vmul.f32 $3.200000000e+02, v14;
	v3 =	vand.u32 $0xFFFFFFF0, v3  }
0x283: {  	[tilespmem:v5+s19+$0x0] =	vst.idx.add.f32.msk $0xffff, v2;
	v11 =	vmul.f32 $3.200000000e+02, v11;
	v3 =	vor.u32 v1, v3;
	v7 =	vmul.f32 $3.200000000e+02, v10  }
0x284: {  	[tilespmem:v15+s19+$0x0] =	vst.idx.add.f32.msk $0xffff, v2;
	v5 =	vand.u32 $0xFFFFFFF0, v19;
	v12 =	vmul.f32 $3.200000000e+02, v12;
	v9 =	vtrunc.f32 v9  }
0x285: {  	[tilespmem:v17+s19+$0x0] =	vst.idx.add.f32.msk $0xffff, v2;
	v5 =	vor.u32 v1, v5;
	v10 =	vmul.f32 $3.200000000e+02, v16;
	v6 =	vtrunc.f32 v7  }
0x286: {  	s26 =	simm.s32 $0x8;
	s25 =	simm.s32 $0x800;
	s24 =	simm.s32 $0x8;
	[tilespmem:v18+s19+$0x0] =	vst.idx.add.f32.msk $0xffff, v2;
	v7 =	vtrunc.f32 v8;
	v8 =	vtrunc.f32 v13  }
.LBB2_20:
0x287: {  	s28 =	sand.u32 $0x7C00, s25;
	s29 =	sand.u32 $0x380, s26;
	v10 =	vtrunc.f32 v10;
	v11 =	vtrunc.f32 v11;
	[tilespmem:v4+s19+$0x0] =	vst.idx.add.f32.msk $0xffff, v2  }
0x288: {  	s24 =	sadd.s32 $0x8, s24;
	v4 =	vcvt.f32.s32 v6;
	s28 =	sor.u32 s29, s28;
	v6 =	vtrunc.f32 v12;
	[tilespmem:v3+s19+$0x0] =	vst.idx.add.f32.msk $0xffff, v2  }
0x289: {  	v7 =	vcvt.f32.s32 v7;
	v8 =	vcvt.f32.s32 v8;
	p0 =	slt.u32 s24, $0x7F8;
	v3 =	vld [tilespmem:s28+$0x8070]  }
0x28a: {  	v9 =	vcvt.f32.s32 v9;
	v10 =	vcvt.f32.s32 v10;
	v4 =	vand.u32 $0xFFFFFFF0, v4;
	[tilespmem:v5+s19+$0x0] =	vst.idx.add.f32.msk $0xffff, v2  }
0x28b: {  	v11 =	vcvt.f32.s32 v11;
	v7 =	vand.u32 $0xFFFFFFF0, v7;
	v6 =	vcvt.f32.s32 v6;
	v5 =	vld [tilespmem:s28+$0x8000]  }
0x28c: {  	v8 =	vand.u32 $0xFFFFFFF0, v8;
	v9 =	vand.u32 $0xFFFFFFF0, v9;
	v10 =	vand.u32 $0xFFFFFFF0, v10;
	v12 =	vld [tilespmem:s28+$0x8010]  }
0x28d: {  	v14 =	vor.u32 v1, v4;
	v4 =	vand.u32 $0xFFFFFFF0, v11;
	v6 =	vand.u32 $0xFFFFFFF0, v6;
	v13 =	vld [tilespmem:s28+$0x8020]  }
0x28e: {  	v7 =	vor.u32 v1, v7;
	v8 =	vor.u32 v1, v8;
	v9 =	vor.u32 v1, v9;
	v11 =	vld [tilespmem:s28+$0x8030]  }
0x28f: {  	v17 =	vor.u32 v1, v10;
	v4 =	vor.u32 v1, v4;
	v16 =	vmul.f32 $3.200000000e+02, v3;
	v15 =	vld [tilespmem:s28+$0x8040]  }
0x290: {  	v3 =	vor.u32 v1, v6;
	v5 =	vmul.f32 $3.200000000e+02, v5;
	v18 =	vld [tilespmem:s28+$0x8050]  }
0x291: {  	v6 =	vtrunc.f32 v16;
	v10 =	vmul.f32 $3.200000000e+02, v12;
	v12 =	vld [tilespmem:s28+$0x8060]  }
.Ltmp9:
0x292: {  	v16 =	vcvt.f32.s32 v6;
	v13 =	vmul.f32 $3.200000000e+02, v13;
	[tilespmem:v14+s19+$0x0] =	vst.idx.add.f32.msk $0xffff, v2;
	(pc) =	sbr.rel @p0 .LBB2_20-.Ltmp9, $4  }
0x293: {  	v6 =	vtrunc.f32 v5;
	v14 =	vmul.f32 $3.200000000e+02, v11;
	[tilespmem:v7+s19+$0x0] =	vst.idx.add.f32.msk $0xffff, v2  }
0x294: {  	v7 =	vtrunc.f32 v10;
	v5 =	vand.u32 $0xFFFFFFF0, v16;
	v10 =	vmul.f32 $3.200000000e+02, v15;
	[tilespmem:v8+s19+$0x0] =	vst.idx.add.f32.msk $0xffff, v2  }
0x295: {  	v8 =	vtrunc.f32 v13;
	v5 =	vor.u32 v1, v5;
	v11 =	vmul.f32 $3.200000000e+02, v18;
	[tilespmem:v9+s19+$0x0] =	vst.idx.add.f32.msk $0xffff, v2  }
0x296: {  	s25 =	sadd.s32 $0x400, s25;
	s26 =	sadd.s32 $0x4, s26;
	v9 =	vtrunc.f32 v14;
	v12 =	vmul.f32 $3.200000000e+02, v12;
	[tilespmem:v17+s19+$0x0] =	vst.idx.add.f32.msk $0xffff, v2  }
0x297: {  	v10 =	vtrunc.f32 v10;
	v6 =	vcvt.f32.s32 v6  }
0x298: {  	v11 =	vtrunc.f32 v11;
	v7 =	vcvt.f32.s32 v7  }
0x299: {  	v8 =	vcvt.f32.s32 v8;
	v9 =	vcvt.f32.s32 v9;
	v6 =	vand.u32 $0xFFFFFFF0, v6  }
0x29a: {  	v12 =	vtrunc.f32 v12;
	v7 =	vand.u32 $0xFFFFFFF0, v7;
	v6 =	vor.u32 v1, v6  }
0x29b: {  	v10 =	vcvt.f32.s32 v10;
	v8 =	vand.u32 $0xFFFFFFF0, v8;
	v7 =	vor.u32 v1, v7  }
0x29c: {  	[tilespmem:v4+s19+$0x0] =	vst.idx.add.f32.msk $0xffff, v2;
	v4 =	vcvt.f32.s32 v11;
	v9 =	vand.u32 $0xFFFFFFF0, v9;
	v8 =	vor.u32 v1, v8  }
0x29d: {  	[tilespmem:v3+s19+$0x0] =	vst.idx.add.f32.msk $0xffff, v2;
	v3 =	vcvt.f32.s32 v12;
	v10 =	vand.u32 $0xFFFFFFF0, v10;
	v9 =	vor.u32 v1, v9  }
0x29e: {  	[tilespmem:v5+s19+$0x0] =	vst.idx.add.f32.msk $0xffff, v2;
	v4 =	vand.u32 $0xFFFFFFF0, v4;
	v5 =	vor.u32 v1, v10  }
0x29f: {  	v3 =	vand.u32 $0xFFFFFFF0, v3;
	v4 =	vor.u32 v1, v4;
	[tilespmem:v6+s19+$0x0] =	vst.idx.add.f32.msk $0xffff, v2  }
0x2a0: {  	v3 =	vor.u32 v1, v3;
	[tilespmem:v7+s19+$0x0] =	vst.idx.add.f32.msk $0xffff, v2  }
0x2a1: {  	[tilespmem:v8+s19+$0x0] =	vst.idx.add.f32.msk $0xffff, v2  }
0x2a2: {  	[tilespmem:v9+s19+$0x0] =	vst.idx.add.f32.msk $0xffff, v2  }
0x2a3: {  	[tilespmem:v5+s19+$0x0] =	vst.idx.add.f32.msk $0xffff, v2  }
0x2a4: {  	[tilespmem:v4+s19+$0x0] =	vst.idx.add.f32.msk $0xffff, v2  }
0x2a5: {  	s24 =	simm.s32 $0x0;
	[tilespmem:v3+s19+$0x0] =	vst.idx.add.f32.msk $0xffff, v2  }
0x2a6: {  	[tilespmem:s17], [sflag:$0x2] =	stream.linear.gather [hbm4b:s14+s24], $0x8000, $0x38;
	[tilespmem:$0x10200] =	vst v63  }
0x2a7: {  	_ =	swait.ge [sflag:s18], $0x8000  }
0x2a8: {  	s25 =	sand.u32 $0x7C00, s24;
	s24 =	sand.u32 $0x380, s24;
	[sflag:s18] =	ssyncset.done $0x0  }
0x2a9: {  	s24 =	sor.u32 s24, s25;
	[sflag:s18] =	ssyncadd.s32 $0xFFFF8000  }
0x2aa: {  	v3 =	vld [tilespmem:s24+$0x70]  }
0x2ab: {  	v4 =	vld [tilespmem:s24+$0x0]  }
0x2ac: {  	v5 =	vld [tilespmem:s24+$0x10]  }
0x2ad: {  	v6 =	vld [tilespmem:s24+$0x20]  }
0x2ae: {  	v7 =	vld [tilespmem:s24+$0x30]  }
0x2af: {  	v8 =	vld [tilespmem:s24+$0x40]  }
0x2b0: {  	v9 =	vld [tilespmem:s24+$0x50]  }
0x2b1: {  	v10 =	vld [tilespmem:s24+$0x60];
	v3 =	vmul.f32 $3.200000000e+02, v3  }
0x2b2: {  	v4 =	vmul.f32 $3.200000000e+02, v4;
	v5 =	vmul.f32 $3.200000000e+02, v5  }
0x2b3: {  	v6 =	vmul.f32 $3.200000000e+02, v6;
	v7 =	vmul.f32 $3.200000000e+02, v7  }
0x2b4: {  	s30 =	simm.s32 $0x400;
	s31 =	simm.s32 $0x4;
	v8 =	vmul.f32 $3.200000000e+02, v8;
	v3 =	vtrunc.f32 v3  }
0x2b5: {  	s25 =	sand.u32 $0x380, s31;
	s24 =	sand.u32 $0x7C00, s30;
	v9 =	vmul.f32 $3.200000000e+02, v9;
	v3 =	vcvt.f32.s32 v3  }
0x2b6: {  	s24 =	sor.u32 s25, s24;
	v10 =	vmul.f32 $3.200000000e+02, v10;
	v4 =	vtrunc.f32 v4  }
0x2b7: {  	v11 =	vld [tilespmem:s24+$0x70];
	v5 =	vtrunc.f32 v5;
	v6 =	vtrunc.f32 v6;
	v3 =	vand.u32 $0xFFFFFFF0, v3  }
0x2b8: {  	v7 =	vtrunc.f32 v7;
	v8 =	vtrunc.f32 v8;
	v3 =	vor.u32 v1, v3  }
0x2b9: {  	v12 =	vld [tilespmem:s24+$0x10];
	v9 =	vtrunc.f32 v9;
	v6 =	vcvt.f32.s32 v6  }
0x2ba: {  	v13 =	vld [tilespmem:s24+$0x20];
	v4 =	vcvt.f32.s32 v4;
	v5 =	vcvt.f32.s32 v5  }
0x2bb: {  	v14 =	vld [tilespmem:s24+$0x30];
	v7 =	vcvt.f32.s32 v7;
	v8 =	vcvt.f32.s32 v8;
	v6 =	vand.u32 $0xFFFFFFF0, v6  }
0x2bc: {  	v4 =	vand.u32 $0xFFFFFFF0, v4;
	v15 =	vor.u32 v1, v6;
	v6 =	vmul.f32 $3.200000000e+02, v11;
	v11 =	vld [tilespmem:s24+$0x50]  }
0x2bd: {  	v9 =	vcvt.f32.s32 v9;
	v5 =	vand.u32 $0xFFFFFFF0, v5;
	v4 =	vor.u32 v1, v4;
	[tilespmem:v3+s19+$0x0] =	vst.idx.add.f32.msk $0xffff, v2  }
0x2be: {  	v8 =	vand.u32 $0xFFFFFFF0, v8;
	v5 =	vor.u32 v1, v5;
	v3 =	vtrunc.f32 v10;
	v10 =	vld [tilespmem:s24+$0x0]  }
0x2bf: {  	v7 =	vand.u32 $0xFFFFFFF0, v7;
	v18 =	vor.u32 v1, v8;
	v8 =	vmul.f32 $3.200000000e+02, v12;
	v12 =	vld [tilespmem:s24+$0x60]  }
0x2c0: {  	v16 =	vld [tilespmem:s24+$0x40];
	v17 =	vor.u32 v1, v7;
	v6 =	vtrunc.f32 v6;
	v3 =	vcvt.f32.s32 v3  }
0x2c1: {  	v13 =	vmul.f32 $3.200000000e+02, v13;
	v9 =	vand.u32 $0xFFFFFFF0, v9;
	v19 =	vcvt.f32.s32 v6  }
0x2c2: {  	[tilespmem:v4+s19+$0x0] =	vst.idx.add.f32.msk $0xffff, v2;
	v4 =	vor.u32 v1, v9;
	v9 =	vmul.f32 $3.200000000e+02, v14;
	v3 =	vand.u32 $0xFFFFFFF0, v3  }
0x2c3: {  	[tilespmem:v5+s19+$0x0] =	vst.idx.add.f32.msk $0xffff, v2;
	v11 =	vmul.f32 $3.200000000e+02, v11;
	v3 =	vor.u32 v1, v3;
	v7 =	vmul.f32 $3.200000000e+02, v10  }
0x2c4: {  	[tilespmem:v15+s19+$0x0] =	vst.idx.add.f32.msk $0xffff, v2;
	v5 =	vand.u32 $0xFFFFFFF0, v19;
	v12 =	vmul.f32 $3.200000000e+02, v12;
	v9 =	vtrunc.f32 v9  }
0x2c5: {  	[tilespmem:v17+s19+$0x0] =	vst.idx.add.f32.msk $0xffff, v2;
	v5 =	vor.u32 v1, v5;
	v10 =	vmul.f32 $3.200000000e+02, v16;
	v6 =	vtrunc.f32 v7  }
0x2c6: {  	s26 =	simm.s32 $0x8;
	s25 =	simm.s32 $0x800;
	s24 =	simm.s32 $0x8;
	[tilespmem:v18+s19+$0x0] =	vst.idx.add.f32.msk $0xffff, v2;
	v7 =	vtrunc.f32 v8;
	v8 =	vtrunc.f32 v13  }
.LBB2_22:
0x2c7: {  	s28 =	sand.u32 $0x7C00, s25;
	s29 =	sand.u32 $0x380, s26;
	v10 =	vtrunc.f32 v10;
	v11 =	vtrunc.f32 v11;
	[tilespmem:v4+s19+$0x0] =	vst.idx.add.f32.msk $0xffff, v2  }
0x2c8: {  	s24 =	sadd.s32 $0x8, s24;
	v4 =	vcvt.f32.s32 v6;
	s28 =	sor.u32 s29, s28;
	v6 =	vtrunc.f32 v12;
	[tilespmem:v3+s19+$0x0] =	vst.idx.add.f32.msk $0xffff, v2  }
0x2c9: {  	v7 =	vcvt.f32.s32 v7;
	v8 =	vcvt.f32.s32 v8;
	p0 =	slt.u32 s24, $0x7F8;
	v3 =	vld [tilespmem:s28+$0x70]  }
0x2ca: {  	v9 =	vcvt.f32.s32 v9;
	v10 =	vcvt.f32.s32 v10;
	v4 =	vand.u32 $0xFFFFFFF0, v4;
	[tilespmem:v5+s19+$0x0] =	vst.idx.add.f32.msk $0xffff, v2  }
0x2cb: {  	v11 =	vcvt.f32.s32 v11;
	v7 =	vand.u32 $0xFFFFFFF0, v7;
	v6 =	vcvt.f32.s32 v6;
	v5 =	vld [tilespmem:s28+$0x0]  }
0x2cc: {  	v8 =	vand.u32 $0xFFFFFFF0, v8;
	v9 =	vand.u32 $0xFFFFFFF0, v9;
	v10 =	vand.u32 $0xFFFFFFF0, v10;
	v12 =	vld [tilespmem:s28+$0x10]  }
0x2cd: {  	v14 =	vor.u32 v1, v4;
	v4 =	vand.u32 $0xFFFFFFF0, v11;
	v6 =	vand.u32 $0xFFFFFFF0, v6;
	v13 =	vld [tilespmem:s28+$0x20]  }
0x2ce: {  	v7 =	vor.u32 v1, v7;
	v8 =	vor.u32 v1, v8;
	v9 =	vor.u32 v1, v9;
	v11 =	vld [tilespmem:s28+$0x30]  }
0x2cf: {  	v17 =	vor.u32 v1, v10;
	v4 =	vor.u32 v1, v4;
	v16 =	vmul.f32 $3.200000000e+02, v3;
	v15 =	vld [tilespmem:s28+$0x40]  }
0x2d0: {  	v3 =	vor.u32 v1, v6;
	v5 =	vmul.f32 $3.200000000e+02, v5;
	v18 =	vld [tilespmem:s28+$0x50]  }
0x2d1: {  	v6 =	vtrunc.f32 v16;
	v10 =	vmul.f32 $3.200000000e+02, v12;
	v12 =	vld [tilespmem:s28+$0x60]  }
.Ltmp10:
0x2d2: {  	v16 =	vcvt.f32.s32 v6;
	v13 =	vmul.f32 $3.200000000e+02, v13;
	[tilespmem:v14+s19+$0x0] =	vst.idx.add.f32.msk $0xffff, v2;
	(pc) =	sbr.rel @p0 .LBB2_22-.Ltmp10, $4  }
0x2d3: {  	v6 =	vtrunc.f32 v5;
	v14 =	vmul.f32 $3.200000000e+02, v11;
	[tilespmem:v7+s19+$0x0] =	vst.idx.add.f32.msk $0xffff, v2  }
0x2d4: {  	v7 =	vtrunc.f32 v10;
	v5 =	vand.u32 $0xFFFFFFF0, v16;
	v10 =	vmul.f32 $3.200000000e+02, v15;
	[tilespmem:v8+s19+$0x0] =	vst.idx.add.f32.msk $0xffff, v2  }
0x2d5: {  	v8 =	vtrunc.f32 v13;
	v5 =	vor.u32 v1, v5;
	v11 =	vmul.f32 $3.200000000e+02, v18;
	[tilespmem:v9+s19+$0x0] =	vst.idx.add.f32.msk $0xffff, v2  }
0x2d6: {  	s25 =	sadd.s32 $0x400, s25;
	s26 =	sadd.s32 $0x4, s26;
	v9 =	vtrunc.f32 v14;
	v12 =	vmul.f32 $3.200000000e+02, v12;
	[tilespmem:v17+s19+$0x0] =	vst.idx.add.f32.msk $0xffff, v2  }
0x2d7: {  	v10 =	vtrunc.f32 v10;
	v6 =	vcvt.f32.s32 v6  }
0x2d8: {  	v11 =	vtrunc.f32 v11;
	v7 =	vcvt.f32.s32 v7  }
0x2d9: {  	v8 =	vcvt.f32.s32 v8;
	v9 =	vcvt.f32.s32 v9;
	v6 =	vand.u32 $0xFFFFFFF0, v6  }
0x2da: {  	v12 =	vtrunc.f32 v12;
	v7 =	vand.u32 $0xFFFFFFF0, v7;
	v6 =	vor.u32 v1, v6  }
0x2db: {  	v10 =	vcvt.f32.s32 v10;
	v8 =	vand.u32 $0xFFFFFFF0, v8;
	v7 =	vor.u32 v1, v7  }
0x2dc: {  	[tilespmem:v4+s19+$0x0] =	vst.idx.add.f32.msk $0xffff, v2;
	v4 =	vcvt.f32.s32 v11;
	v9 =	vand.u32 $0xFFFFFFF0, v9;
	v8 =	vor.u32 v1, v8  }
0x2dd: {  	[tilespmem:v3+s19+$0x0] =	vst.idx.add.f32.msk $0xffff, v2;
	v3 =	vcvt.f32.s32 v12;
	v10 =	vand.u32 $0xFFFFFFF0, v10;
	v9 =	vor.u32 v1, v9  }
0x2de: {  	[tilespmem:v5+s19+$0x0] =	vst.idx.add.f32.msk $0xffff, v2;
	v4 =	vand.u32 $0xFFFFFFF0, v4;
	v5 =	vor.u32 v1, v10  }
0x2df: {  	v3 =	vand.u32 $0xFFFFFFF0, v3;
	v4 =	vor.u32 v1, v4;
	[tilespmem:v6+s19+$0x0] =	vst.idx.add.f32.msk $0xffff, v2  }
0x2e0: {  	v3 =	vor.u32 v1, v3;
	[tilespmem:v7+s19+$0x0] =	vst.idx.add.f32.msk $0xffff, v2  }
0x2e1: {  	[tilespmem:v8+s19+$0x0] =	vst.idx.add.f32.msk $0xffff, v2  }
0x2e2: {  	[tilespmem:v9+s19+$0x0] =	vst.idx.add.f32.msk $0xffff, v2  }
0x2e3: {  	[tilespmem:v5+s19+$0x0] =	vst.idx.add.f32.msk $0xffff, v2  }
0x2e4: {  	[tilespmem:v4+s19+$0x0] =	vst.idx.add.f32.msk $0xffff, v2  }
0x2e5: {  	[tilespmem:v3+s19+$0x0] =	vst.idx.add.f32.msk $0xffff, v2  }
0x2e6: {  	s24 =	simm.s32 $0x0;
	_ =	swait.ge [sflag:s20], $0x8000  }
0x2e7: {  	s25 =	sand.u32 $0x7C00, s24;
	s24 =	sand.u32 $0x380, s24;
	[sflag:s20] =	ssyncset.done $0x0  }
0x2e8: {  	s24 =	sor.u32 s24, s25;
	[sflag:s20] =	ssyncadd.s32 $0xFFFF8000  }
0x2e9: {  	v3 =	vld [tilespmem:s24+$0x8070]  }
0x2ea: {  	v4 =	vld [tilespmem:s24+$0x8000]  }
0x2eb: {  	v5 =	vld [tilespmem:s24+$0x8010]  }
0x2ec: {  	v6 =	vld [tilespmem:s24+$0x8020]  }
0x2ed: {  	v7 =	vld [tilespmem:s24+$0x8030]  }
0x2ee: {  	v8 =	vld [tilespmem:s24+$0x8040]  }
0x2ef: {  	v9 =	vld [tilespmem:s24+$0x8050]  }
0x2f0: {  	v10 =	vld [tilespmem:s24+$0x8060];
	v3 =	vmul.f32 $3.200000000e+02, v3  }
0x2f1: {  	v4 =	vmul.f32 $3.200000000e+02, v4;
	v5 =	vmul.f32 $3.200000000e+02, v5  }
0x2f2: {  	v6 =	vmul.f32 $3.200000000e+02, v6;
	v7 =	vmul.f32 $3.200000000e+02, v7  }
0x2f3: {  	s30 =	simm.s32 $0x400;
	s31 =	simm.s32 $0x4;
	v8 =	vmul.f32 $3.200000000e+02, v8;
	v3 =	vtrunc.f32 v3  }
0x2f4: {  	s25 =	sand.u32 $0x380, s31;
	s24 =	sand.u32 $0x7C00, s30;
	v9 =	vmul.f32 $3.200000000e+02, v9;
	v3 =	vcvt.f32.s32 v3  }
0x2f5: {  	s24 =	sor.u32 s25, s24;
	v10 =	vmul.f32 $3.200000000e+02, v10;
	v4 =	vtrunc.f32 v4  }
0x2f6: {  	v11 =	vld [tilespmem:s24+$0x8070];
	v5 =	vtrunc.f32 v5;
	v6 =	vtrunc.f32 v6;
	v3 =	vand.u32 $0xFFFFFFF0, v3  }
0x2f7: {  	v7 =	vtrunc.f32 v7;
	v8 =	vtrunc.f32 v8;
	v3 =	vor.u32 v1, v3  }
0x2f8: {  	v12 =	vld [tilespmem:s24+$0x8010];
	v9 =	vtrunc.f32 v9;
	v6 =	vcvt.f32.s32 v6  }
0x2f9: {  	v13 =	vld [tilespmem:s24+$0x8020];
	v4 =	vcvt.f32.s32 v4;
	v5 =	vcvt.f32.s32 v5  }
0x2fa: {  	v14 =	vld [tilespmem:s24+$0x8030];
	v7 =	vcvt.f32.s32 v7;
	v8 =	vcvt.f32.s32 v8;
	v6 =	vand.u32 $0xFFFFFFF0, v6  }
0x2fb: {  	v4 =	vand.u32 $0xFFFFFFF0, v4;
	v15 =	vor.u32 v1, v6;
	v6 =	vmul.f32 $3.200000000e+02, v11;
	v11 =	vld [tilespmem:s24+$0x8050]  }
0x2fc: {  	v9 =	vcvt.f32.s32 v9;
	v5 =	vand.u32 $0xFFFFFFF0, v5;
	v4 =	vor.u32 v1, v4;
	[tilespmem:v3+s19+$0x0] =	vst.idx.add.f32.msk $0xffff, v2  }
0x2fd: {  	v8 =	vand.u32 $0xFFFFFFF0, v8;
	v5 =	vor.u32 v1, v5;
	v3 =	vtrunc.f32 v10;
	v10 =	vld [tilespmem:s24+$0x8000]  }
0x2fe: {  	v7 =	vand.u32 $0xFFFFFFF0, v7;
	v18 =	vor.u32 v1, v8;
	v8 =	vmul.f32 $3.200000000e+02, v12;
	v12 =	vld [tilespmem:s24+$0x8060]  }
0x2ff: {  	v16 =	vld [tilespmem:s24+$0x8040];
	v17 =	vor.u32 v1, v7;
	v6 =	vtrunc.f32 v6;
	v3 =	vcvt.f32.s32 v3  }
0x300: {  	v13 =	vmul.f32 $3.200000000e+02, v13;
	v9 =	vand.u32 $0xFFFFFFF0, v9;
	v19 =	vcvt.f32.s32 v6  }
0x301: {  	[tilespmem:v4+s19+$0x0] =	vst.idx.add.f32.msk $0xffff, v2;
	v4 =	vor.u32 v1, v9;
	v9 =	vmul.f32 $3.200000000e+02, v14;
	v3 =	vand.u32 $0xFFFFFFF0, v3  }
0x302: {  	[tilespmem:v5+s19+$0x0] =	vst.idx.add.f32.msk $0xffff, v2;
	v11 =	vmul.f32 $3.200000000e+02, v11;
	v3 =	vor.u32 v1, v3;
	v7 =	vmul.f32 $3.200000000e+02, v10  }
0x303: {  	[tilespmem:v15+s19+$0x0] =	vst.idx.add.f32.msk $0xffff, v2;
	v5 =	vand.u32 $0xFFFFFFF0, v19;
	v12 =	vmul.f32 $3.200000000e+02, v12;
	v9 =	vtrunc.f32 v9  }
0x304: {  	[tilespmem:v17+s19+$0x0] =	vst.idx.add.f32.msk $0xffff, v2;
	v5 =	vor.u32 v1, v5;
	v10 =	vmul.f32 $3.200000000e+02, v16;
	v6 =	vtrunc.f32 v7  }
0x305: {  	s26 =	simm.s32 $0x8;
	s25 =	simm.s32 $0x800;
	s24 =	simm.s32 $0x8;
	[tilespmem:v18+s19+$0x0] =	vst.idx.add.f32.msk $0xffff, v2;
	v7 =	vtrunc.f32 v8;
	v8 =	vtrunc.f32 v13  }
.LBB2_24:
0x306: {  	s28 =	sand.u32 $0x7C00, s25;
	s29 =	sand.u32 $0x380, s26;
	v10 =	vtrunc.f32 v10;
	v11 =	vtrunc.f32 v11;
	[tilespmem:v4+s19+$0x0] =	vst.idx.add.f32.msk $0xffff, v2  }
0x307: {  	s24 =	sadd.s32 $0x8, s24;
	v4 =	vcvt.f32.s32 v6;
	s28 =	sor.u32 s29, s28;
	v6 =	vtrunc.f32 v12;
	[tilespmem:v3+s19+$0x0] =	vst.idx.add.f32.msk $0xffff, v2  }
0x308: {  	v7 =	vcvt.f32.s32 v7;
	v8 =	vcvt.f32.s32 v8;
	p0 =	slt.u32 s24, $0x7F8;
	v3 =	vld [tilespmem:s28+$0x8070]  }
0x309: {  	v9 =	vcvt.f32.s32 v9;
	v10 =	vcvt.f32.s32 v10;
	v4 =	vand.u32 $0xFFFFFFF0, v4;
	[tilespmem:v5+s19+$0x0] =	vst.idx.add.f32.msk $0xffff, v2  }
0x30a: {  	v11 =	vcvt.f32.s32 v11;
	v7 =	vand.u32 $0xFFFFFFF0, v7;
	v6 =	vcvt.f32.s32 v6;
	v5 =	vld [tilespmem:s28+$0x8000]  }
0x30b: {  	v8 =	vand.u32 $0xFFFFFFF0, v8;
	v9 =	vand.u32 $0xFFFFFFF0, v9;
	v10 =	vand.u32 $0xFFFFFFF0, v10;
	v12 =	vld [tilespmem:s28+$0x8010]  }
0x30c: {  	v14 =	vor.u32 v1, v4;
	v4 =	vand.u32 $0xFFFFFFF0, v11;
	v6 =	vand.u32 $0xFFFFFFF0, v6;
	v13 =	vld [tilespmem:s28+$0x8020]  }
0x30d: {  	v7 =	vor.u32 v1, v7;
	v8 =	vor.u32 v1, v8;
	v9 =	vor.u32 v1, v9;
	v11 =	vld [tilespmem:s28+$0x8030]  }
0x30e: {  	v17 =	vor.u32 v1, v10;
	v4 =	vor.u32 v1, v4;
	v16 =	vmul.f32 $3.200000000e+02, v3;
	v15 =	vld [tilespmem:s28+$0x8040]  }
0x30f: {  	v3 =	vor.u32 v1, v6;
	v5 =	vmul.f32 $3.200000000e+02, v5;
	v18 =	vld [tilespmem:s28+$0x8050]  }
0x310: {  	v6 =	vtrunc.f32 v16;
	v10 =	vmul.f32 $3.200000000e+02, v12;
	v12 =	vld [tilespmem:s28+$0x8060]  }
.Ltmp11:
0x311: {  	v16 =	vcvt.f32.s32 v6;
	v13 =	vmul.f32 $3.200000000e+02, v13;
	[tilespmem:v14+s19+$0x0] =	vst.idx.add.f32.msk $0xffff, v2;
	(pc) =	sbr.rel @p0 .LBB2_24-.Ltmp11, $4  }
0x312: {  	v6 =	vtrunc.f32 v5;
	v14 =	vmul.f32 $3.200000000e+02, v11;
	[tilespmem:v7+s19+$0x0] =	vst.idx.add.f32.msk $0xffff, v2  }
0x313: {  	v7 =	vtrunc.f32 v10;
	v5 =	vand.u32 $0xFFFFFFF0, v16;
	v10 =	vmul.f32 $3.200000000e+02, v15;
	[tilespmem:v8+s19+$0x0] =	vst.idx.add.f32.msk $0xffff, v2  }
0x314: {  	v8 =	vtrunc.f32 v13;
	v5 =	vor.u32 v1, v5;
	v11 =	vmul.f32 $3.200000000e+02, v18;
	[tilespmem:v9+s19+$0x0] =	vst.idx.add.f32.msk $0xffff, v2  }
0x315: {  	s25 =	sadd.s32 $0x400, s25;
	s26 =	sadd.s32 $0x4, s26;
	v9 =	vtrunc.f32 v14;
	v12 =	vmul.f32 $3.200000000e+02, v12;
	[tilespmem:v17+s19+$0x0] =	vst.idx.add.f32.msk $0xffff, v2  }
0x316: {  	v10 =	vtrunc.f32 v10;
	v6 =	vcvt.f32.s32 v6  }
0x317: {  	v11 =	vtrunc.f32 v11;
	v7 =	vcvt.f32.s32 v7  }
0x318: {  	v8 =	vcvt.f32.s32 v8;
	v9 =	vcvt.f32.s32 v9;
	v6 =	vand.u32 $0xFFFFFFF0, v6  }
0x319: {  	v12 =	vtrunc.f32 v12;
	v7 =	vand.u32 $0xFFFFFFF0, v7;
	v6 =	vor.u32 v1, v6  }
0x31a: {  	v10 =	vcvt.f32.s32 v10;
	v8 =	vand.u32 $0xFFFFFFF0, v8;
	v7 =	vor.u32 v1, v7  }
0x31b: {  	[tilespmem:v4+s19+$0x0] =	vst.idx.add.f32.msk $0xffff, v2;
	v16 =	vcvt.f32.s32 v11;
	v9 =	vand.u32 $0xFFFFFFF0, v9;
	v8 =	vor.u32 v1, v8  }
0x31c: {  	[tilespmem:v3+s19+$0x0] =	vst.idx.add.f32.msk $0xffff, v2;
	v3 =	vcvt.f32.s32 v12;
	v10 =	vand.u32 $0xFFFFFFF0, v10;
	v9 =	vor.u32 v1, v9  }
0x31d: {  	[tilespmem:v5+s19+$0x0] =	vst.idx.add.f32.msk $0xffff, v2;
	v4 =	vand.u32 $0xFFFFFFF0, v16;
	v17 =	vor.u32 v1, v10  }
0x31e: {  	v3 =	vand.u32 $0xFFFFFFF0, v3;
	v4 =	vor.u32 v1, v4;
	[tilespmem:v6+s19+$0x0] =	vst.idx.add.f32.msk $0xffff, v2  }
0x31f: {  	v3 =	vor.u32 v1, v3;
	[tilespmem:v7+s19+$0x0] =	vst.idx.add.f32.msk $0xffff, v2  }
0x320: {  	[tilespmem:v8+s19+$0x0] =	vst.idx.add.f32.msk $0xffff, v2  }
0x321: {  	[tilespmem:v9+s19+$0x0] =	vst.idx.add.f32.msk $0xffff, v2  }
0x322: {  	[tilespmem:v17+s19+$0x0] =	vst.idx.add.f32.msk $0xffff, v2  }
0x323: {  	[tilespmem:v4+s19+$0x0] =	vst.idx.add.f32.msk $0xffff, v2  }
0x324: {  	[tilespmem:v3+s19+$0x0] =	vst.idx.add.f32.msk $0xffff, v2  }
0x325: {  	v3 =	vld [tilespmem:$0x10000]  }
0x326: {  	v4 =	vld [tilespmem:$0x10010]  }
0x327: {  	v5 =	vld [tilespmem:$0x10020]  }
0x328: {  	v6 =	vld [tilespmem:$0x10030]  }
0x329: {  	v7 =	vld [tilespmem:$0x10040]  }
0x32a: {  	(xrf2) =	vadd.scan.msk.f32 $0xffff, v3;
	v3 =	vld [tilespmem:$0x10050]  }
0x32b: {  	v18 =	vld [tilespmem:$0x10060];
	(xrf2) =	vadd.scan.msk.f32 $0xffff, v4  }
0x32c: {  	v19 =	vld [tilespmem:$0x10070];
	(xrf2) =	vadd.scan.msk.f32 $0xffff, v5  }
0x32d: {  	v20 =	vld [tilespmem:$0x10080];
	(xrf2) =	vadd.scan.msk.f32 $0xffff, v6  }
0x32e: {  	v21 =	vld [tilespmem:$0x10090];
	(xrf2) =	vadd.scan.msk.f32 $0xffff, v7  }
0x32f: {  	(xrf2) =	vadd.scan.msk.f32 $0xffff, v3;
	v3 =	vld [tilespmem:$0x100A0]  }
0x330: {  	v22 =	vld [tilespmem:$0x100B0];
	(xrf2) =	vadd.scan.msk.f32 $0xffff, v18  }
0x331: {  	v23 =	vld [tilespmem:$0x100C0];
	(xrf2) =	vadd.scan.msk.f32 $0xffff, v19  }
0x332: {  	v24 =	vld [tilespmem:$0x100D0];
	(xrf2) =	vadd.scan.msk.f32 $0xffff, v20  }
0x333: {  	v25 =	vld [tilespmem:$0x100E0];
	(xrf2) =	vadd.scan.msk.f32 $0xffff, v21  }
0x334: {  	v26, _, _ =	vpop (xrf2);
	(xrf2) =	vadd.scan.msk.f32 $0xffff, v3;
	v3 =	vld [tilespmem:$0x100F0]  }
0x335: {  	v28 =	vld [tilespmem:$0x10100];
	v27, _, _ =	vpop (xrf2);
	(xrf2) =	vadd.scan.msk.f32 $0xffff, v22  }
0x336: {  	v30 =	vld [tilespmem:$0x10110];
	v29, _, _ =	vpop (xrf2);
	(xrf2) =	vadd.scan.msk.f32 $0xffff, v23  }
0x337: {  	v32 =	vld [tilespmem:$0x10120];
	v31, _, _ =	vpop (xrf2);
	(xrf2) =	vadd.scan.msk.f32 $0xffff, v24  }
0x338: {  	v34 =	vld [tilespmem:$0x10130];
	v8 =	vbroadcast v26, $0xF;
	v9 =	vbroadcast v27, $0xF;
	v33, _, _ =	vpop (xrf2);
	(xrf2) =	vadd.scan.msk.f32 $0xffff, v25  }
0x339: {  	v35 =	vbroadcast v29, $0xF;
	v13, _, _ =	vpop (xrf2);
	(xrf2) =	vadd.scan.msk.f32 $0xffff, v3  }
0x33a: {  	v8 =	vsel vm0, v8, v9;
	v36 =	vbroadcast v31, $0xF;
	v3, _, _ =	vpop (xrf2);
	(xrf2) =	vadd.scan.msk.f32 $0xffff, v28  }
0x33b: {  	v4 =	vsel vm1, v8, v35;
	v38 =	vbroadcast v33, $0xF;
	v37, _, _ =	vpop (xrf2);
	(xrf2) =	vadd.scan.msk.f32 $0xffff, v30  }
0x33c: {  	v4 =	vsel vm2, v4, v36;
	v40 =	vbroadcast v13, $0xF;
	v39, _, _ =	vpop (xrf2);
	(xrf2) =	vadd.scan.msk.f32 $0xffff, v32  }
0x33d: {  	v4 =	vsel vm3, v4, v38;
	v3 =	vbroadcast v3, $0xF;
	v41, _, _ =	vpop (xrf2);
	(xrf2) =	vadd.scan.msk.f32 $0xffff, v34  }
0x33e: {  	v4 =	vsel vm4, v4, v40;
	v44 =	vbroadcast v37, $0xF;
	v42, _, _ =	vpop (xrf2)  }
0x33f: {  	v3 =	vsel vm5, v4, v3;
	v46 =	vbroadcast v39, $0xF;
	v43, _, _ =	vpop (xrf2)  }
0x340: {  	v3 =	vsel vm6, v3, v44;
	v48 =	vbroadcast v41, $0xF;
	v45, _, _ =	vpop (xrf2)  }
0x341: {  	v3 =	vsel vm7, v3, v46;
	v50 =	vbroadcast v42, $0xF;
	v47, _, _ =	vpop (xrf2)  }
0x342: {  	v3 =	vsel vm8, v3, v48;
	v5 =	vbroadcast v43, $0xF;
	v49, _, _ =	vpop (xrf2)  }
0x343: {  	v3 =	vsel vm9, v3, v50;
	v53 =	vbroadcast v45, $0xF;
	v51, _, _ =	vpop (xrf2)  }
0x344: {  	v3 =	vsel vm10, v3, v5;
	v55 =	vbroadcast v47, $0xF;
	v52, _, _ =	vpop (xrf2)  }
0x345: {  	v3 =	vsel vm11, v3, v53;
	v57 =	vbroadcast v49, $0xF;
	v54, _, _ =	vpop (xrf2);
	v6 =	vbroadcast v52, $0xF  }
0x346: {  	vm15 =	vcmask $0x310;
	v3 =	vsel vm12, v3, v55;
	v56, _, _ =	vpop (xrf2);
	v58 =	vbroadcast v54, $0xF  }
0x347: {  	v3 =	vsel vm13, v3, v57;
	v59 =	vnsel vm0, $0x0, v6;
	v60 =	vbroadcast v56, $0xF;
	v61, _, _ =	vpop (xrf2)  }
0x348: {  	v62 =	vsel vm15, v59, v58;
	v63 =	vbroadcast v61, $0xF;
	vm15 =	vcmask $0x710  }
0x349: {  	s23 =	sadd.s32 $0x1, s23;
	v3 =	vsel vm14, v3, v51;
	v4 =	vsel vm15, v62, v60;
	vm15 =	vcmask $0xB10  }
0x34a: {  	p0 =	sne.s32 s23, s16;
	[tilespmem:$0x10180] =	vst v3;
	v4 =	vsel vm15, v4, v63  }
.Ltmp12:
0x34b: {  	[tilespmem:$0x10190] =	vst v4;
	(pc) =	sbr.rel @p0 .LBB2_1-.Ltmp12, $4  }
0x34c: {  	[hbm4b:s15+s2] =	stream.linear.scatter [tilespmem:s21], [sflag:$0x3], $0x80, $0x38;
	[tilespmem:$0x10200] =	vst v63  }
0x34d: {  	_ =	swait.ge [sflag:s22], $0x80  }
0x34e: {  	[sflag:s22] =	ssyncset.done $0x0  }
0x34f: {  	[sflag:s22] =	ssyncadd.s32 $0xFFFFFF80  }
0x350: {  	_ =	sfence.sel $0x180000  }
0x351: {  	[bflag:$0x0] =	sbarrier.arrive $0xFFFF  }
0x352: {  	p0 =	sne.s32 s0, $0x0;
	_ =	strace $0x90000047  }
0x353: {  	s0 =	sadd.s32 @!p0 $0x100000, s1;
	[bflag:$0x2] =	sbarrier.arrive $0xFFFF  }
0x354: {  	[sflag:s0] =	ssyncadd.tile.s32 @!p0 $0x1;
	_ =	shalt  }
.Lfunc_end2:
_tile_overlayer_lowered:
.L_overlay_start_2:
0x355: {  	(tag) =	ssettag $0x2  }
0x356: {  	s0 =	rddreg [dreg:$0x0];
	s2 =	stileid.u32  }
0x357: {  	s1 =	rddreg [dreg:$0x1];
	p0 =	sne.s32 s2, $0x0  }
0x358: {  	s3 =	rddreg [dreg:$0x2];
	[bflag:$0x3] =	sbarrier.arrive $0xFFFF;
	s2 =	simm.s32 @!p0 $0x1C03  }
0x359: {  	[timem:s3], [sflag:s2] =	dma.local @!p0 [hbm:s0], s1  }
0x35a: {  	s0 =	simm.s32 @!p0 $0x3  }
0x35b: {  	_ =	swait.ge @!p0 [sflag:s0], s1  }
0x35c: {  	s1 =	ssub.s32 @!p0 $0x0, s1;
	[sflag:s0] =	ssyncset.done @!p0 $0x0  }
0x35d: {  	[sflag:s0] =	ssyncadd.s32 @!p0 s1  }
0x35e: {  	[bflag:$0x3] =	sbarrier.arrive $0xFFFF  }
0x35f: {  	_ =	shalt  }

</sc_bundles>
